<compile_context>
chip_gen: v7x
topology: tpu7x:2x2x1
jax: 0.10.2.dev20260603
libtpu: 0.0.44.dev20260713+nightly
codegen_flags: <defaults>
</compile_context>

<pallas_src>
import functools

import jax
import jax.numpy as jnp
from jax import lax
from jax.experimental import pallas as pl
from jax.experimental.pallas import tpu as pltpu
from jax.experimental.pallas import tpu_sc as plsc

HID = 128
SEQ = 200
EPS = 1e-12
NUM_CORES = 2
NUM_SUBCORES = 16
NW = NUM_CORES * NUM_SUBCORES
LANES = 16
VPR = HID // LANES
CHUNK = 128
UNROLL = 4


def _lane_sum(v, perms):
    for p in perms:
        v = v + v.at[p].get(mode=lax.GatherScatterMode.PROMISE_IN_BOUNDS)
    return v


def _rsqrt(x):
    i = lax.bitcast_convert_type(x, jnp.int32)
    i = jnp.int32(0x5F3759DF) - lax.shift_right_logical(i, 1)
    y = lax.bitcast_convert_type(i, jnp.float32)
    half = x * 0.5
    for _ in range(3):
        y = y * (1.5 - half * y * y)
    return y


def _worker_id():
    return lax.axis_index("s") * NUM_CORES + lax.axis_index("c")


def _body(tok_hbm, seg_hbm, word_hbm, pt_hbm, gam_hbm, bet_hbm, out_hbm,
          tok0, tok1, eidx0, eidx1, w0, w1, e0, e1, gbuf, bbuf,
          sem_t0, sem_t1, sem_s0, sem_s1, sem_w0, sem_w1,
          sem_e0, sem_e1, sem_o0, sem_o1):
    toks = (tok0, tok1)
    eidxs = (eidx0, eidx1)
    ws = (w0, w1)
    es = (e0, e1)
    sem_t = (sem_t0, sem_t1)
    sem_s = (sem_s0, sem_s1)
    sem_w = (sem_w0, sem_w1)
    sem_e = (sem_e0, sem_e1)
    sem_o = (sem_o0, sem_o1)

    n_total = out_hbm.shape[0]
    rows_per_w = n_total // NW
    n_chunks = rows_per_w // CHUNK

    wid = _worker_id()
    base = wid * rows_per_w

    pltpu.sync_copy(gam_hbm, gbuf)
    pltpu.sync_copy(bet_hbm, bbuf)
    gam = [gbuf[pl.ds(LANES * j, LANES)] for j in range(VPR)]
    bet = [bbuf[pl.ds(LANES * j, LANES)] for j in range(VPR)]
    iota = lax.iota(jnp.int32, LANES)
    perms = [lax.bitwise_xor(iota, jnp.int32(k)) for k in (8, 4, 2, 1)]

    def issue_idx(c, s):
        cb = base + c * CHUNK
        pltpu.async_copy(tok_hbm.at[pl.ds(cb, CHUNK)], toks[s], sem_t[s])
        pltpu.async_copy(seg_hbm.at[pl.ds(cb, CHUNK)], eidxs[s], sem_s[s])

    def wait_idx(s):
        pltpu.make_async_copy(
            tok_hbm.at[pl.ds(0, CHUNK)], toks[s], sem_t[s]).wait()
        pltpu.make_async_copy(
            seg_hbm.at[pl.ds(0, CHUNK)], eidxs[s], sem_s[s]).wait()

    def compute_eidx(c, s):
        cb = base + c * CHUNK
        for i in range(CHUNK // LANES):
            seg_v = eidxs[s][pl.ds(i * LANES, LANES)]
            l_v = lax.rem(cb + i * LANES + iota, jnp.int32(SEQ))
            eidxs[s][pl.ds(i * LANES, LANES)] = seg_v * SEQ + l_v

    def issue_gathers(s):
        pltpu.async_copy(word_hbm.at[toks[s]], ws[s], sem_w[s])
        pltpu.async_copy(pt_hbm.at[eidxs[s]], es[s], sem_e[s])

    def wait_gathers(s):
        pltpu.make_async_copy(
            word_hbm.at[pl.ds(0, CHUNK)], ws[s], sem_w[s]).wait()
        pltpu.make_async_copy(
            word_hbm.at[pl.ds(0, CHUNK)], es[s], sem_e[s]).wait()

    def issue_out(c, s):
        cb = base + c * CHUNK
        pltpu.async_copy(ws[s], out_hbm.at[pl.ds(cb, CHUNK)], sem_o[s])

    def wait_out(s):
        pltpu.make_async_copy(
            ws[s], out_hbm.at[pl.ds(0, CHUNK)], sem_o[s]).wait()

    def layernorm_chunk(s):
        wb, eb = ws[s], es[s]

        @plsc.parallel_loop(0, CHUNK, step=1, unroll=UNROLL)
        def row_body(r):
            x = [wb[r, pl.ds(LANES * j, LANES)]
                 + eb[r, pl.ds(LANES * j, LANES)] for j in range(VPR)]
            ssum = x[0]
            sq = x[0] * x[0]
            for j in range(1, VPR):
                ssum = ssum + x[j]
                sq = sq + x[j] * x[j]
            mu_v = _lane_sum(ssum, perms) * (1.0 / HID)
            ms_v = _lane_sum(sq, perms) * (1.0 / HID)
            rstd_v = _rsqrt(ms_v - mu_v * mu_v + EPS)
            for j in range(VPR):
                wb[r, pl.ds(LANES * j, LANES)] = (
                    (x[j] - mu_v) * rstd_v * gam[j] + bet[j])

    issue_idx(0, 0)
    issue_idx(1, 1)
    wait_idx(0)
    compute_eidx(0, 0)
    issue_gathers(0)

    def step(c, s):
        @pl.when(c + 1 <= n_chunks - 1)
        def _():
            o = 1 - s
            wait_idx(o)
            compute_eidx(c + 1, o)

            @pl.when(c >= 1)
            def _():
                wait_out(o)
            issue_gathers(o)

        wait_gathers(s)

        @pl.when(c + 2 <= n_chunks - 1)
        def _():
            issue_idx(c + 2, s)

        layernorm_chunk(s)
        issue_out(c, s)

    def pair_body(g, carry):
        step(2 * g, 0)
        step(2 * g + 1, 1)
        return carry

    lax.fori_loop(0, n_chunks // 2, pair_body, 0)
    wait_out(0)
    wait_out(1)


def _make_kernel(n_total, interpret=False):
    mesh = plsc.VectorSubcoreMesh(
        core_axis_name="c", subcore_axis_name="s",
        num_cores=NUM_CORES, num_subcores=NUM_SUBCORES)
    return functools.partial(
        pl.kernel,
        out_type=jax.ShapeDtypeStruct((n_total, HID), jnp.float32),
        mesh=mesh,
        scratch_types=[
            pltpu.VMEM((CHUNK,), jnp.int32),
            pltpu.VMEM((CHUNK,), jnp.int32),
            pltpu.VMEM((CHUNK,), jnp.int32),
            pltpu.VMEM((CHUNK,), jnp.int32),
            pltpu.VMEM((CHUNK, HID), jnp.float32),
            pltpu.VMEM((CHUNK, HID), jnp.float32),
            pltpu.VMEM((CHUNK, HID), jnp.float32),
            pltpu.VMEM((CHUNK, HID), jnp.float32),
            pltpu.VMEM((HID,), jnp.float32),
            pltpu.VMEM((HID,), jnp.float32),
        ] + [pltpu.SemaphoreType.DMA] * 10,
        interpret=interpret,
    )(_body)


@jax.jit
def kernel(tokens, segments, word_emb, pos_emb, type_emb, gamma, beta):
    b, l = tokens.shape
    n_total = b * l
    tok = tokens.reshape(n_total).astype(jnp.int32)
    seg = segments.reshape(n_total).astype(jnp.int32)
    pt = (type_emb[:, None, :] + pos_emb[None, :l, :]).reshape(2 * l, HID)
    out = _make_kernel(n_total)(
        tok, seg, word_emb, pt,
        gamma.astype(jnp.float32), beta.astype(jnp.float32))
    return out.reshape(b, l, HID)

# --- scband reference (transcript-rebuilt; emitter-appended) ---
"""Pipeline reference for scband-bert-embeddings-72481868087998 (READ-ONLY COPY).

The authoritative reference and input builder live on the scoring server;
editing this copy changes nothing except your own understanding.
"""

import jax, jax.numpy as jnp
import numpy as np

VOCAB = 100000
HID = 128
MAX_LEN = 512
B = 4096
L = 200
EPS = 1e-12

def setup_inputs(seed: int = 0) -> dict:
    key = jax.random.key(seed)
    k1, k2, k3, k4, k5 = jax.random.split(key, 5)
    tokens = jax.random.randint(k1, (B, L), 0, VOCAB, dtype=jnp.int64 if jax.config.jax_enable_x64 else jnp.int32)
    segments = jax.random.randint(k2, (B, L), 0, 2, dtype=jnp.int64 if jax.config.jax_enable_x64 else jnp.int32)
    word_emb = jax.random.normal(k3, (VOCAB, HID), dtype=jnp.float32) * 0.02
    pos_emb = jax.random.normal(k4, (MAX_LEN, HID), dtype=jnp.float32) * 0.02
    type_emb = jax.random.normal(k5, (2, HID), dtype=jnp.float32) * 0.02
    gamma = jnp.ones((HID,), dtype=jnp.float32)
    beta = jnp.zeros((HID,), dtype=jnp.float32)
    return {"tokens": tokens, "segments": segments, "word_emb": word_emb,
            "pos_emb": pos_emb, "type_emb": type_emb, "gamma": gamma, "beta": beta}

def _layernorm(x, gamma, beta):
    mu = jnp.mean(x, axis=-1, keepdims=True)
    var = jnp.mean((x - mu) ** 2, axis=-1, keepdims=True)
    xhat = (x - mu) / jnp.sqrt(var + EPS)
    return xhat * gamma + beta

def reference(tokens, segments, word_emb, pos_emb, type_emb, gamma, beta):
    X = jnp.take(word_emb, tokens, axis=0) + jnp.take(type_emb, segments, axis=0)
    X = X + pos_emb[:X.shape[1], :]
    X = _layernorm(X, gamma, beta)
    # dropout is identity in eval mode
    return X

if __name__ == "__main__":
    import jax
    _d = setup_inputs()
    print(jax.jit(kernel)(*tuple(_d.values())))

</pallas_src>

<mosaic_0001>
#map = affine_map<(d0, d1) -> (0)>
#map1 = affine_map<(d0, d1) -> (0, 0)>
module attributes {stable_mosaic.version = 14 : i64} {
  func.func @_body(%arg0: i32, %arg1: i32, %arg2: memref<819200xi32, #tpu.memory_space<hbm>>, %arg3: memref<819200xi32, #tpu.memory_space<hbm>>, %arg4: memref<100000x128xf32, #tpu.memory_space<hbm>>, %arg5: memref<400x128xf32, #tpu.memory_space<hbm>>, %arg6: memref<128xf32, #tpu.memory_space<hbm>>, %arg7: memref<128xf32, #tpu.memory_space<hbm>>, %arg8: memref<819200x128xf32, #tpu.memory_space<hbm>>, %arg9: memref<128xi32, #tpu.memory_space<vmem>>, %arg10: memref<128xi32, #tpu.memory_space<vmem>>, %arg11: memref<128xi32, #tpu.memory_space<vmem>>, %arg12: memref<128xi32, #tpu.memory_space<vmem>>, %arg13: memref<128x128xf32, #tpu.memory_space<vmem>>, %arg14: memref<128x128xf32, #tpu.memory_space<vmem>>, %arg15: memref<128x128xf32, #tpu.memory_space<vmem>>, %arg16: memref<128x128xf32, #tpu.memory_space<vmem>>, %arg17: memref<128xf32, #tpu.memory_space<vmem>>, %arg18: memref<128xf32, #tpu.memory_space<vmem>>, %arg19: memref<!tpu.dma_semaphore, #tpu.memory_space<semaphore_mem>>, %arg20: memref<!tpu.dma_semaphore, #tpu.memory_space<semaphore_mem>>, %arg21: memref<!tpu.dma_semaphore, #tpu.memory_space<semaphore_mem>>, %arg22: memref<!tpu.dma_semaphore, #tpu.memory_space<semaphore_mem>>, %arg23: memref<!tpu.dma_semaphore, #tpu.memory_space<semaphore_mem>>, %arg24: memref<!tpu.dma_semaphore, #tpu.memory_space<semaphore_mem>>, %arg25: memref<!tpu.dma_semaphore, #tpu.memory_space<semaphore_mem>>, %arg26: memref<!tpu.dma_semaphore, #tpu.memory_space<semaphore_mem>>, %arg27: memref<!tpu.dma_semaphore, #tpu.memory_space<semaphore_mem>>, %arg28: memref<!tpu.dma_semaphore, #tpu.memory_space<semaphore_mem>>) attributes {dimension_semantics = [#tpu.dimension_semantics<core_parallel>, #tpu.dimension_semantics<subcore_parallel>], iteration_bounds = array<i64: 2, 16>, scalar_prefetch = 0 : i64, scratch_operands = 20 : i64, tpu.core_type = #tpu.core_type<sc_vector_subcore>, window_params = [{transform_indices = #map}, {transform_indices = #map}, {transform_indices = #map1}, {transform_indices = #map1}, {transform_indices = #map}, {transform_indices = #map}, {transform_indices = #map1}]} {
    %mul3A = arith.constant 2 : i32
    %mul3A_0 = arith.muli %arg1, %mul3A : i32
    %add3A = arith.addi %mul3A_0, %arg0 : i32
    %mul3A_1 = arith.constant 25600 : i32
    %mul3A_2 = arith.muli %add3A, %mul3A_1 : i32
    "tpu.region"() ({
      %run_scoped3A = tpu.sem_alloc : memref<!tpu.dma_semaphore, #tpu.memory_space<semaphore_mem>>
      tpu.enqueue_dma source(%arg6 : memref<128xf32, #tpu.memory_space<hbm>>) target(%arg17 : memref<128xf32, #tpu.memory_space<vmem>>) target_semaphore(%run_scoped3A : memref<!tpu.dma_semaphore, #tpu.memory_space<semaphore_mem>>)
      tpu.wait_dma2 semaphore(%run_scoped3A : memref<!tpu.dma_semaphore, #tpu.memory_space<semaphore_mem>>) src(%arg6 : memref<128xf32, #tpu.memory_space<hbm>>) dst(%arg17 : memref<128xf32, #tpu.memory_space<vmem>>)
      tpu.yield
    }) : () -> ()
    "tpu.region"() ({
      %run_scoped3A = tpu.sem_alloc : memref<!tpu.dma_semaphore, #tpu.memory_space<semaphore_mem>>
      tpu.enqueue_dma source(%arg7 : memref<128xf32, #tpu.memory_space<hbm>>) target(%arg18 : memref<128xf32, #tpu.memory_space<vmem>>) target_semaphore(%run_scoped3A : memref<!tpu.dma_semaphore, #tpu.memory_space<semaphore_mem>>)
      tpu.wait_dma2 semaphore(%run_scoped3A : memref<!tpu.dma_semaphore, #tpu.memory_space<semaphore_mem>>) src(%arg7 : memref<128xf32, #tpu.memory_space<hbm>>) dst(%arg18 : memref<128xf32, #tpu.memory_space<vmem>>)
      tpu.yield
    }) : () -> ()
    %get3A = arith.constant 0 : index
    %get3A_3 = tpu.vector_load %arg17[%get3A] {strides = array<i32>} : memref<128xf32, #tpu.memory_space<vmem>>, vector<16xf32>,
    %get3A_4 = vector.shape_cast %get3A_3 : vector<16xf32> to vector<16xf32>
    %get3A_5 = arith.constant 16 : index
    %get3A_6 = tpu.vector_load %arg17[%get3A_5] {strides = array<i32>} : memref<128xf32, #tpu.memory_space<vmem>>, vector<16xf32>,
    %get3A_7 = vector.shape_cast %get3A_6 : vector<16xf32> to vector<16xf32>
    %get3A_8 = arith.constant 32 : index
    %get3A_9 = tpu.vector_load %arg17[%get3A_8] {strides = array<i32>} : memref<128xf32, #tpu.memory_space<vmem>>, vector<16xf32>,
    %get3A_10 = vector.shape_cast %get3A_9 : vector<16xf32> to vector<16xf32>
    %get3A_11 = arith.constant 48 : index
    %get3A_12 = tpu.vector_load %arg17[%get3A_11] {strides = array<i32>} : memref<128xf32, #tpu.memory_space<vmem>>, vector<16xf32>,
    %get3A_13 = vector.shape_cast %get3A_12 : vector<16xf32> to vector<16xf32>
    %get3A_14 = arith.constant 64 : index
    %get3A_15 = tpu.vector_load %arg17[%get3A_14] {strides = array<i32>} : memref<128xf32, #tpu.memory_space<vmem>>, vector<16xf32>,
    %get3A_16 = vector.shape_cast %get3A_15 : vector<16xf32> to vector<16xf32>
    %get3A_17 = arith.constant 80 : index
    %get3A_18 = tpu.vector_load %arg17[%get3A_17] {strides = array<i32>} : memref<128xf32, #tpu.memory_space<vmem>>, vector<16xf32>,
    %get3A_19 = vector.shape_cast %get3A_18 : vector<16xf32> to vector<16xf32>
    %get3A_20 = arith.constant 96 : index
    %get3A_21 = tpu.vector_load %arg17[%get3A_20] {strides = array<i32>} : memref<128xf32, #tpu.memory_space<vmem>>, vector<16xf32>,
    %get3A_22 = vector.shape_cast %get3A_21 : vector<16xf32> to vector<16xf32>
    %get3A_23 = arith.constant 112 : index
    %get3A_24 = tpu.vector_load %arg17[%get3A_23] {strides = array<i32>} : memref<128xf32, #tpu.memory_space<vmem>>, vector<16xf32>,
    %get3A_25 = vector.shape_cast %get3A_24 : vector<16xf32> to vector<16xf32>
    %get3A_26 = arith.constant 0 : index
    %get3A_27 = tpu.vector_load %arg18[%get3A_26] {strides = array<i32>} : memref<128xf32, #tpu.memory_space<vmem>>, vector<16xf32>,
    %get3A_28 = vector.shape_cast %get3A_27 : vector<16xf32> to vector<16xf32>
    %get3A_29 = arith.constant 16 : index
    %get3A_30 = tpu.vector_load %arg18[%get3A_29] {strides = array<i32>} : memref<128xf32, #tpu.memory_space<vmem>>, vector<16xf32>,
    %get3A_31 = vector.shape_cast %get3A_30 : vector<16xf32> to vector<16xf32>
    %get3A_32 = arith.constant 32 : index
    %get3A_33 = tpu.vector_load %arg18[%get3A_32] {strides = array<i32>} : memref<128xf32, #tpu.memory_space<vmem>>, vector<16xf32>,
    %get3A_34 = vector.shape_cast %get3A_33 : vector<16xf32> to vector<16xf32>
    %get3A_35 = arith.constant 48 : index
    %get3A_36 = tpu.vector_load %arg18[%get3A_35] {strides = array<i32>} : memref<128xf32, #tpu.memory_space<vmem>>, vector<16xf32>,
    %get3A_37 = vector.shape_cast %get3A_36 : vector<16xf32> to vector<16xf32>
    %get3A_38 = arith.constant 64 : index
    %get3A_39 = tpu.vector_load %arg18[%get3A_38] {strides = array<i32>} : memref<128xf32, #tpu.memory_space<vmem>>, vector<16xf32>,
    %get3A_40 = vector.shape_cast %get3A_39 : vector<16xf32> to vector<16xf32>
    %get3A_41 = arith.constant 80 : index
    %get3A_42 = tpu.vector_load %arg18[%get3A_41] {strides = array<i32>} : memref<128xf32, #tpu.memory_space<vmem>>, vector<16xf32>,
    %get3A_43 = vector.shape_cast %get3A_42 : vector<16xf32> to vector<16xf32>
    %get3A_44 = arith.constant 96 : index
    %get3A_45 = tpu.vector_load %arg18[%get3A_44] {strides = array<i32>} : memref<128xf32, #tpu.memory_space<vmem>>, vector<16xf32>,
    %get3A_46 = vector.shape_cast %get3A_45 : vector<16xf32> to vector<16xf32>
    %get3A_47 = arith.constant 112 : index
    %get3A_48 = tpu.vector_load %arg18[%get3A_47] {strides = array<i32>} : memref<128xf32, #tpu.memory_space<vmem>>, vector<16xf32>,
    %get3A_49 = vector.shape_cast %get3A_48 : vector<16xf32> to vector<16xf32>
    %iota3A = tpu.iota {dimensions = array<i32: 0>} : vector<16xi32>
    %xor3A = arith.constant 8 : i32
    %xor3A_50 = vector.broadcast %xor3A : i32 to vector<16xi32>
    %xor3A_51 = arith.xori %iota3A, %xor3A_50 : vector<16xi32>
    %xor3A_52 = arith.constant 4 : i32
    %xor3A_53 = vector.broadcast %xor3A_52 : i32 to vector<16xi32>
    %xor3A_54 = arith.xori %iota3A, %xor3A_53 : vector<16xi32>
    %xor3A_55 = arith.constant 2 : i32
    %xor3A_56 = vector.broadcast %xor3A_55 : i32 to vector<16xi32>
    %xor3A_57 = arith.xori %iota3A, %xor3A_56 : vector<16xi32>
    %xor3A_58 = arith.constant 1 : i32
    %xor3A_59 = vector.broadcast %xor3A_58 : i32 to vector<16xi32>
    %xor3A_60 = arith.xori %iota3A, %xor3A_59 : vector<16xi32>
    %add3A_61 = arith.constant 0 : i32
    %add3A_62 = arith.addi %mul3A_2, %add3A_61 : i32
    %dma_start3A = tpu.memref_slice %arg2[%add3A_62] : memref<819200xi32, #tpu.memory_space<hbm>> -> memref<128xi32, #tpu.memory_space<hbm>>
    %dma_start3A_63 = tpu.memref_slice %arg2[%add3A_62] : memref<819200xi32, #tpu.memory_space<hbm>> -> memref<128xi32, #tpu.memory_space<hbm>>
    tpu.enqueue_dma source(%dma_start3A_63 : memref<128xi32, #tpu.memory_space<hbm>>) target(%arg9 : memref<128xi32, #tpu.memory_space<vmem>>) target_semaphore(%arg19 : memref<!tpu.dma_semaphore, #tpu.memory_space<semaphore_mem>>)
    %dma_start3A_64 = tpu.memref_slice %arg3[%add3A_62] : memref<819200xi32, #tpu.memory_space<hbm>> -> memref<128xi32, #tpu.memory_space<hbm>>
    %dma_start3A_65 = tpu.memref_slice %arg3[%add3A_62] : memref<819200xi32, #tpu.memory_space<hbm>> -> memref<128xi32, #tpu.memory_space<hbm>>
    tpu.enqueue_dma source(%dma_start3A_65 : memref<128xi32, #tpu.memory_space<hbm>>) target(%arg11 : memref<128xi32, #tpu.memory_space<vmem>>) target_semaphore(%arg21 : memref<!tpu.dma_semaphore, #tpu.memory_space<semaphore_mem>>)
    %add3A_66 = arith.constant 128 : i32
    %add3A_67 = arith.addi %mul3A_2, %add3A_66 : i32
    %dma_start3A_68 = tpu.memref_slice %arg2[%add3A_67] : memref<819200xi32, #tpu.memory_space<hbm>> -> memref<128xi32, #tpu.memory_space<hbm>>
    %dma_start3A_69 = tpu.memref_slice %arg2[%add3A_67] : memref<819200xi32, #tpu.memory_space<hbm>> -> memref<128xi32, #tpu.memory_space<hbm>>
    tpu.enqueue_dma source(%dma_start3A_69 : memref<128xi32, #tpu.memory_space<hbm>>) target(%arg10 : memref<128xi32, #tpu.memory_space<vmem>>) target_semaphore(%arg20 : memref<!tpu.dma_semaphore, #tpu.memory_space<semaphore_mem>>)
    %dma_start3A_70 = tpu.memref_slice %arg3[%add3A_67] : memref<819200xi32, #tpu.memory_space<hbm>> -> memref<128xi32, #tpu.memory_space<hbm>>
    %dma_start3A_71 = tpu.memref_slice %arg3[%add3A_67] : memref<819200xi32, #tpu.memory_space<hbm>> -> memref<128xi32, #tpu.memory_space<hbm>>
    tpu.enqueue_dma source(%dma_start3A_71 : memref<128xi32, #tpu.memory_space<hbm>>) target(%arg12 : memref<128xi32, #tpu.memory_space<vmem>>) target_semaphore(%arg22 : memref<!tpu.dma_semaphore, #tpu.memory_space<semaphore_mem>>)
    %dma_wait3A = arith.constant 0 : i32
    %dma_wait3A_72 = tpu.memref_slice %arg2[%dma_wait3A] : memref<819200xi32, #tpu.memory_space<hbm>> -> memref<128xi32, #tpu.memory_space<hbm>>
    %dma_wait3A_73 = arith.constant 0 : i32
    %dma_wait3A_74 = tpu.memref_slice %arg2[%dma_wait3A_73] : memref<819200xi32, #tpu.memory_space<hbm>> -> memref<128xi32, #tpu.memory_space<hbm>>
    tpu.wait_dma2 semaphore(%arg19 : memref<!tpu.dma_semaphore, #tpu.memory_space<semaphore_mem>>) src(%dma_wait3A_74 : memref<128xi32, #tpu.memory_space<hbm>>) dst(%arg9 : memref<128xi32, #tpu.memory_space<vmem>>)
    %dma_wait3A_75 = arith.constant 0 : i32
    %dma_wait3A_76 = tpu.memref_slice %arg3[%dma_wait3A_75] : memref<819200xi32, #tpu.memory_space<hbm>> -> memref<128xi32, #tpu.memory_space<hbm>>
    %dma_wait3A_77 = arith.constant 0 : i32
    %dma_wait3A_78 = tpu.memref_slice %arg3[%dma_wait3A_77] : memref<819200xi32, #tpu.memory_space<hbm>> -> memref<128xi32, #tpu.memory_space<hbm>>
    tpu.wait_dma2 semaphore(%arg21 : memref<!tpu.dma_semaphore, #tpu.memory_space<semaphore_mem>>) src(%dma_wait3A_78 : memref<128xi32, #tpu.memory_space<hbm>>) dst(%arg11 : memref<128xi32, #tpu.memory_space<vmem>>)
    %add3A_79 = arith.constant 0 : i32
    %add3A_80 = arith.addi %mul3A_2, %add3A_79 : i32
    %get3A_81 = arith.constant 0 : index
    %get3A_82 = tpu.vector_load %arg11[%get3A_81] {strides = array<i32>} : memref<128xi32, #tpu.memory_space<vmem>>, vector<16xi32>,
    %get3A_83 = vector.shape_cast %get3A_82 : vector<16xi32> to vector<16xi32>
    %add3A_84 = arith.constant 0 : i32
    %add3A_85 = arith.addi %add3A_80, %add3A_84 : i32
    %add3A_86 = vector.broadcast %add3A_85 : i32 to vector<16xi32>
    %add3A_87 = arith.addi %add3A_86, %iota3A : vector<16xi32>
    %rem3A = arith.constant 200 : i32
    %rem3A_88 = vector.broadcast %rem3A : i32 to vector<16xi32>
    %rem3A_89 = arith.remsi %add3A_87, %rem3A_88 : vector<16xi32>
    %mul3A_90 = arith.constant 200 : i32
    %mul3A_91 = vector.broadcast %mul3A_90 : i32 to vector<16xi32>
    %mul3A_92 = arith.muli %get3A_83, %mul3A_91 : vector<16xi32>
    %add3A_93 = arith.addi %mul3A_92, %rem3A_89 : vector<16xi32>
    %swap3A = arith.constant 0 : index
    %swap3A_94 = tpu.vector_load %arg11[%swap3A] {strides = array<i32>} : memref<128xi32, #tpu.memory_space<vmem>>, vector<16xi32>,
    %swap3A_95 = vector.shape_cast %swap3A_94 : vector<16xi32> to vector<16xi32>
    %swap3A_96 = vector.shape_cast %add3A_93 : vector<16xi32> to vector<16xi32>
    tpu.vector_store %arg11[%swap3A], %swap3A_96 {strides = array<i32>} : memref<128xi32, #tpu.memory_space<vmem>>, vector<16xi32>,
    %get3A_97 = arith.constant 16 : index
    %get3A_98 = tpu.vector_load %arg11[%get3A_97] {strides = array<i32>} : memref<128xi32, #tpu.memory_space<vmem>>, vector<16xi32>,
    %get3A_99 = vector.shape_cast %get3A_98 : vector<16xi32> to vector<16xi32>
    %add3A_100 = arith.constant 16 : i32
    %add3A_101 = arith.addi %add3A_80, %add3A_100 : i32
    %add3A_102 = vector.broadcast %add3A_101 : i32 to vector<16xi32>
    %add3A_103 = arith.addi %add3A_102, %iota3A : vector<16xi32>
    %rem3A_104 = arith.constant 200 : i32
    %rem3A_105 = vector.broadcast %rem3A_104 : i32 to vector<16xi32>
    %rem3A_106 = arith.remsi %add3A_103, %rem3A_105 : vector<16xi32>
    %mul3A_107 = arith.constant 200 : i32
    %mul3A_108 = vector.broadcast %mul3A_107 : i32 to vector<16xi32>
    %mul3A_109 = arith.muli %get3A_99, %mul3A_108 : vector<16xi32>
    %add3A_110 = arith.addi %mul3A_109, %rem3A_106 : vector<16xi32>
    %swap3A_111 = arith.constant 16 : index
    %swap3A_112 = tpu.vector_load %arg11[%swap3A_111] {strides = array<i32>} : memref<128xi32, #tpu.memory_space<vmem>>, vector<16xi32>,
    %swap3A_113 = vector.shape_cast %swap3A_112 : vector<16xi32> to vector<16xi32>
    %swap3A_114 = vector.shape_cast %add3A_110 : vector<16xi32> to vector<16xi32>
    tpu.vector_store %arg11[%swap3A_111], %swap3A_114 {strides = array<i32>} : memref<128xi32, #tpu.memory_space<vmem>>, vector<16xi32>,
    %get3A_115 = arith.constant 32 : index
    %get3A_116 = tpu.vector_load %arg11[%get3A_115] {strides = array<i32>} : memref<128xi32, #tpu.memory_space<vmem>>, vector<16xi32>,
    %get3A_117 = vector.shape_cast %get3A_116 : vector<16xi32> to vector<16xi32>
    %add3A_118 = arith.constant 32 : i32
    %add3A_119 = arith.addi %add3A_80, %add3A_118 : i32
    %add3A_120 = vector.broadcast %add3A_119 : i32 to vector<16xi32>
    %add3A_121 = arith.addi %add3A_120, %iota3A : vector<16xi32>
    %rem3A_122 = arith.constant 200 : i32
    %rem3A_123 = vector.broadcast %rem3A_122 : i32 to vector<16xi32>
    %rem3A_124 = arith.remsi %add3A_121, %rem3A_123 : vector<16xi32>
    %mul3A_125 = arith.constant 200 : i32
    %mul3A_126 = vector.broadcast %mul3A_125 : i32 to vector<16xi32>
    %mul3A_127 = arith.muli %get3A_117, %mul3A_126 : vector<16xi32>
    %add3A_128 = arith.addi %mul3A_127, %rem3A_124 : vector<16xi32>
    %swap3A_129 = arith.constant 32 : index
    %swap3A_130 = tpu.vector_load %arg11[%swap3A_129] {strides = array<i32>} : memref<128xi32, #tpu.memory_space<vmem>>, vector<16xi32>,
    %swap3A_131 = vector.shape_cast %swap3A_130 : vector<16xi32> to vector<16xi32>
    %swap3A_132 = vector.shape_cast %add3A_128 : vector<16xi32> to vector<16xi32>
    tpu.vector_store %arg11[%swap3A_129], %swap3A_132 {strides = array<i32>} : memref<128xi32, #tpu.memory_space<vmem>>, vector<16xi32>,
    %get3A_133 = arith.constant 48 : index
    %get3A_134 = tpu.vector_load %arg11[%get3A_133] {strides = array<i32>} : memref<128xi32, #tpu.memory_space<vmem>>, vector<16xi32>,
    %get3A_135 = vector.shape_cast %get3A_134 : vector<16xi32> to vector<16xi32>
    %add3A_136 = arith.constant 48 : i32
    %add3A_137 = arith.addi %add3A_80, %add3A_136 : i32
    %add3A_138 = vector.broadcast %add3A_137 : i32 to vector<16xi32>
    %add3A_139 = arith.addi %add3A_138, %iota3A : vector<16xi32>
    %rem3A_140 = arith.constant 200 : i32
    %rem3A_141 = vector.broadcast %rem3A_140 : i32 to vector<16xi32>
    %rem3A_142 = arith.remsi %add3A_139, %rem3A_141 : vector<16xi32>
    %mul3A_143 = arith.constant 200 : i32
    %mul3A_144 = vector.broadcast %mul3A_143 : i32 to vector<16xi32>
    %mul3A_145 = arith.muli %get3A_135, %mul3A_144 : vector<16xi32>
    %add3A_146 = arith.addi %mul3A_145, %rem3A_142 : vector<16xi32>
    %swap3A_147 = arith.constant 48 : index
    %swap3A_148 = tpu.vector_load %arg11[%swap3A_147] {strides = array<i32>} : memref<128xi32, #tpu.memory_space<vmem>>, vector<16xi32>,
    %swap3A_149 = vector.shape_cast %swap3A_148 : vector<16xi32> to vector<16xi32>
    %swap3A_150 = vector.shape_cast %add3A_146 : vector<16xi32> to vector<16xi32>
    tpu.vector_store %arg11[%swap3A_147], %swap3A_150 {strides = array<i32>} : memref<128xi32, #tpu.memory_space<vmem>>, vector<16xi32>,
    %get3A_151 = arith.constant 64 : index
    %get3A_152 = tpu.vector_load %arg11[%get3A_151] {strides = array<i32>} : memref<128xi32, #tpu.memory_space<vmem>>, vector<16xi32>,
    %get3A_153 = vector.shape_cast %get3A_152 : vector<16xi32> to vector<16xi32>
    %add3A_154 = arith.constant 64 : i32
    %add3A_155 = arith.addi %add3A_80, %add3A_154 : i32
    %add3A_156 = vector.broadcast %add3A_155 : i32 to vector<16xi32>
    %add3A_157 = arith.addi %add3A_156, %iota3A : vector<16xi32>
    %rem3A_158 = arith.constant 200 : i32
    %rem3A_159 = vector.broadcast %rem3A_158 : i32 to vector<16xi32>
    %rem3A_160 = arith.remsi %add3A_157, %rem3A_159 : vector<16xi32>
    %mul3A_161 = arith.constant 200 : i32
    %mul3A_162 = vector.broadcast %mul3A_161 : i32 to vector<16xi32>
    %mul3A_163 = arith.muli %get3A_153, %mul3A_162 : vector<16xi32>
    %add3A_164 = arith.addi %mul3A_163, %rem3A_160 : vector<16xi32>
    %swap3A_165 = arith.constant 64 : index
    %swap3A_166 = tpu.vector_load %arg11[%swap3A_165] {strides = array<i32>} : memref<128xi32, #tpu.memory_space<vmem>>, vector<16xi32>,
    %swap3A_167 = vector.shape_cast %swap3A_166 : vector<16xi32> to vector<16xi32>
    %swap3A_168 = vector.shape_cast %add3A_164 : vector<16xi32> to vector<16xi32>
    tpu.vector_store %arg11[%swap3A_165], %swap3A_168 {strides = array<i32>} : memref<128xi32, #tpu.memory_space<vmem>>, vector<16xi32>,
    %get3A_169 = arith.constant 80 : index
    %get3A_170 = tpu.vector_load %arg11[%get3A_169] {strides = array<i32>} : memref<128xi32, #tpu.memory_space<vmem>>, vector<16xi32>,
    %get3A_171 = vector.shape_cast %get3A_170 : vector<16xi32> to vector<16xi32>
    %add3A_172 = arith.constant 80 : i32
    %add3A_173 = arith.addi %add3A_80, %add3A_172 : i32
    %add3A_174 = vector.broadcast %add3A_173 : i32 to vector<16xi32>
    %add3A_175 = arith.addi %add3A_174, %iota3A : vector<16xi32>
    %rem3A_176 = arith.constant 200 : i32
    %rem3A_177 = vector.broadcast %rem3A_176 : i32 to vector<16xi32>
    %rem3A_178 = arith.remsi %add3A_175, %rem3A_177 : vector<16xi32>
    %mul3A_179 = arith.constant 200 : i32
    %mul3A_180 = vector.broadcast %mul3A_179 : i32 to vector<16xi32>
    %mul3A_181 = arith.muli %get3A_171, %mul3A_180 : vector<16xi32>
    %add3A_182 = arith.addi %mul3A_181, %rem3A_178 : vector<16xi32>
    %swap3A_183 = arith.constant 80 : index
    %swap3A_184 = tpu.vector_load %arg11[%swap3A_183] {strides = array<i32>} : memref<128xi32, #tpu.memory_space<vmem>>, vector<16xi32>,
    %swap3A_185 = vector.shape_cast %swap3A_184 : vector<16xi32> to vector<16xi32>
    %swap3A_186 = vector.shape_cast %add3A_182 : vector<16xi32> to vector<16xi32>
    tpu.vector_store %arg11[%swap3A_183], %swap3A_186 {strides = array<i32>} : memref<128xi32, #tpu.memory_space<vmem>>, vector<16xi32>,
    %get3A_187 = arith.constant 96 : index
    %get3A_188 = tpu.vector_load %arg11[%get3A_187] {strides = array<i32>} : memref<128xi32, #tpu.memory_space<vmem>>, vector<16xi32>,
    %get3A_189 = vector.shape_cast %get3A_188 : vector<16xi32> to vector<16xi32>
    %add3A_190 = arith.constant 96 : i32
    %add3A_191 = arith.addi %add3A_80, %add3A_190 : i32
    %add3A_192 = vector.broadcast %add3A_191 : i32 to vector<16xi32>
    %add3A_193 = arith.addi %add3A_192, %iota3A : vector<16xi32>
    %rem3A_194 = arith.constant 200 : i32
    %rem3A_195 = vector.broadcast %rem3A_194 : i32 to vector<16xi32>
    %rem3A_196 = arith.remsi %add3A_193, %rem3A_195 : vector<16xi32>
    %mul3A_197 = arith.constant 200 : i32
    %mul3A_198 = vector.broadcast %mul3A_197 : i32 to vector<16xi32>
    %mul3A_199 = arith.muli %get3A_189, %mul3A_198 : vector<16xi32>
    %add3A_200 = arith.addi %mul3A_199, %rem3A_196 : vector<16xi32>
    %swap3A_201 = arith.constant 96 : index
    %swap3A_202 = tpu.vector_load %arg11[%swap3A_201] {strides = array<i32>} : memref<128xi32, #tpu.memory_space<vmem>>, vector<16xi32>,
    %swap3A_203 = vector.shape_cast %swap3A_202 : vector<16xi32> to vector<16xi32>
    %swap3A_204 = vector.shape_cast %add3A_200 : vector<16xi32> to vector<16xi32>
    tpu.vector_store %arg11[%swap3A_201], %swap3A_204 {strides = array<i32>} : memref<128xi32, #tpu.memory_space<vmem>>, vector<16xi32>,
    %get3A_205 = arith.constant 112 : index
    %get3A_206 = tpu.vector_load %arg11[%get3A_205] {strides = array<i32>} : memref<128xi32, #tpu.memory_space<vmem>>, vector<16xi32>,
    %get3A_207 = vector.shape_cast %get3A_206 : vector<16xi32> to vector<16xi32>
    %add3A_208 = arith.constant 112 : i32
    %add3A_209 = arith.addi %add3A_80, %add3A_208 : i32
    %add3A_210 = vector.broadcast %add3A_209 : i32 to vector<16xi32>
    %add3A_211 = arith.addi %add3A_210, %iota3A : vector<16xi32>
    %rem3A_212 = arith.constant 200 : i32
    %rem3A_213 = vector.broadcast %rem3A_212 : i32 to vector<16xi32>
    %rem3A_214 = arith.remsi %add3A_211, %rem3A_213 : vector<16xi32>
    %mul3A_215 = arith.constant 200 : i32
    %mul3A_216 = vector.broadcast %mul3A_215 : i32 to vector<16xi32>
    %mul3A_217 = arith.muli %get3A_207, %mul3A_216 : vector<16xi32>
    %add3A_218 = arith.addi %mul3A_217, %rem3A_214 : vector<16xi32>
    %swap3A_219 = arith.constant 112 : index
    %swap3A_220 = tpu.vector_load %arg11[%swap3A_219] {strides = array<i32>} : memref<128xi32, #tpu.memory_space<vmem>>, vector<16xi32>,
    %swap3A_221 = vector.shape_cast %swap3A_220 : vector<16xi32> to vector<16xi32>
    %swap3A_222 = vector.shape_cast %add3A_218 : vector<16xi32> to vector<16xi32>
    tpu.vector_store %arg11[%swap3A_219], %swap3A_222 {strides = array<i32>} : memref<128xi32, #tpu.memory_space<vmem>>, vector<16xi32>,
    %dma_start3A_223 = arith.constant 0 : i32
    %dma_start3A_224 = arith.constant 0 : i32
    %dma_start3A_225 = tpu.memref_slice %arg4[%dma_start3A_223, %dma_start3A_224] : memref<100000x128xf32, #tpu.memory_space<hbm>> -> memref<100000x128xf32, #tpu.memory_space<hbm>>
    tpu.enqueue_indirect_dma source(%dma_start3A_225 : memref<100000x128xf32, #tpu.memory_space<hbm>>) target(%arg13 : memref<128x128xf32, #tpu.memory_space<vmem>>) offsets(%arg9 : memref<128xi32, #tpu.memory_space<vmem>>) semaphore(%arg23 : memref<!tpu.dma_semaphore, #tpu.memory_space<semaphore_mem>>)
    %dma_start3A_226 = arith.constant 0 : i32
    %dma_start3A_227 = arith.constant 0 : i32
    %dma_start3A_228 = tpu.memref_slice %arg5[%dma_start3A_226, %dma_start3A_227] : memref<400x128xf32, #tpu.memory_space<hbm>> -> memref<400x128xf32, #tpu.memory_space<hbm>>
    tpu.enqueue_indirect_dma source(%dma_start3A_228 : memref<400x128xf32, #tpu.memory_space<hbm>>) target(%arg15 : memref<128x128xf32, #tpu.memory_space<vmem>>) offsets(%arg11 : memref<128xi32, #tpu.memory_space<vmem>>) semaphore(%arg25 : memref<!tpu.dma_semaphore, #tpu.memory_space<semaphore_mem>>)
    %scan3A = arith.constant 0 : i32
    %scan3A_229 = arith.constant 0 : i32
    %scan3A_230 = arith.constant 100 : i32
    %scan3A_231 = arith.addi %scan3A_229, %scan3A_230 : i32
    %scan3A_232 = arith.constant 1 : i32
    scf.for %scan3A_246 = %scan3A_229 to %scan3A_231 step %scan3A_232  : i32 {
      %mul3A_247 = arith.constant 2 : i32
      %mul3A_248 = arith.muli %mul3A_247, %scan3A_246 : i32
      %add3A_249 = arith.constant 1 : i32
      %add3A_250 = arith.addi %mul3A_248, %add3A_249 : i32
      %le3A = arith.constant 199 : i32
      %le3A_251 = arith.cmpi sle, %add3A_250, %le3A : i32
      %convert_element_type3A = arith.extui %le3A_251 : i1 to i32
      %cond3A = arith.constant 0 : i32
      %cond3A_252 = arith.cmpi ne, %convert_element_type3A, %cond3A : i32
      scf.if %cond3A_252 {
        %dma_wait3A_321 = arith.constant 0 : i32
        %dma_wait3A_322 = tpu.memref_slice %arg2[%dma_wait3A_321] : memref<819200xi32, #tpu.memory_space<hbm>> -> memref<128xi32, #tpu.memory_space<hbm>>
        %dma_wait3A_323 = arith.constant 0 : i32
        %dma_wait3A_324 = tpu.memref_slice %arg2[%dma_wait3A_323] : memref<819200xi32, #tpu.memory_space<hbm>> -> memref<128xi32, #tpu.memory_space<hbm>>
        tpu.wait_dma2 semaphore(%arg20 : memref<!tpu.dma_semaphore, #tpu.memory_space<semaphore_mem>>) src(%dma_wait3A_324 : memref<128xi32, #tpu.memory_space<hbm>>) dst(%arg10 : memref<128xi32, #tpu.memory_space<vmem>>)
        %dma_wait3A_325 = arith.constant 0 : i32
        %dma_wait3A_326 = tpu.memref_slice %arg3[%dma_wait3A_325] : memref<819200xi32, #tpu.memory_space<hbm>> -> memref<128xi32, #tpu.memory_space<hbm>>
        %dma_wait3A_327 = arith.constant 0 : i32
        %dma_wait3A_328 = tpu.memref_slice %arg3[%dma_wait3A_327] : memref<819200xi32, #tpu.memory_space<hbm>> -> memref<128xi32, #tpu.memory_space<hbm>>
        tpu.wait_dma2 semaphore(%arg22 : memref<!tpu.dma_semaphore, #tpu.memory_space<semaphore_mem>>) src(%dma_wait3A_328 : memref<128xi32, #tpu.memory_space<hbm>>) dst(%arg12 : memref<128xi32, #tpu.memory_space<vmem>>)
        %add3A_329 = arith.constant 1 : i32
        %add3A_330 = arith.addi %mul3A_248, %add3A_329 : i32
        %mul3A_331 = arith.constant 128 : i32
        %mul3A_332 = arith.muli %add3A_330, %mul3A_331 : i32
        %add3A_333 = arith.addi %mul3A_2, %mul3A_332 : i32
        %get3A_334 = arith.constant 0 : index
        %get3A_335 = tpu.vector_load %arg12[%get3A_334] {strides = array<i32>} : memref<128xi32, #tpu.memory_space<vmem>>, vector<16xi32>,
        %get3A_336 = vector.shape_cast %get3A_335 : vector<16xi32> to vector<16xi32>
        %add3A_337 = arith.constant 0 : i32
        %add3A_338 = arith.addi %add3A_333, %add3A_337 : i32
        %add3A_339 = vector.broadcast %add3A_338 : i32 to vector<16xi32>
        %add3A_340 = arith.addi %add3A_339, %iota3A : vector<16xi32>
        %rem3A_341 = arith.constant 200 : i32
        %rem3A_342 = vector.broadcast %rem3A_341 : i32 to vector<16xi32>
        %rem3A_343 = arith.remsi %add3A_340, %rem3A_342 : vector<16xi32>
        %mul3A_344 = arith.constant 200 : i32
        %mul3A_345 = vector.broadcast %mul3A_344 : i32 to vector<16xi32>
        %mul3A_346 = arith.muli %get3A_336, %mul3A_345 : vector<16xi32>
        %add3A_347 = arith.addi %mul3A_346, %rem3A_343 : vector<16xi32>
        %swap3A_348 = arith.constant 0 : index
        %swap3A_349 = tpu.vector_load %arg12[%swap3A_348] {strides = array<i32>} : memref<128xi32, #tpu.memory_space<vmem>>, vector<16xi32>,
        %swap3A_350 = vector.shape_cast %swap3A_349 : vector<16xi32> to vector<16xi32>
        %swap3A_351 = vector.shape_cast %add3A_347 : vector<16xi32> to vector<16xi32>
        tpu.vector_store %arg12[%swap3A_348], %swap3A_351 {strides = array<i32>} : memref<128xi32, #tpu.memory_space<vmem>>, vector<16xi32>,
        %get3A_352 = arith.constant 16 : index
        %get3A_353 = tpu.vector_load %arg12[%get3A_352] {strides = array<i32>} : memref<128xi32, #tpu.memory_space<vmem>>, vector<16xi32>,
        %get3A_354 = vector.shape_cast %get3A_353 : vector<16xi32> to vector<16xi32>
        %add3A_355 = arith.constant 16 : i32
        %add3A_356 = arith.addi %add3A_333, %add3A_355 : i32
        %add3A_357 = vector.broadcast %add3A_356 : i32 to vector<16xi32>
        %add3A_358 = arith.addi %add3A_357, %iota3A : vector<16xi32>
        %rem3A_359 = arith.constant 200 : i32
        %rem3A_360 = vector.broadcast %rem3A_359 : i32 to vector<16xi32>
        %rem3A_361 = arith.remsi %add3A_358, %rem3A_360 : vector<16xi32>
        %mul3A_362 = arith.constant 200 : i32
        %mul3A_363 = vector.broadcast %mul3A_362 : i32 to vector<16xi32>
        %mul3A_364 = arith.muli %get3A_354, %mul3A_363 : vector<16xi32>
        %add3A_365 = arith.addi %mul3A_364, %rem3A_361 : vector<16xi32>
        %swap3A_366 = arith.constant 16 : index
        %swap3A_367 = tpu.vector_load %arg12[%swap3A_366] {strides = array<i32>} : memref<128xi32, #tpu.memory_space<vmem>>, vector<16xi32>,
        %swap3A_368 = vector.shape_cast %swap3A_367 : vector<16xi32> to vector<16xi32>
        %swap3A_369 = vector.shape_cast %add3A_365 : vector<16xi32> to vector<16xi32>
        tpu.vector_store %arg12[%swap3A_366], %swap3A_369 {strides = array<i32>} : memref<128xi32, #tpu.memory_space<vmem>>, vector<16xi32>,
        %get3A_370 = arith.constant 32 : index
        %get3A_371 = tpu.vector_load %arg12[%get3A_370] {strides = array<i32>} : memref<128xi32, #tpu.memory_space<vmem>>, vector<16xi32>,
        %get3A_372 = vector.shape_cast %get3A_371 : vector<16xi32> to vector<16xi32>
        %add3A_373 = arith.constant 32 : i32
        %add3A_374 = arith.addi %add3A_333, %add3A_373 : i32
        %add3A_375 = vector.broadcast %add3A_374 : i32 to vector<16xi32>
        %add3A_376 = arith.addi %add3A_375, %iota3A : vector<16xi32>
        %rem3A_377 = arith.constant 200 : i32
        %rem3A_378 = vector.broadcast %rem3A_377 : i32 to vector<16xi32>
        %rem3A_379 = arith.remsi %add3A_376, %rem3A_378 : vector<16xi32>
        %mul3A_380 = arith.constant 200 : i32
        %mul3A_381 = vector.broadcast %mul3A_380 : i32 to vector<16xi32>
        %mul3A_382 = arith.muli %get3A_372, %mul3A_381 : vector<16xi32>
        %add3A_383 = arith.addi %mul3A_382, %rem3A_379 : vector<16xi32>
        %swap3A_384 = arith.constant 32 : index
        %swap3A_385 = tpu.vector_load %arg12[%swap3A_384] {strides = array<i32>} : memref<128xi32, #tpu.memory_space<vmem>>, vector<16xi32>,
        %swap3A_386 = vector.shape_cast %swap3A_385 : vector<16xi32> to vector<16xi32>
        %swap3A_387 = vector.shape_cast %add3A_383 : vector<16xi32> to vector<16xi32>
        tpu.vector_store %arg12[%swap3A_384], %swap3A_387 {strides = array<i32>} : memref<128xi32, #tpu.memory_space<vmem>>, vector<16xi32>,
        %get3A_388 = arith.constant 48 : index
        %get3A_389 = tpu.vector_load %arg12[%get3A_388] {strides = array<i32>} : memref<128xi32, #tpu.memory_space<vmem>>, vector<16xi32>,
        %get3A_390 = vector.shape_cast %get3A_389 : vector<16xi32> to vector<16xi32>
        %add3A_391 = arith.constant 48 : i32
        %add3A_392 = arith.addi %add3A_333, %add3A_391 : i32
        %add3A_393 = vector.broadcast %add3A_392 : i32 to vector<16xi32>
        %add3A_394 = arith.addi %add3A_393, %iota3A : vector<16xi32>
        %rem3A_395 = arith.constant 200 : i32
        %rem3A_396 = vector.broadcast %rem3A_395 : i32 to vector<16xi32>
        %rem3A_397 = arith.remsi %add3A_394, %rem3A_396 : vector<16xi32>
        %mul3A_398 = arith.constant 200 : i32
        %mul3A_399 = vector.broadcast %mul3A_398 : i32 to vector<16xi32>
        %mul3A_400 = arith.muli %get3A_390, %mul3A_399 : vector<16xi32>
        %add3A_401 = arith.addi %mul3A_400, %rem3A_397 : vector<16xi32>
        %swap3A_402 = arith.constant 48 : index
        %swap3A_403 = tpu.vector_load %arg12[%swap3A_402] {strides = array<i32>} : memref<128xi32, #tpu.memory_space<vmem>>, vector<16xi32>,
        %swap3A_404 = vector.shape_cast %swap3A_403 : vector<16xi32> to vector<16xi32>
        %swap3A_405 = vector.shape_cast %add3A_401 : vector<16xi32> to vector<16xi32>
        tpu.vector_store %arg12[%swap3A_402], %swap3A_405 {strides = array<i32>} : memref<128xi32, #tpu.memory_space<vmem>>, vector<16xi32>,
        %get3A_406 = arith.constant 64 : index
        %get3A_407 = tpu.vector_load %arg12[%get3A_406] {strides = array<i32>} : memref<128xi32, #tpu.memory_space<vmem>>, vector<16xi32>,
        %get3A_408 = vector.shape_cast %get3A_407 : vector<16xi32> to vector<16xi32>
        %add3A_409 = arith.constant 64 : i32
        %add3A_410 = arith.addi %add3A_333, %add3A_409 : i32
        %add3A_411 = vector.broadcast %add3A_410 : i32 to vector<16xi32>
        %add3A_412 = arith.addi %add3A_411, %iota3A : vector<16xi32>
        %rem3A_413 = arith.constant 200 : i32
        %rem3A_414 = vector.broadcast %rem3A_413 : i32 to vector<16xi32>
        %rem3A_415 = arith.remsi %add3A_412, %rem3A_414 : vector<16xi32>
        %mul3A_416 = arith.constant 200 : i32
        %mul3A_417 = vector.broadcast %mul3A_416 : i32 to vector<16xi32>
        %mul3A_418 = arith.muli %get3A_408, %mul3A_417 : vector<16xi32>
        %add3A_419 = arith.addi %mul3A_418, %rem3A_415 : vector<16xi32>
        %swap3A_420 = arith.constant 64 : index
        %swap3A_421 = tpu.vector_load %arg12[%swap3A_420] {strides = array<i32>} : memref<128xi32, #tpu.memory_space<vmem>>, vector<16xi32>,
        %swap3A_422 = vector.shape_cast %swap3A_421 : vector<16xi32> to vector<16xi32>
        %swap3A_423 = vector.shape_cast %add3A_419 : vector<16xi32> to vector<16xi32>
        tpu.vector_store %arg12[%swap3A_420], %swap3A_423 {strides = array<i32>} : memref<128xi32, #tpu.memory_space<vmem>>, vector<16xi32>,
        %get3A_424 = arith.constant 80 : index
        %get3A_425 = tpu.vector_load %arg12[%get3A_424] {strides = array<i32>} : memref<128xi32, #tpu.memory_space<vmem>>, vector<16xi32>,
        %get3A_426 = vector.shape_cast %get3A_425 : vector<16xi32> to vector<16xi32>
        %add3A_427 = arith.constant 80 : i32
        %add3A_428 = arith.addi %add3A_333, %add3A_427 : i32
        %add3A_429 = vector.broadcast %add3A_428 : i32 to vector<16xi32>
        %add3A_430 = arith.addi %add3A_429, %iota3A : vector<16xi32>
        %rem3A_431 = arith.constant 200 : i32
        %rem3A_432 = vector.broadcast %rem3A_431 : i32 to vector<16xi32>
        %rem3A_433 = arith.remsi %add3A_430, %rem3A_432 : vector<16xi32>
        %mul3A_434 = arith.constant 200 : i32
        %mul3A_435 = vector.broadcast %mul3A_434 : i32 to vector<16xi32>
        %mul3A_436 = arith.muli %get3A_426, %mul3A_435 : vector<16xi32>
        %add3A_437 = arith.addi %mul3A_436, %rem3A_433 : vector<16xi32>
        %swap3A_438 = arith.constant 80 : index
        %swap3A_439 = tpu.vector_load %arg12[%swap3A_438] {strides = array<i32>} : memref<128xi32, #tpu.memory_space<vmem>>, vector<16xi32>,
        %swap3A_440 = vector.shape_cast %swap3A_439 : vector<16xi32> to vector<16xi32>
        %swap3A_441 = vector.shape_cast %add3A_437 : vector<16xi32> to vector<16xi32>
        tpu.vector_store %arg12[%swap3A_438], %swap3A_441 {strides = array<i32>} : memref<128xi32, #tpu.memory_space<vmem>>, vector<16xi32>,
        %get3A_442 = arith.constant 96 : index
        %get3A_443 = tpu.vector_load %arg12[%get3A_442] {strides = array<i32>} : memref<128xi32, #tpu.memory_space<vmem>>, vector<16xi32>,
        %get3A_444 = vector.shape_cast %get3A_443 : vector<16xi32> to vector<16xi32>
        %add3A_445 = arith.constant 96 : i32
        %add3A_446 = arith.addi %add3A_333, %add3A_445 : i32
        %add3A_447 = vector.broadcast %add3A_446 : i32 to vector<16xi32>
        %add3A_448 = arith.addi %add3A_447, %iota3A : vector<16xi32>
        %rem3A_449 = arith.constant 200 : i32
        %rem3A_450 = vector.broadcast %rem3A_449 : i32 to vector<16xi32>
        %rem3A_451 = arith.remsi %add3A_448, %rem3A_450 : vector<16xi32>
        %mul3A_452 = arith.constant 200 : i32
        %mul3A_453 = vector.broadcast %mul3A_452 : i32 to vector<16xi32>
        %mul3A_454 = arith.muli %get3A_444, %mul3A_453 : vector<16xi32>
        %add3A_455 = arith.addi %mul3A_454, %rem3A_451 : vector<16xi32>
        %swap3A_456 = arith.constant 96 : index
        %swap3A_457 = tpu.vector_load %arg12[%swap3A_456] {strides = array<i32>} : memref<128xi32, #tpu.memory_space<vmem>>, vector<16xi32>,
        %swap3A_458 = vector.shape_cast %swap3A_457 : vector<16xi32> to vector<16xi32>
        %swap3A_459 = vector.shape_cast %add3A_455 : vector<16xi32> to vector<16xi32>
        tpu.vector_store %arg12[%swap3A_456], %swap3A_459 {strides = array<i32>} : memref<128xi32, #tpu.memory_space<vmem>>, vector<16xi32>,
        %get3A_460 = arith.constant 112 : index
        %get3A_461 = tpu.vector_load %arg12[%get3A_460] {strides = array<i32>} : memref<128xi32, #tpu.memory_space<vmem>>, vector<16xi32>,
        %get3A_462 = vector.shape_cast %get3A_461 : vector<16xi32> to vector<16xi32>
        %add3A_463 = arith.constant 112 : i32
        %add3A_464 = arith.addi %add3A_333, %add3A_463 : i32
        %add3A_465 = vector.broadcast %add3A_464 : i32 to vector<16xi32>
        %add3A_466 = arith.addi %add3A_465, %iota3A : vector<16xi32>
        %rem3A_467 = arith.constant 200 : i32
        %rem3A_468 = vector.broadcast %rem3A_467 : i32 to vector<16xi32>
        %rem3A_469 = arith.remsi %add3A_466, %rem3A_468 : vector<16xi32>
        %mul3A_470 = arith.constant 200 : i32
        %mul3A_471 = vector.broadcast %mul3A_470 : i32 to vector<16xi32>
        %mul3A_472 = arith.muli %get3A_462, %mul3A_471 : vector<16xi32>
        %add3A_473 = arith.addi %mul3A_472, %rem3A_469 : vector<16xi32>
        %swap3A_474 = arith.constant 112 : index
        %swap3A_475 = tpu.vector_load %arg12[%swap3A_474] {strides = array<i32>} : memref<128xi32, #tpu.memory_space<vmem>>, vector<16xi32>,
        %swap3A_476 = vector.shape_cast %swap3A_475 : vector<16xi32> to vector<16xi32>
        %swap3A_477 = vector.shape_cast %add3A_473 : vector<16xi32> to vector<16xi32>
        tpu.vector_store %arg12[%swap3A_474], %swap3A_477 {strides = array<i32>} : memref<128xi32, #tpu.memory_space<vmem>>, vector<16xi32>,
        %ge3A = arith.constant 1 : i32
        %ge3A_478 = arith.cmpi sge, %mul3A_248, %ge3A : i32
        %convert_element_type3A_479 = arith.extui %ge3A_478 : i1 to i32
        %cond3A_480 = arith.constant 0 : i32
        %cond3A_481 = arith.cmpi ne, %convert_element_type3A_479, %cond3A_480 : i32
        scf.if %cond3A_481 {
          %dma_wait3A_488 = arith.constant 0 : i32
          %dma_wait3A_489 = arith.constant 0 : i32
          %dma_wait3A_490 = tpu.memref_slice %arg8[%dma_wait3A_488, %dma_wait3A_489] : memref<819200x128xf32, #tpu.memory_space<hbm>> -> memref<128x128xf32, #tpu.memory_space<hbm>>
          %dma_wait3A_491 = arith.constant 0 : i32
          %dma_wait3A_492 = arith.constant 0 : i32
          %dma_wait3A_493 = tpu.memref_slice %arg8[%dma_wait3A_491, %dma_wait3A_492] : memref<819200x128xf32, #tpu.memory_space<hbm>> -> memref<128x128xf32, #tpu.memory_space<hbm>>
          tpu.wait_dma2 semaphore(%arg28 : memref<!tpu.dma_semaphore, #tpu.memory_space<semaphore_mem>>) src(%arg14 : memref<128x128xf32, #tpu.memory_space<vmem>>) dst(%dma_wait3A_493 : memref<128x128xf32, #tpu.memory_space<hbm>>)
        } else {
        }
        %dma_start3A_482 = arith.constant 0 : i32
        %dma_start3A_483 = arith.constant 0 : i32
        %dma_start3A_484 = tpu.memref_slice %arg4[%dma_start3A_482, %dma_start3A_483] : memref<100000x128xf32, #tpu.memory_space<hbm>> -> memref<100000x128xf32, #tpu.memory_space<hbm>>
        tpu.enqueue_indirect_dma source(%dma_start3A_484 : memref<100000x128xf32, #tpu.memory_space<hbm>>) target(%arg14 : memref<128x128xf32, #tpu.memory_space<vmem>>) offsets(%arg10 : memref<128xi32, #tpu.memory_space<vmem>>) semaphore(%arg24 : memref<!tpu.dma_semaphore, #tpu.memory_space<semaphore_mem>>)
        %dma_start3A_485 = arith.constant 0 : i32
        %dma_start3A_486 = arith.constant 0 : i32
        %dma_start3A_487 = tpu.memref_slice %arg5[%dma_start3A_485, %dma_start3A_486] : memref<400x128xf32, #tpu.memory_space<hbm>> -> memref<400x128xf32, #tpu.memory_space<hbm>>
        tpu.enqueue_indirect_dma source(%dma_start3A_487 : memref<400x128xf32, #tpu.memory_space<hbm>>) target(%arg16 : memref<128x128xf32, #tpu.memory_space<vmem>>) offsets(%arg12 : memref<128xi32, #tpu.memory_space<vmem>>) semaphore(%arg26 : memref<!tpu.dma_semaphore, #tpu.memory_space<semaphore_mem>>)
      } else {
      }
      %dma_wait3A_253 = arith.constant 0 : i32
      %dma_wait3A_254 = arith.constant 0 : i32
      %dma_wait3A_255 = tpu.memref_slice %arg4[%dma_wait3A_253, %dma_wait3A_254] : memref<100000x128xf32, #tpu.memory_space<hbm>> -> memref<128x128xf32, #tpu.memory_space<hbm>>
      %dma_wait3A_256 = arith.constant 0 : i32
      %dma_wait3A_257 = arith.constant 0 : i32
      %dma_wait3A_258 = tpu.memref_slice %arg4[%dma_wait3A_256, %dma_wait3A_257] : memref<100000x128xf32, #tpu.memory_space<hbm>> -> memref<128x128xf32, #tpu.memory_space<hbm>>
      tpu.wait_dma2 semaphore(%arg23 : memref<!tpu.dma_semaphore, #tpu.memory_space<semaphore_mem>>) src(%dma_wait3A_258 : memref<128x128xf32, #tpu.memory_space<hbm>>) dst(%arg13 : memref<128x128xf32, #tpu.memory_space<vmem>>)
      %dma_wait3A_259 = arith.constant 0 : i32
      %dma_wait3A_260 = arith.constant 0 : i32
      %dma_wait3A_261 = tpu.memref_slice %arg4[%dma_wait3A_259, %dma_wait3A_260] : memref<100000x128xf32, #tpu.memory_space<hbm>> -> memref<128x128xf32, #tpu.memory_space<hbm>>
      %dma_wait3A_262 = arith.constant 0 : i32
      %dma_wait3A_263 = arith.constant 0 : i32
      %dma_wait3A_264 = tpu.memref_slice %arg4[%dma_wait3A_262, %dma_wait3A_263] : memref<100000x128xf32, #tpu.memory_space<hbm>> -> memref<128x128xf32, #tpu.memory_space<hbm>>
      tpu.wait_dma2 semaphore(%arg25 : memref<!tpu.dma_semaphore, #tpu.memory_space<semaphore_mem>>) src(%dma_wait3A_264 : memref<128x128xf32, #tpu.memory_space<hbm>>) dst(%arg15 : memref<128x128xf32, #tpu.memory_space<vmem>>)
      %add3A_265 = arith.constant 2 : i32
      %add3A_266 = arith.addi %mul3A_248, %add3A_265 : i32
      %le3A_267 = arith.constant 199 : i32
      %le3A_268 = arith.cmpi sle, %add3A_266, %le3A_267 : i32
      %convert_element_type3A_269 = arith.extui %le3A_268 : i1 to i32
      %cond3A_270 = arith.constant 0 : i32
      %cond3A_271 = arith.cmpi ne, %convert_element_type3A_269, %cond3A_270 : i32
      scf.if %cond3A_271 {
        %add3A_321 = arith.constant 2 : i32
        %add3A_322 = arith.addi %mul3A_248, %add3A_321 : i32
        %mul3A_323 = arith.constant 128 : i32
        %mul3A_324 = arith.muli %add3A_322, %mul3A_323 : i32
        %add3A_325 = arith.addi %mul3A_2, %mul3A_324 : i32
        %dma_start3A_326 = tpu.memref_slice %arg2[%add3A_325] : memref<819200xi32, #tpu.memory_space<hbm>> -> memref<128xi32, #tpu.memory_space<hbm>>
        %dma_start3A_327 = tpu.memref_slice %arg2[%add3A_325] : memref<819200xi32, #tpu.memory_space<hbm>> -> memref<128xi32, #tpu.memory_space<hbm>>
        tpu.enqueue_dma source(%dma_start3A_327 : memref<128xi32, #tpu.memory_space<hbm>>) target(%arg9 : memref<128xi32, #tpu.memory_space<vmem>>) target_semaphore(%arg19 : memref<!tpu.dma_semaphore, #tpu.memory_space<semaphore_mem>>)
        %dma_start3A_328 = tpu.memref_slice %arg3[%add3A_325] : memref<819200xi32, #tpu.memory_space<hbm>> -> memref<128xi32, #tpu.memory_space<hbm>>
        %dma_start3A_329 = tpu.memref_slice %arg3[%add3A_325] : memref<819200xi32, #tpu.memory_space<hbm>> -> memref<128xi32, #tpu.memory_space<hbm>>
        tpu.enqueue_dma source(%dma_start3A_329 : memref<128xi32, #tpu.memory_space<hbm>>) target(%arg11 : memref<128xi32, #tpu.memory_space<vmem>>) target_semaphore(%arg21 : memref<!tpu.dma_semaphore, #tpu.memory_space<semaphore_mem>>)
      } else {
      }
      %parallel_loop3A = arith.constant 0 : i32
      %parallel_loop3A_272 = arith.constant 128 : i32
      %parallel_loop3A_273 = arith.constant 1 : i32
      scf.for %parallel_loop3A_321 = %parallel_loop3A to %parallel_loop3A_272 step %parallel_loop3A_273  : i32 {
        %parallel_loop3A_322 = arith.index_cast %parallel_loop3A_321 : i32 to index
        %parallel_loop3A_323 = arith.constant 0 : index
        %parallel_loop3A_324 = tpu.vector_load %arg13[%parallel_loop3A_322, %parallel_loop3A_323] {strides = array<i32>} : memref<128x128xf32, #tpu.memory_space<vmem>>, vector<1x16xf32>,
        %parallel_loop3A_325 = vector.shape_cast %parallel_loop3A_324 : vector<1x16xf32> to vector<16xf32>
        %parallel_loop3A_326 = arith.index_cast %parallel_loop3A_321 : i32 to index
        %parallel_loop3A_327 = arith.constant 0 : index
        %parallel_loop3A_328 = tpu.vector_load %arg15[%parallel_loop3A_326, %parallel_loop3A_327] {strides = array<i32>} : memref<128x128xf32, #tpu.memory_space<vmem>>, vector<1x16xf32>,
        %parallel_loop3A_329 = vector.shape_cast %parallel_loop3A_328 : vector<1x16xf32> to vector<16xf32>
        %parallel_loop3A_330 = arith.addf %parallel_loop3A_325, %parallel_loop3A_329 : vector<16xf32>
        %parallel_loop3A_331 = arith.index_cast %parallel_loop3A_321 : i32 to index
        %parallel_loop3A_332 = arith.constant 16 : index
        %parallel_loop3A_333 = tpu.vector_load %arg13[%parallel_loop3A_331, %parallel_loop3A_332] {strides = array<i32>} : memref<128x128xf32, #tpu.memory_space<vmem>>, vector<1x16xf32>,
        %parallel_loop3A_334 = vector.shape_cast %parallel_loop3A_333 : vector<1x16xf32> to vector<16xf32>
        %parallel_loop3A_335 = arith.index_cast %parallel_loop3A_321 : i32 to index
        %parallel_loop3A_336 = arith.constant 16 : index
        %parallel_loop3A_337 = tpu.vector_load %arg15[%parallel_loop3A_335, %parallel_loop3A_336] {strides = array<i32>} : memref<128x128xf32, #tpu.memory_space<vmem>>, vector<1x16xf32>,
        %parallel_loop3A_338 = vector.shape_cast %parallel_loop3A_337 : vector<1x16xf32> to vector<16xf32>
        %parallel_loop3A_339 = arith.addf %parallel_loop3A_334, %parallel_loop3A_338 : vector<16xf32>
        %parallel_loop3A_340 = arith.index_cast %parallel_loop3A_321 : i32 to index
        %parallel_loop3A_341 = arith.constant 32 : index
        %parallel_loop3A_342 = tpu.vector_load %arg13[%parallel_loop3A_340, %parallel_loop3A_341] {strides = array<i32>} : memref<128x128xf32, #tpu.memory_space<vmem>>, vector<1x16xf32>,
        %parallel_loop3A_343 = vector.shape_cast %parallel_loop3A_342 : vector<1x16xf32> to vector<16xf32>
        %parallel_loop3A_344 = arith.index_cast %parallel_loop3A_321 : i32 to index
        %parallel_loop3A_345 = arith.constant 32 : index
        %parallel_loop3A_346 = tpu.vector_load %arg15[%parallel_loop3A_344, %parallel_loop3A_345] {strides = array<i32>} : memref<128x128xf32, #tpu.memory_space<vmem>>, vector<1x16xf32>,
        %parallel_loop3A_347 = vector.shape_cast %parallel_loop3A_346 : vector<1x16xf32> to vector<16xf32>
        %parallel_loop3A_348 = arith.addf %parallel_loop3A_343, %parallel_loop3A_347 : vector<16xf32>
        %parallel_loop3A_349 = arith.index_cast %parallel_loop3A_321 : i32 to index
        %parallel_loop3A_350 = arith.constant 48 : index
        %parallel_loop3A_351 = tpu.vector_load %arg13[%parallel_loop3A_349, %parallel_loop3A_350] {strides = array<i32>} : memref<128x128xf32, #tpu.memory_space<vmem>>, vector<1x16xf32>,
        %parallel_loop3A_352 = vector.shape_cast %parallel_loop3A_351 : vector<1x16xf32> to vector<16xf32>
        %parallel_loop3A_353 = arith.index_cast %parallel_loop3A_321 : i32 to index
        %parallel_loop3A_354 = arith.constant 48 : index
        %parallel_loop3A_355 = tpu.vector_load %arg15[%parallel_loop3A_353, %parallel_loop3A_354] {strides = array<i32>} : memref<128x128xf32, #tpu.memory_space<vmem>>, vector<1x16xf32>,
        %parallel_loop3A_356 = vector.shape_cast %parallel_loop3A_355 : vector<1x16xf32> to vector<16xf32>
        %parallel_loop3A_357 = arith.addf %parallel_loop3A_352, %parallel_loop3A_356 : vector<16xf32>
        %parallel_loop3A_358 = arith.index_cast %parallel_loop3A_321 : i32 to index
        %parallel_loop3A_359 = arith.constant 64 : index
        %parallel_loop3A_360 = tpu.vector_load %arg13[%parallel_loop3A_358, %parallel_loop3A_359] {strides = array<i32>} : memref<128x128xf32, #tpu.memory_space<vmem>>, vector<1x16xf32>,
        %parallel_loop3A_361 = vector.shape_cast %parallel_loop3A_360 : vector<1x16xf32> to vector<16xf32>
        %parallel_loop3A_362 = arith.index_cast %parallel_loop3A_321 : i32 to index
        %parallel_loop3A_363 = arith.constant 64 : index
        %parallel_loop3A_364 = tpu.vector_load %arg15[%parallel_loop3A_362, %parallel_loop3A_363] {strides = array<i32>} : memref<128x128xf32, #tpu.memory_space<vmem>>, vector<1x16xf32>,
        %parallel_loop3A_365 = vector.shape_cast %parallel_loop3A_364 : vector<1x16xf32> to vector<16xf32>
        %parallel_loop3A_366 = arith.addf %parallel_loop3A_361, %parallel_loop3A_365 : vector<16xf32>
        %parallel_loop3A_367 = arith.index_cast %parallel_loop3A_321 : i32 to index
        %parallel_loop3A_368 = arith.constant 80 : index
        %parallel_loop3A_369 = tpu.vector_load %arg13[%parallel_loop3A_367, %parallel_loop3A_368] {strides = array<i32>} : memref<128x128xf32, #tpu.memory_space<vmem>>, vector<1x16xf32>,
        %parallel_loop3A_370 = vector.shape_cast %parallel_loop3A_369 : vector<1x16xf32> to vector<16xf32>
        %parallel_loop3A_371 = arith.index_cast %parallel_loop3A_321 : i32 to index
        %parallel_loop3A_372 = arith.constant 80 : index
        %parallel_loop3A_373 = tpu.vector_load %arg15[%parallel_loop3A_371, %parallel_loop3A_372] {strides = array<i32>} : memref<128x128xf32, #tpu.memory_space<vmem>>, vector<1x16xf32>,
        %parallel_loop3A_374 = vector.shape_cast %parallel_loop3A_373 : vector<1x16xf32> to vector<16xf32>
        %parallel_loop3A_375 = arith.addf %parallel_loop3A_370, %parallel_loop3A_374 : vector<16xf32>
        %parallel_loop3A_376 = arith.index_cast %parallel_loop3A_321 : i32 to index
        %parallel_loop3A_377 = arith.constant 96 : index
        %parallel_loop3A_378 = tpu.vector_load %arg13[%parallel_loop3A_376, %parallel_loop3A_377] {strides = array<i32>} : memref<128x128xf32, #tpu.memory_space<vmem>>, vector<1x16xf32>,
        %parallel_loop3A_379 = vector.shape_cast %parallel_loop3A_378 : vector<1x16xf32> to vector<16xf32>
        %parallel_loop3A_380 = arith.index_cast %parallel_loop3A_321 : i32 to index
        %parallel_loop3A_381 = arith.constant 96 : index
        %parallel_loop3A_382 = tpu.vector_load %arg15[%parallel_loop3A_380, %parallel_loop3A_381] {strides = array<i32>} : memref<128x128xf32, #tpu.memory_space<vmem>>, vector<1x16xf32>,
        %parallel_loop3A_383 = vector.shape_cast %parallel_loop3A_382 : vector<1x16xf32> to vector<16xf32>
        %parallel_loop3A_384 = arith.addf %parallel_loop3A_379, %parallel_loop3A_383 : vector<16xf32>
        %parallel_loop3A_385 = arith.index_cast %parallel_loop3A_321 : i32 to index
        %parallel_loop3A_386 = arith.constant 112 : index
        %parallel_loop3A_387 = tpu.vector_load %arg13[%parallel_loop3A_385, %parallel_loop3A_386] {strides = array<i32>} : memref<128x128xf32, #tpu.memory_space<vmem>>, vector<1x16xf32>,
        %parallel_loop3A_388 = vector.shape_cast %parallel_loop3A_387 : vector<1x16xf32> to vector<16xf32>
        %parallel_loop3A_389 = arith.index_cast %parallel_loop3A_321 : i32 to index
        %parallel_loop3A_390 = arith.constant 112 : index
        %parallel_loop3A_391 = tpu.vector_load %arg15[%parallel_loop3A_389, %parallel_loop3A_390] {strides = array<i32>} : memref<128x128xf32, #tpu.memory_space<vmem>>, vector<1x16xf32>,
        %parallel_loop3A_392 = vector.shape_cast %parallel_loop3A_391 : vector<1x16xf32> to vector<16xf32>
        %parallel_loop3A_393 = arith.addf %parallel_loop3A_388, %parallel_loop3A_392 : vector<16xf32>
        %parallel_loop3A_394 = arith.mulf %parallel_loop3A_330, %parallel_loop3A_330 : vector<16xf32>
        %parallel_loop3A_395 = arith.addf %parallel_loop3A_330, %parallel_loop3A_339 : vector<16xf32>
        %parallel_loop3A_396 = arith.mulf %parallel_loop3A_339, %parallel_loop3A_339 : vector<16xf32>
        %parallel_loop3A_397 = arith.addf %parallel_loop3A_394, %parallel_loop3A_396 : vector<16xf32>
        %parallel_loop3A_398 = arith.addf %parallel_loop3A_395, %parallel_loop3A_348 : vector<16xf32>
        %parallel_loop3A_399 = arith.mulf %parallel_loop3A_348, %parallel_loop3A_348 : vector<16xf32>
        %parallel_loop3A_400 = arith.addf %parallel_loop3A_397, %parallel_loop3A_399 : vector<16xf32>
        %parallel_loop3A_401 = arith.addf %parallel_loop3A_398, %parallel_loop3A_357 : vector<16xf32>
        %parallel_loop3A_402 = arith.mulf %parallel_loop3A_357, %parallel_loop3A_357 : vector<16xf32>
        %parallel_loop3A_403 = arith.addf %parallel_loop3A_400, %parallel_loop3A_402 : vector<16xf32>
        %parallel_loop3A_404 = arith.addf %parallel_loop3A_401, %parallel_loop3A_366 : vector<16xf32>
        %parallel_loop3A_405 = arith.mulf %parallel_loop3A_366, %parallel_loop3A_366 : vector<16xf32>
        %parallel_loop3A_406 = arith.addf %parallel_loop3A_403, %parallel_loop3A_405 : vector<16xf32>
        %parallel_loop3A_407 = arith.addf %parallel_loop3A_404, %parallel_loop3A_375 : vector<16xf32>
        %parallel_loop3A_408 = arith.mulf %parallel_loop3A_375, %parallel_loop3A_375 : vector<16xf32>
        %parallel_loop3A_409 = arith.addf %parallel_loop3A_406, %parallel_loop3A_408 : vector<16xf32>
        %parallel_loop3A_410 = arith.addf %parallel_loop3A_407, %parallel_loop3A_384 : vector<16xf32>
        %parallel_loop3A_411 = arith.mulf %parallel_loop3A_384, %parallel_loop3A_384 : vector<16xf32>
        %parallel_loop3A_412 = arith.addf %parallel_loop3A_409, %parallel_loop3A_411 : vector<16xf32>
        %parallel_loop3A_413 = arith.addf %parallel_loop3A_410, %parallel_loop3A_393 : vector<16xf32>
        %parallel_loop3A_414 = arith.mulf %parallel_loop3A_393, %parallel_loop3A_393 : vector<16xf32>
        %parallel_loop3A_415 = arith.addf %parallel_loop3A_412, %parallel_loop3A_414 : vector<16xf32>
        %parallel_loop3A_416 = arith.constant 0 : i32
        %parallel_loop3A_417 = vector.broadcast %parallel_loop3A_416 : i32 to vector<16xi32>
        %parallel_loop3A_418 = arith.cmpi slt, %xor3A_51, %parallel_loop3A_417 : vector<16xi32>
        %parallel_loop3A_419 = arith.constant 16 : i32
        %parallel_loop3A_420 = vector.broadcast %parallel_loop3A_419 : i32 to vector<16xi32>
        %parallel_loop3A_421 = arith.addi %xor3A_51, %parallel_loop3A_420 : vector<16xi32>
        %parallel_loop3A_422 = arith.select %parallel_loop3A_418, %parallel_loop3A_421, %xor3A_51 : vector<16xi1>, vector<16xi32>
        %parallel_loop3A_423 = vector.shape_cast %parallel_loop3A_422 : vector<16xi32> to vector<16x1xi32>
        %parallel_loop3A_424 = vector.shape_cast %parallel_loop3A_423 : vector<16x1xi32> to vector<16xi32>
        %parallel_loop3A_425 = tpu.dynamic_gather %parallel_loop3A_413[%parallel_loop3A_424] in [0] : vector<16xf32>, vector<16xi32> -> vector<16xf32>
        %parallel_loop3A_426 = arith.addf %parallel_loop3A_413, %parallel_loop3A_425 : vector<16xf32>
        %parallel_loop3A_427 = arith.constant 0 : i32
        %parallel_loop3A_428 = vector.broadcast %parallel_loop3A_427 : i32 to vector<16xi32>
        %parallel_loop3A_429 = arith.cmpi slt, %xor3A_54, %parallel_loop3A_428 : vector<16xi32>
        %parallel_loop3A_430 = arith.constant 16 : i32
        %parallel_loop3A_431 = vector.broadcast %parallel_loop3A_430 : i32 to vector<16xi32>
        %parallel_loop3A_432 = arith.addi %xor3A_54, %parallel_loop3A_431 : vector<16xi32>
        %parallel_loop3A_433 = arith.select %parallel_loop3A_429, %parallel_loop3A_432, %xor3A_54 : vector<16xi1>, vector<16xi32>
        %parallel_loop3A_434 = vector.shape_cast %parallel_loop3A_433 : vector<16xi32> to vector<16x1xi32>
        %parallel_loop3A_435 = vector.shape_cast %parallel_loop3A_434 : vector<16x1xi32> to vector<16xi32>
        %parallel_loop3A_436 = tpu.dynamic_gather %parallel_loop3A_426[%parallel_loop3A_435] in [0] : vector<16xf32>, vector<16xi32> -> vector<16xf32>
        %parallel_loop3A_437 = arith.addf %parallel_loop3A_426, %parallel_loop3A_436 : vector<16xf32>
        %parallel_loop3A_438 = arith.constant 0 : i32
        %parallel_loop3A_439 = vector.broadcast %parallel_loop3A_438 : i32 to vector<16xi32>
        %parallel_loop3A_440 = arith.cmpi slt, %xor3A_57, %parallel_loop3A_439 : vector<16xi32>
        %parallel_loop3A_441 = arith.constant 16 : i32
        %parallel_loop3A_442 = vector.broadcast %parallel_loop3A_441 : i32 to vector<16xi32>
        %parallel_loop3A_443 = arith.addi %xor3A_57, %parallel_loop3A_442 : vector<16xi32>
        %parallel_loop3A_444 = arith.select %parallel_loop3A_440, %parallel_loop3A_443, %xor3A_57 : vector<16xi1>, vector<16xi32>
        %parallel_loop3A_445 = vector.shape_cast %parallel_loop3A_444 : vector<16xi32> to vector<16x1xi32>
        %parallel_loop3A_446 = vector.shape_cast %parallel_loop3A_445 : vector<16x1xi32> to vector<16xi32>
        %parallel_loop3A_447 = tpu.dynamic_gather %parallel_loop3A_437[%parallel_loop3A_446] in [0] : vector<16xf32>, vector<16xi32> -> vector<16xf32>
        %parallel_loop3A_448 = arith.addf %parallel_loop3A_437, %parallel_loop3A_447 : vector<16xf32>
        %parallel_loop3A_449 = arith.constant 0 : i32
        %parallel_loop3A_450 = vector.broadcast %parallel_loop3A_449 : i32 to vector<16xi32>
        %parallel_loop3A_451 = arith.cmpi slt, %xor3A_60, %parallel_loop3A_450 : vector<16xi32>
        %parallel_loop3A_452 = arith.constant 16 : i32
        %parallel_loop3A_453 = vector.broadcast %parallel_loop3A_452 : i32 to vector<16xi32>
        %parallel_loop3A_454 = arith.addi %xor3A_60, %parallel_loop3A_453 : vector<16xi32>
        %parallel_loop3A_455 = arith.select %parallel_loop3A_451, %parallel_loop3A_454, %xor3A_60 : vector<16xi1>, vector<16xi32>
        %parallel_loop3A_456 = vector.shape_cast %parallel_loop3A_455 : vector<16xi32> to vector<16x1xi32>
        %parallel_loop3A_457 = vector.shape_cast %parallel_loop3A_456 : vector<16x1xi32> to vector<16xi32>
        %parallel_loop3A_458 = tpu.dynamic_gather %parallel_loop3A_448[%parallel_loop3A_457] in [0] : vector<16xf32>, vector<16xi32> -> vector<16xf32>
        %parallel_loop3A_459 = arith.addf %parallel_loop3A_448, %parallel_loop3A_458 : vector<16xf32>
        %parallel_loop3A_460 = arith.constant 7.812500e-03 : f32
        %parallel_loop3A_461 = vector.broadcast %parallel_loop3A_460 : f32 to vector<16xf32>
        %parallel_loop3A_462 = arith.mulf %parallel_loop3A_459, %parallel_loop3A_461 : vector<16xf32>
        %parallel_loop3A_463 = arith.constant 0 : i32
        %parallel_loop3A_464 = vector.broadcast %parallel_loop3A_463 : i32 to vector<16xi32>
        %parallel_loop3A_465 = arith.cmpi slt, %xor3A_51, %parallel_loop3A_464 : vector<16xi32>
        %parallel_loop3A_466 = arith.constant 16 : i32
        %parallel_loop3A_467 = vector.broadcast %parallel_loop3A_466 : i32 to vector<16xi32>
        %parallel_loop3A_468 = arith.addi %xor3A_51, %parallel_loop3A_467 : vector<16xi32>
        %parallel_loop3A_469 = arith.select %parallel_loop3A_465, %parallel_loop3A_468, %xor3A_51 : vector<16xi1>, vector<16xi32>
        %parallel_loop3A_470 = vector.shape_cast %parallel_loop3A_469 : vector<16xi32> to vector<16x1xi32>
        %parallel_loop3A_471 = vector.shape_cast %parallel_loop3A_470 : vector<16x1xi32> to vector<16xi32>
        %parallel_loop3A_472 = tpu.dynamic_gather %parallel_loop3A_415[%parallel_loop3A_471] in [0] : vector<16xf32>, vector<16xi32> -> vector<16xf32>
        %parallel_loop3A_473 = arith.addf %parallel_loop3A_415, %parallel_loop3A_472 : vector<16xf32>
        %parallel_loop3A_474 = arith.constant 0 : i32
        %parallel_loop3A_475 = vector.broadcast %parallel_loop3A_474 : i32 to vector<16xi32>
        %parallel_loop3A_476 = arith.cmpi slt, %xor3A_54, %parallel_loop3A_475 : vector<16xi32>
        %parallel_loop3A_477 = arith.constant 16 : i32
        %parallel_loop3A_478 = vector.broadcast %parallel_loop3A_477 : i32 to vector<16xi32>
        %parallel_loop3A_479 = arith.addi %xor3A_54, %parallel_loop3A_478 : vector<16xi32>
        %parallel_loop3A_480 = arith.select %parallel_loop3A_476, %parallel_loop3A_479, %xor3A_54 : vector<16xi1>, vector<16xi32>
        %parallel_loop3A_481 = vector.shape_cast %parallel_loop3A_480 : vector<16xi32> to vector<16x1xi32>
        %parallel_loop3A_482 = vector.shape_cast %parallel_loop3A_481 : vector<16x1xi32> to vector<16xi32>
        %parallel_loop3A_483 = tpu.dynamic_gather %parallel_loop3A_473[%parallel_loop3A_482] in [0] : vector<16xf32>, vector<16xi32> -> vector<16xf32>
        %parallel_loop3A_484 = arith.addf %parallel_loop3A_473, %parallel_loop3A_483 : vector<16xf32>
        %parallel_loop3A_485 = arith.constant 0 : i32
        %parallel_loop3A_486 = vector.broadcast %parallel_loop3A_485 : i32 to vector<16xi32>
        %parallel_loop3A_487 = arith.cmpi slt, %xor3A_57, %parallel_loop3A_486 : vector<16xi32>
        %parallel_loop3A_488 = arith.constant 16 : i32
        %parallel_loop3A_489 = vector.broadcast %parallel_loop3A_488 : i32 to vector<16xi32>
        %parallel_loop3A_490 = arith.addi %xor3A_57, %parallel_loop3A_489 : vector<16xi32>
        %parallel_loop3A_491 = arith.select %parallel_loop3A_487, %parallel_loop3A_490, %xor3A_57 : vector<16xi1>, vector<16xi32>
        %parallel_loop3A_492 = vector.shape_cast %parallel_loop3A_491 : vector<16xi32> to vector<16x1xi32>
        %parallel_loop3A_493 = vector.shape_cast %parallel_loop3A_492 : vector<16x1xi32> to vector<16xi32>
        %parallel_loop3A_494 = tpu.dynamic_gather %parallel_loop3A_484[%parallel_loop3A_493] in [0] : vector<16xf32>, vector<16xi32> -> vector<16xf32>
        %parallel_loop3A_495 = arith.addf %parallel_loop3A_484, %parallel_loop3A_494 : vector<16xf32>
        %parallel_loop3A_496 = arith.constant 0 : i32
        %parallel_loop3A_497 = vector.broadcast %parallel_loop3A_496 : i32 to vector<16xi32>
        %parallel_loop3A_498 = arith.cmpi slt, %xor3A_60, %parallel_loop3A_497 : vector<16xi32>
        %parallel_loop3A_499 = arith.constant 16 : i32
        %parallel_loop3A_500 = vector.broadcast %parallel_loop3A_499 : i32 to vector<16xi32>
        %parallel_loop3A_501 = arith.addi %xor3A_60, %parallel_loop3A_500 : vector<16xi32>
        %parallel_loop3A_502 = arith.select %parallel_loop3A_498, %parallel_loop3A_501, %xor3A_60 : vector<16xi1>, vector<16xi32>
        %parallel_loop3A_503 = vector.shape_cast %parallel_loop3A_502 : vector<16xi32> to vector<16x1xi32>
        %parallel_loop3A_504 = vector.shape_cast %parallel_loop3A_503 : vector<16x1xi32> to vector<16xi32>
        %parallel_loop3A_505 = tpu.dynamic_gather %parallel_loop3A_495[%parallel_loop3A_504] in [0] : vector<16xf32>, vector<16xi32> -> vector<16xf32>
        %parallel_loop3A_506 = arith.addf %parallel_loop3A_495, %parallel_loop3A_505 : vector<16xf32>
        %parallel_loop3A_507 = arith.constant 7.812500e-03 : f32
        %parallel_loop3A_508 = vector.broadcast %parallel_loop3A_507 : f32 to vector<16xf32>
        %parallel_loop3A_509 = arith.mulf %parallel_loop3A_506, %parallel_loop3A_508 : vector<16xf32>
        %parallel_loop3A_510 = arith.mulf %parallel_loop3A_462, %parallel_loop3A_462 : vector<16xf32>
        %parallel_loop3A_511 = arith.subf %parallel_loop3A_509, %parallel_loop3A_510 : vector<16xf32>
        %parallel_loop3A_512 = arith.constant 9.99999996E-13 : f32
        %parallel_loop3A_513 = vector.broadcast %parallel_loop3A_512 : f32 to vector<16xf32>
        %parallel_loop3A_514 = arith.addf %parallel_loop3A_511, %parallel_loop3A_513 : vector<16xf32>
        %parallel_loop3A_515 = tpu.bitcast %parallel_loop3A_514 : vector<16xf32> -> vector<16xi32>
        %parallel_loop3A_516 = arith.constant 1 : i32
        %parallel_loop3A_517 = vector.broadcast %parallel_loop3A_516 : i32 to vector<16xi32>
        %parallel_loop3A_518 = arith.shrui %parallel_loop3A_515, %parallel_loop3A_517 : vector<16xi32>
        %parallel_loop3A_519 = arith.constant 1597463007 : i32
        %parallel_loop3A_520 = vector.broadcast %parallel_loop3A_519 : i32 to vector<16xi32>
        %parallel_loop3A_521 = arith.subi %parallel_loop3A_520, %parallel_loop3A_518 : vector<16xi32>
        %parallel_loop3A_522 = tpu.bitcast %parallel_loop3A_521 : vector<16xi32> -> vector<16xf32>
        %parallel_loop3A_523 = arith.constant 5.000000e-01 : f32
        %parallel_loop3A_524 = vector.broadcast %parallel_loop3A_523 : f32 to vector<16xf32>
        %parallel_loop3A_525 = arith.mulf %parallel_loop3A_514, %parallel_loop3A_524 : vector<16xf32>
        %parallel_loop3A_526 = arith.mulf %parallel_loop3A_525, %parallel_loop3A_522 : vector<16xf32>
        %parallel_loop3A_527 = arith.mulf %parallel_loop3A_526, %parallel_loop3A_522 : vector<16xf32>
        %parallel_loop3A_528 = arith.constant 1.500000e+00 : f32
        %parallel_loop3A_529 = vector.broadcast %parallel_loop3A_528 : f32 to vector<16xf32>
        %parallel_loop3A_530 = arith.subf %parallel_loop3A_529, %parallel_loop3A_527 : vector<16xf32>
        %parallel_loop3A_531 = arith.mulf %parallel_loop3A_522, %parallel_loop3A_530 : vector<16xf32>
        %parallel_loop3A_532 = arith.mulf %parallel_loop3A_525, %parallel_loop3A_531 : vector<16xf32>
        %parallel_loop3A_533 = arith.mulf %parallel_loop3A_532, %parallel_loop3A_531 : vector<16xf32>
        %parallel_loop3A_534 = arith.constant 1.500000e+00 : f32
        %parallel_loop3A_535 = vector.broadcast %parallel_loop3A_534 : f32 to vector<16xf32>
        %parallel_loop3A_536 = arith.subf %parallel_loop3A_535, %parallel_loop3A_533 : vector<16xf32>
        %parallel_loop3A_537 = arith.mulf %parallel_loop3A_531, %parallel_loop3A_536 : vector<16xf32>
        %parallel_loop3A_538 = arith.mulf %parallel_loop3A_525, %parallel_loop3A_537 : vector<16xf32>
        %parallel_loop3A_539 = arith.mulf %parallel_loop3A_538, %parallel_loop3A_537 : vector<16xf32>
        %parallel_loop3A_540 = arith.constant 1.500000e+00 : f32
        %parallel_loop3A_541 = vector.broadcast %parallel_loop3A_540 : f32 to vector<16xf32>
        %parallel_loop3A_542 = arith.subf %parallel_loop3A_541, %parallel_loop3A_539 : vector<16xf32>
        %parallel_loop3A_543 = arith.mulf %parallel_loop3A_537, %parallel_loop3A_542 : vector<16xf32>
        %parallel_loop3A_544 = arith.subf %parallel_loop3A_330, %parallel_loop3A_462 : vector<16xf32>
        %parallel_loop3A_545 = arith.mulf %parallel_loop3A_544, %parallel_loop3A_543 : vector<16xf32>
        %parallel_loop3A_546 = arith.mulf %parallel_loop3A_545, %get3A_4 : vector<16xf32>
        %parallel_loop3A_547 = arith.addf %parallel_loop3A_546, %get3A_28 : vector<16xf32>
        %parallel_loop3A_548 = arith.index_cast %parallel_loop3A_321 : i32 to index
        %parallel_loop3A_549 = arith.constant 0 : index
        %parallel_loop3A_550 = tpu.vector_load %arg13[%parallel_loop3A_548, %parallel_loop3A_549] {strides = array<i32>} : memref<128x128xf32, #tpu.memory_space<vmem>>, vector<1x16xf32>,
        %parallel_loop3A_551 = vector.shape_cast %parallel_loop3A_550 : vector<1x16xf32> to vector<16xf32>
        %parallel_loop3A_552 = vector.shape_cast %parallel_loop3A_547 : vector<16xf32> to vector<1x16xf32>
        tpu.vector_store %arg13[%parallel_loop3A_548, %parallel_loop3A_549], %parallel_loop3A_552 {strides = array<i32>} : memref<128x128xf32, #tpu.memory_space<vmem>>, vector<1x16xf32>,
        %parallel_loop3A_553 = arith.subf %parallel_loop3A_339, %parallel_loop3A_462 : vector<16xf32>
        %parallel_loop3A_554 = arith.mulf %parallel_loop3A_553, %parallel_loop3A_543 : vector<16xf32>
        %parallel_loop3A_555 = arith.mulf %parallel_loop3A_554, %get3A_7 : vector<16xf32>
        %parallel_loop3A_556 = arith.addf %parallel_loop3A_555, %get3A_31 : vector<16xf32>
        %parallel_loop3A_557 = arith.index_cast %parallel_loop3A_321 : i32 to index
        %parallel_loop3A_558 = arith.constant 16 : index
        %parallel_loop3A_559 = tpu.vector_load %arg13[%parallel_loop3A_557, %parallel_loop3A_558] {strides = array<i32>} : memref<128x128xf32, #tpu.memory_space<vmem>>, vector<1x16xf32>,
        %parallel_loop3A_560 = vector.shape_cast %parallel_loop3A_559 : vector<1x16xf32> to vector<16xf32>
        %parallel_loop3A_561 = vector.shape_cast %parallel_loop3A_556 : vector<16xf32> to vector<1x16xf32>
        tpu.vector_store %arg13[%parallel_loop3A_557, %parallel_loop3A_558], %parallel_loop3A_561 {strides = array<i32>} : memref<128x128xf32, #tpu.memory_space<vmem>>, vector<1x16xf32>,
        %parallel_loop3A_562 = arith.subf %parallel_loop3A_348, %parallel_loop3A_462 : vector<16xf32>
        %parallel_loop3A_563 = arith.mulf %parallel_loop3A_562, %parallel_loop3A_543 : vector<16xf32>
        %parallel_loop3A_564 = arith.mulf %parallel_loop3A_563, %get3A_10 : vector<16xf32>
        %parallel_loop3A_565 = arith.addf %parallel_loop3A_564, %get3A_34 : vector<16xf32>
        %parallel_loop3A_566 = arith.index_cast %parallel_loop3A_321 : i32 to index
        %parallel_loop3A_567 = arith.constant 32 : index
        %parallel_loop3A_568 = tpu.vector_load %arg13[%parallel_loop3A_566, %parallel_loop3A_567] {strides = array<i32>} : memref<128x128xf32, #tpu.memory_space<vmem>>, vector<1x16xf32>,
        %parallel_loop3A_569 = vector.shape_cast %parallel_loop3A_568 : vector<1x16xf32> to vector<16xf32>
        %parallel_loop3A_570 = vector.shape_cast %parallel_loop3A_565 : vector<16xf32> to vector<1x16xf32>
        tpu.vector_store %arg13[%parallel_loop3A_566, %parallel_loop3A_567], %parallel_loop3A_570 {strides = array<i32>} : memref<128x128xf32, #tpu.memory_space<vmem>>, vector<1x16xf32>,
        %parallel_loop3A_571 = arith.subf %parallel_loop3A_357, %parallel_loop3A_462 : vector<16xf32>
        %parallel_loop3A_572 = arith.mulf %parallel_loop3A_571, %parallel_loop3A_543 : vector<16xf32>
        %parallel_loop3A_573 = arith.mulf %parallel_loop3A_572, %get3A_13 : vector<16xf32>
        %parallel_loop3A_574 = arith.addf %parallel_loop3A_573, %get3A_37 : vector<16xf32>
        %parallel_loop3A_575 = arith.index_cast %parallel_loop3A_321 : i32 to index
        %parallel_loop3A_576 = arith.constant 48 : index
        %parallel_loop3A_577 = tpu.vector_load %arg13[%parallel_loop3A_575, %parallel_loop3A_576] {strides = array<i32>} : memref<128x128xf32, #tpu.memory_space<vmem>>, vector<1x16xf32>,
        %parallel_loop3A_578 = vector.shape_cast %parallel_loop3A_577 : vector<1x16xf32> to vector<16xf32>
        %parallel_loop3A_579 = vector.shape_cast %parallel_loop3A_574 : vector<16xf32> to vector<1x16xf32>
        tpu.vector_store %arg13[%parallel_loop3A_575, %parallel_loop3A_576], %parallel_loop3A_579 {strides = array<i32>} : memref<128x128xf32, #tpu.memory_space<vmem>>, vector<1x16xf32>,
        %parallel_loop3A_580 = arith.subf %parallel_loop3A_366, %parallel_loop3A_462 : vector<16xf32>
        %parallel_loop3A_581 = arith.mulf %parallel_loop3A_580, %parallel_loop3A_543 : vector<16xf32>
        %parallel_loop3A_582 = arith.mulf %parallel_loop3A_581, %get3A_16 : vector<16xf32>
        %parallel_loop3A_583 = arith.addf %parallel_loop3A_582, %get3A_40 : vector<16xf32>
        %parallel_loop3A_584 = arith.index_cast %parallel_loop3A_321 : i32 to index
        %parallel_loop3A_585 = arith.constant 64 : index
        %parallel_loop3A_586 = tpu.vector_load %arg13[%parallel_loop3A_584, %parallel_loop3A_585] {strides = array<i32>} : memref<128x128xf32, #tpu.memory_space<vmem>>, vector<1x16xf32>,
        %parallel_loop3A_587 = vector.shape_cast %parallel_loop3A_586 : vector<1x16xf32> to vector<16xf32>
        %parallel_loop3A_588 = vector.shape_cast %parallel_loop3A_583 : vector<16xf32> to vector<1x16xf32>
        tpu.vector_store %arg13[%parallel_loop3A_584, %parallel_loop3A_585], %parallel_loop3A_588 {strides = array<i32>} : memref<128x128xf32, #tpu.memory_space<vmem>>, vector<1x16xf32>,
        %parallel_loop3A_589 = arith.subf %parallel_loop3A_375, %parallel_loop3A_462 : vector<16xf32>
        %parallel_loop3A_590 = arith.mulf %parallel_loop3A_589, %parallel_loop3A_543 : vector<16xf32>
        %parallel_loop3A_591 = arith.mulf %parallel_loop3A_590, %get3A_19 : vector<16xf32>
        %parallel_loop3A_592 = arith.addf %parallel_loop3A_591, %get3A_43 : vector<16xf32>
        %parallel_loop3A_593 = arith.index_cast %parallel_loop3A_321 : i32 to index
        %parallel_loop3A_594 = arith.constant 80 : index
        %parallel_loop3A_595 = tpu.vector_load %arg13[%parallel_loop3A_593, %parallel_loop3A_594] {strides = array<i32>} : memref<128x128xf32, #tpu.memory_space<vmem>>, vector<1x16xf32>,
        %parallel_loop3A_596 = vector.shape_cast %parallel_loop3A_595 : vector<1x16xf32> to vector<16xf32>
        %parallel_loop3A_597 = vector.shape_cast %parallel_loop3A_592 : vector<16xf32> to vector<1x16xf32>
        tpu.vector_store %arg13[%parallel_loop3A_593, %parallel_loop3A_594], %parallel_loop3A_597 {strides = array<i32>} : memref<128x128xf32, #tpu.memory_space<vmem>>, vector<1x16xf32>,
        %parallel_loop3A_598 = arith.subf %parallel_loop3A_384, %parallel_loop3A_462 : vector<16xf32>
        %parallel_loop3A_599 = arith.mulf %parallel_loop3A_598, %parallel_loop3A_543 : vector<16xf32>
        %parallel_loop3A_600 = arith.mulf %parallel_loop3A_599, %get3A_22 : vector<16xf32>
        %parallel_loop3A_601 = arith.addf %parallel_loop3A_600, %get3A_46 : vector<16xf32>
        %parallel_loop3A_602 = arith.index_cast %parallel_loop3A_321 : i32 to index
        %parallel_loop3A_603 = arith.constant 96 : index
        %parallel_loop3A_604 = tpu.vector_load %arg13[%parallel_loop3A_602, %parallel_loop3A_603] {strides = array<i32>} : memref<128x128xf32, #tpu.memory_space<vmem>>, vector<1x16xf32>,
        %parallel_loop3A_605 = vector.shape_cast %parallel_loop3A_604 : vector<1x16xf32> to vector<16xf32>
        %parallel_loop3A_606 = vector.shape_cast %parallel_loop3A_601 : vector<16xf32> to vector<1x16xf32>
        tpu.vector_store %arg13[%parallel_loop3A_602, %parallel_loop3A_603], %parallel_loop3A_606 {strides = array<i32>} : memref<128x128xf32, #tpu.memory_space<vmem>>, vector<1x16xf32>,
        %parallel_loop3A_607 = arith.subf %parallel_loop3A_393, %parallel_loop3A_462 : vector<16xf32>
        %parallel_loop3A_608 = arith.mulf %parallel_loop3A_607, %parallel_loop3A_543 : vector<16xf32>
        %parallel_loop3A_609 = arith.mulf %parallel_loop3A_608, %get3A_25 : vector<16xf32>
        %parallel_loop3A_610 = arith.addf %parallel_loop3A_609, %get3A_49 : vector<16xf32>
        %parallel_loop3A_611 = arith.index_cast %parallel_loop3A_321 : i32 to index
        %parallel_loop3A_612 = arith.constant 112 : index
        %parallel_loop3A_613 = tpu.vector_load %arg13[%parallel_loop3A_611, %parallel_loop3A_612] {strides = array<i32>} : memref<128x128xf32, #tpu.memory_space<vmem>>, vector<1x16xf32>,
        %parallel_loop3A_614 = vector.shape_cast %parallel_loop3A_613 : vector<1x16xf32> to vector<16xf32>
        %parallel_loop3A_615 = vector.shape_cast %parallel_loop3A_610 : vector<16xf32> to vector<1x16xf32>
        tpu.vector_store %arg13[%parallel_loop3A_611, %parallel_loop3A_612], %parallel_loop3A_615 {strides = array<i32>} : memref<128x128xf32, #tpu.memory_space<vmem>>, vector<1x16xf32>,
      } {sc.loop_unroll_factor = 4 : i64, sc.parallel_access}
      %mul3A_274 = arith.constant 128 : i32
      %mul3A_275 = arith.muli %mul3A_248, %mul3A_274 : i32
      %add3A_276 = arith.addi %mul3A_2, %mul3A_275 : i32
      %dma_start3A_277 = arith.constant 0 : i32
      %dma_start3A_278 = tpu.memref_slice %arg8[%add3A_276, %dma_start3A_277] : memref<819200x128xf32, #tpu.memory_space<hbm>> -> memref<128x128xf32, #tpu.memory_space<hbm>>
      %dma_start3A_279 = arith.constant 0 : i32
      %dma_start3A_280 = tpu.memref_slice %arg8[%add3A_276, %dma_start3A_279] : memref<819200x128xf32, #tpu.memory_space<hbm>> -> memref<128x128xf32, #tpu.memory_space<hbm>>
      tpu.enqueue_dma source(%arg13 : memref<128x128xf32, #tpu.memory_space<vmem>>) target(%dma_start3A_280 : memref<128x128xf32, #tpu.memory_space<hbm>>) target_semaphore(%arg27 : memref<!tpu.dma_semaphore, #tpu.memory_space<semaphore_mem>>)
      %mul3A_281 = arith.constant 2 : i32
      %mul3A_282 = arith.muli %mul3A_281, %scan3A_246 : i32
      %add3A_283 = arith.constant 1 : i32
      %add3A_284 = arith.addi %mul3A_282, %add3A_283 : i32
      %add3A_285 = arith.constant 1 : i32
      %add3A_286 = arith.addi %add3A_284, %add3A_285 : i32
      %le3A_287 = arith.constant 199 : i32
      %le3A_288 = arith.cmpi sle, %add3A_286, %le3A_287 : i32
      %convert_element_type3A_289 = arith.extui %le3A_288 : i1 to i32
      %cond3A_290 = arith.constant 0 : i32
      %cond3A_291 = arith.cmpi ne, %convert_element_type3A_289, %cond3A_290 : i32
      scf.if %cond3A_291 {
        %dma_wait3A_321 = arith.constant 0 : i32
        %dma_wait3A_322 = tpu.memref_slice %arg2[%dma_wait3A_321] : memref<819200xi32, #tpu.memory_space<hbm>> -> memref<128xi32, #tpu.memory_space<hbm>>
        %dma_wait3A_323 = arith.constant 0 : i32
        %dma_wait3A_324 = tpu.memref_slice %arg2[%dma_wait3A_323] : memref<819200xi32, #tpu.memory_space<hbm>> -> memref<128xi32, #tpu.memory_space<hbm>>
        tpu.wait_dma2 semaphore(%arg19 : memref<!tpu.dma_semaphore, #tpu.memory_space<semaphore_mem>>) src(%dma_wait3A_324 : memref<128xi32, #tpu.memory_space<hbm>>) dst(%arg9 : memref<128xi32, #tpu.memory_space<vmem>>)
        %dma_wait3A_325 = arith.constant 0 : i32
        %dma_wait3A_326 = tpu.memref_slice %arg3[%dma_wait3A_325] : memref<819200xi32, #tpu.memory_space<hbm>> -> memref<128xi32, #tpu.memory_space<hbm>>
        %dma_wait3A_327 = arith.constant 0 : i32
        %dma_wait3A_328 = tpu.memref_slice %arg3[%dma_wait3A_327] : memref<819200xi32, #tpu.memory_space<hbm>> -> memref<128xi32, #tpu.memory_space<hbm>>
        tpu.wait_dma2 semaphore(%arg21 : memref<!tpu.dma_semaphore, #tpu.memory_space<semaphore_mem>>) src(%dma_wait3A_328 : memref<128xi32, #tpu.memory_space<hbm>>) dst(%arg11 : memref<128xi32, #tpu.memory_space<vmem>>)
        %add3A_329 = arith.constant 1 : i32
        %add3A_330 = arith.addi %add3A_284, %add3A_329 : i32
        %mul3A_331 = arith.constant 128 : i32
        %mul3A_332 = arith.muli %add3A_330, %mul3A_331 : i32
        %add3A_333 = arith.addi %mul3A_2, %mul3A_332 : i32
        %get3A_334 = arith.constant 0 : index
        %get3A_335 = tpu.vector_load %arg11[%get3A_334] {strides = array<i32>} : memref<128xi32, #tpu.memory_space<vmem>>, vector<16xi32>,
        %get3A_336 = vector.shape_cast %get3A_335 : vector<16xi32> to vector<16xi32>
        %add3A_337 = arith.constant 0 : i32
        %add3A_338 = arith.addi %add3A_333, %add3A_337 : i32
        %add3A_339 = vector.broadcast %add3A_338 : i32 to vector<16xi32>
        %add3A_340 = arith.addi %add3A_339, %iota3A : vector<16xi32>
        %rem3A_341 = arith.constant 200 : i32
        %rem3A_342 = vector.broadcast %rem3A_341 : i32 to vector<16xi32>
        %rem3A_343 = arith.remsi %add3A_340, %rem3A_342 : vector<16xi32>
        %mul3A_344 = arith.constant 200 : i32
        %mul3A_345 = vector.broadcast %mul3A_344 : i32 to vector<16xi32>
        %mul3A_346 = arith.muli %get3A_336, %mul3A_345 : vector<16xi32>
        %add3A_347 = arith.addi %mul3A_346, %rem3A_343 : vector<16xi32>
        %swap3A_348 = arith.constant 0 : index
        %swap3A_349 = tpu.vector_load %arg11[%swap3A_348] {strides = array<i32>} : memref<128xi32, #tpu.memory_space<vmem>>, vector<16xi32>,
        %swap3A_350 = vector.shape_cast %swap3A_349 : vector<16xi32> to vector<16xi32>
        %swap3A_351 = vector.shape_cast %add3A_347 : vector<16xi32> to vector<16xi32>
        tpu.vector_store %arg11[%swap3A_348], %swap3A_351 {strides = array<i32>} : memref<128xi32, #tpu.memory_space<vmem>>, vector<16xi32>,
        %get3A_352 = arith.constant 16 : index
        %get3A_353 = tpu.vector_load %arg11[%get3A_352] {strides = array<i32>} : memref<128xi32, #tpu.memory_space<vmem>>, vector<16xi32>,
        %get3A_354 = vector.shape_cast %get3A_353 : vector<16xi32> to vector<16xi32>
        %add3A_355 = arith.constant 16 : i32
        %add3A_356 = arith.addi %add3A_333, %add3A_355 : i32
        %add3A_357 = vector.broadcast %add3A_356 : i32 to vector<16xi32>
        %add3A_358 = arith.addi %add3A_357, %iota3A : vector<16xi32>
        %rem3A_359 = arith.constant 200 : i32
        %rem3A_360 = vector.broadcast %rem3A_359 : i32 to vector<16xi32>
        %rem3A_361 = arith.remsi %add3A_358, %rem3A_360 : vector<16xi32>
        %mul3A_362 = arith.constant 200 : i32
        %mul3A_363 = vector.broadcast %mul3A_362 : i32 to vector<16xi32>
        %mul3A_364 = arith.muli %get3A_354, %mul3A_363 : vector<16xi32>
        %add3A_365 = arith.addi %mul3A_364, %rem3A_361 : vector<16xi32>
        %swap3A_366 = arith.constant 16 : index
        %swap3A_367 = tpu.vector_load %arg11[%swap3A_366] {strides = array<i32>} : memref<128xi32, #tpu.memory_space<vmem>>, vector<16xi32>,
        %swap3A_368 = vector.shape_cast %swap3A_367 : vector<16xi32> to vector<16xi32>
        %swap3A_369 = vector.shape_cast %add3A_365 : vector<16xi32> to vector<16xi32>
        tpu.vector_store %arg11[%swap3A_366], %swap3A_369 {strides = array<i32>} : memref<128xi32, #tpu.memory_space<vmem>>, vector<16xi32>,
        %get3A_370 = arith.constant 32 : index
        %get3A_371 = tpu.vector_load %arg11[%get3A_370] {strides = array<i32>} : memref<128xi32, #tpu.memory_space<vmem>>, vector<16xi32>,
        %get3A_372 = vector.shape_cast %get3A_371 : vector<16xi32> to vector<16xi32>
        %add3A_373 = arith.constant 32 : i32
        %add3A_374 = arith.addi %add3A_333, %add3A_373 : i32
        %add3A_375 = vector.broadcast %add3A_374 : i32 to vector<16xi32>
        %add3A_376 = arith.addi %add3A_375, %iota3A : vector<16xi32>
        %rem3A_377 = arith.constant 200 : i32
        %rem3A_378 = vector.broadcast %rem3A_377 : i32 to vector<16xi32>
        %rem3A_379 = arith.remsi %add3A_376, %rem3A_378 : vector<16xi32>
        %mul3A_380 = arith.constant 200 : i32
        %mul3A_381 = vector.broadcast %mul3A_380 : i32 to vector<16xi32>
        %mul3A_382 = arith.muli %get3A_372, %mul3A_381 : vector<16xi32>
        %add3A_383 = arith.addi %mul3A_382, %rem3A_379 : vector<16xi32>
        %swap3A_384 = arith.constant 32 : index
        %swap3A_385 = tpu.vector_load %arg11[%swap3A_384] {strides = array<i32>} : memref<128xi32, #tpu.memory_space<vmem>>, vector<16xi32>,
        %swap3A_386 = vector.shape_cast %swap3A_385 : vector<16xi32> to vector<16xi32>
        %swap3A_387 = vector.shape_cast %add3A_383 : vector<16xi32> to vector<16xi32>
        tpu.vector_store %arg11[%swap3A_384], %swap3A_387 {strides = array<i32>} : memref<128xi32, #tpu.memory_space<vmem>>, vector<16xi32>,
        %get3A_388 = arith.constant 48 : index
        %get3A_389 = tpu.vector_load %arg11[%get3A_388] {strides = array<i32>} : memref<128xi32, #tpu.memory_space<vmem>>, vector<16xi32>,
        %get3A_390 = vector.shape_cast %get3A_389 : vector<16xi32> to vector<16xi32>
        %add3A_391 = arith.constant 48 : i32
        %add3A_392 = arith.addi %add3A_333, %add3A_391 : i32
        %add3A_393 = vector.broadcast %add3A_392 : i32 to vector<16xi32>
        %add3A_394 = arith.addi %add3A_393, %iota3A : vector<16xi32>
        %rem3A_395 = arith.constant 200 : i32
        %rem3A_396 = vector.broadcast %rem3A_395 : i32 to vector<16xi32>
        %rem3A_397 = arith.remsi %add3A_394, %rem3A_396 : vector<16xi32>
        %mul3A_398 = arith.constant 200 : i32
        %mul3A_399 = vector.broadcast %mul3A_398 : i32 to vector<16xi32>
        %mul3A_400 = arith.muli %get3A_390, %mul3A_399 : vector<16xi32>
        %add3A_401 = arith.addi %mul3A_400, %rem3A_397 : vector<16xi32>
        %swap3A_402 = arith.constant 48 : index
        %swap3A_403 = tpu.vector_load %arg11[%swap3A_402] {strides = array<i32>} : memref<128xi32, #tpu.memory_space<vmem>>, vector<16xi32>,
        %swap3A_404 = vector.shape_cast %swap3A_403 : vector<16xi32> to vector<16xi32>
        %swap3A_405 = vector.shape_cast %add3A_401 : vector<16xi32> to vector<16xi32>
        tpu.vector_store %arg11[%swap3A_402], %swap3A_405 {strides = array<i32>} : memref<128xi32, #tpu.memory_space<vmem>>, vector<16xi32>,
        %get3A_406 = arith.constant 64 : index
        %get3A_407 = tpu.vector_load %arg11[%get3A_406] {strides = array<i32>} : memref<128xi32, #tpu.memory_space<vmem>>, vector<16xi32>,
        %get3A_408 = vector.shape_cast %get3A_407 : vector<16xi32> to vector<16xi32>
        %add3A_409 = arith.constant 64 : i32
        %add3A_410 = arith.addi %add3A_333, %add3A_409 : i32
        %add3A_411 = vector.broadcast %add3A_410 : i32 to vector<16xi32>
        %add3A_412 = arith.addi %add3A_411, %iota3A : vector<16xi32>
        %rem3A_413 = arith.constant 200 : i32
        %rem3A_414 = vector.broadcast %rem3A_413 : i32 to vector<16xi32>
        %rem3A_415 = arith.remsi %add3A_412, %rem3A_414 : vector<16xi32>
        %mul3A_416 = arith.constant 200 : i32
        %mul3A_417 = vector.broadcast %mul3A_416 : i32 to vector<16xi32>
        %mul3A_418 = arith.muli %get3A_408, %mul3A_417 : vector<16xi32>
        %add3A_419 = arith.addi %mul3A_418, %rem3A_415 : vector<16xi32>
        %swap3A_420 = arith.constant 64 : index
        %swap3A_421 = tpu.vector_load %arg11[%swap3A_420] {strides = array<i32>} : memref<128xi32, #tpu.memory_space<vmem>>, vector<16xi32>,
        %swap3A_422 = vector.shape_cast %swap3A_421 : vector<16xi32> to vector<16xi32>
        %swap3A_423 = vector.shape_cast %add3A_419 : vector<16xi32> to vector<16xi32>
        tpu.vector_store %arg11[%swap3A_420], %swap3A_423 {strides = array<i32>} : memref<128xi32, #tpu.memory_space<vmem>>, vector<16xi32>,
        %get3A_424 = arith.constant 80 : index
        %get3A_425 = tpu.vector_load %arg11[%get3A_424] {strides = array<i32>} : memref<128xi32, #tpu.memory_space<vmem>>, vector<16xi32>,
        %get3A_426 = vector.shape_cast %get3A_425 : vector<16xi32> to vector<16xi32>
        %add3A_427 = arith.constant 80 : i32
        %add3A_428 = arith.addi %add3A_333, %add3A_427 : i32
        %add3A_429 = vector.broadcast %add3A_428 : i32 to vector<16xi32>
        %add3A_430 = arith.addi %add3A_429, %iota3A : vector<16xi32>
        %rem3A_431 = arith.constant 200 : i32
        %rem3A_432 = vector.broadcast %rem3A_431 : i32 to vector<16xi32>
        %rem3A_433 = arith.remsi %add3A_430, %rem3A_432 : vector<16xi32>
        %mul3A_434 = arith.constant 200 : i32
        %mul3A_435 = vector.broadcast %mul3A_434 : i32 to vector<16xi32>
        %mul3A_436 = arith.muli %get3A_426, %mul3A_435 : vector<16xi32>
        %add3A_437 = arith.addi %mul3A_436, %rem3A_433 : vector<16xi32>
        %swap3A_438 = arith.constant 80 : index
        %swap3A_439 = tpu.vector_load %arg11[%swap3A_438] {strides = array<i32>} : memref<128xi32, #tpu.memory_space<vmem>>, vector<16xi32>,
        %swap3A_440 = vector.shape_cast %swap3A_439 : vector<16xi32> to vector<16xi32>
        %swap3A_441 = vector.shape_cast %add3A_437 : vector<16xi32> to vector<16xi32>
        tpu.vector_store %arg11[%swap3A_438], %swap3A_441 {strides = array<i32>} : memref<128xi32, #tpu.memory_space<vmem>>, vector<16xi32>,
        %get3A_442 = arith.constant 96 : index
        %get3A_443 = tpu.vector_load %arg11[%get3A_442] {strides = array<i32>} : memref<128xi32, #tpu.memory_space<vmem>>, vector<16xi32>,
        %get3A_444 = vector.shape_cast %get3A_443 : vector<16xi32> to vector<16xi32>
        %add3A_445 = arith.constant 96 : i32
        %add3A_446 = arith.addi %add3A_333, %add3A_445 : i32
        %add3A_447 = vector.broadcast %add3A_446 : i32 to vector<16xi32>
        %add3A_448 = arith.addi %add3A_447, %iota3A : vector<16xi32>
        %rem3A_449 = arith.constant 200 : i32
        %rem3A_450 = vector.broadcast %rem3A_449 : i32 to vector<16xi32>
        %rem3A_451 = arith.remsi %add3A_448, %rem3A_450 : vector<16xi32>
        %mul3A_452 = arith.constant 200 : i32
        %mul3A_453 = vector.broadcast %mul3A_452 : i32 to vector<16xi32>
        %mul3A_454 = arith.muli %get3A_444, %mul3A_453 : vector<16xi32>
        %add3A_455 = arith.addi %mul3A_454, %rem3A_451 : vector<16xi32>
        %swap3A_456 = arith.constant 96 : index
        %swap3A_457 = tpu.vector_load %arg11[%swap3A_456] {strides = array<i32>} : memref<128xi32, #tpu.memory_space<vmem>>, vector<16xi32>,
        %swap3A_458 = vector.shape_cast %swap3A_457 : vector<16xi32> to vector<16xi32>
        %swap3A_459 = vector.shape_cast %add3A_455 : vector<16xi32> to vector<16xi32>
        tpu.vector_store %arg11[%swap3A_456], %swap3A_459 {strides = array<i32>} : memref<128xi32, #tpu.memory_space<vmem>>, vector<16xi32>,
        %get3A_460 = arith.constant 112 : index
        %get3A_461 = tpu.vector_load %arg11[%get3A_460] {strides = array<i32>} : memref<128xi32, #tpu.memory_space<vmem>>, vector<16xi32>,
        %get3A_462 = vector.shape_cast %get3A_461 : vector<16xi32> to vector<16xi32>
        %add3A_463 = arith.constant 112 : i32
        %add3A_464 = arith.addi %add3A_333, %add3A_463 : i32
        %add3A_465 = vector.broadcast %add3A_464 : i32 to vector<16xi32>
        %add3A_466 = arith.addi %add3A_465, %iota3A : vector<16xi32>
        %rem3A_467 = arith.constant 200 : i32
        %rem3A_468 = vector.broadcast %rem3A_467 : i32 to vector<16xi32>
        %rem3A_469 = arith.remsi %add3A_466, %rem3A_468 : vector<16xi32>
        %mul3A_470 = arith.constant 200 : i32
        %mul3A_471 = vector.broadcast %mul3A_470 : i32 to vector<16xi32>
        %mul3A_472 = arith.muli %get3A_462, %mul3A_471 : vector<16xi32>
        %add3A_473 = arith.addi %mul3A_472, %rem3A_469 : vector<16xi32>
        %swap3A_474 = arith.constant 112 : index
        %swap3A_475 = tpu.vector_load %arg11[%swap3A_474] {strides = array<i32>} : memref<128xi32, #tpu.memory_space<vmem>>, vector<16xi32>,
        %swap3A_476 = vector.shape_cast %swap3A_475 : vector<16xi32> to vector<16xi32>
        %swap3A_477 = vector.shape_cast %add3A_473 : vector<16xi32> to vector<16xi32>
        tpu.vector_store %arg11[%swap3A_474], %swap3A_477 {strides = array<i32>} : memref<128xi32, #tpu.memory_space<vmem>>, vector<16xi32>,
        %ge3A = arith.constant 1 : i32
        %ge3A_478 = arith.cmpi sge, %add3A_284, %ge3A : i32
        %convert_element_type3A_479 = arith.extui %ge3A_478 : i1 to i32
        %cond3A_480 = arith.constant 0 : i32
        %cond3A_481 = arith.cmpi ne, %convert_element_type3A_479, %cond3A_480 : i32
        scf.if %cond3A_481 {
          %dma_wait3A_488 = arith.constant 0 : i32
          %dma_wait3A_489 = arith.constant 0 : i32
          %dma_wait3A_490 = tpu.memref_slice %arg8[%dma_wait3A_488, %dma_wait3A_489] : memref<819200x128xf32, #tpu.memory_space<hbm>> -> memref<128x128xf32, #tpu.memory_space<hbm>>
          %dma_wait3A_491 = arith.constant 0 : i32
          %dma_wait3A_492 = arith.constant 0 : i32
          %dma_wait3A_493 = tpu.memref_slice %arg8[%dma_wait3A_491, %dma_wait3A_492] : memref<819200x128xf32, #tpu.memory_space<hbm>> -> memref<128x128xf32, #tpu.memory_space<hbm>>
          tpu.wait_dma2 semaphore(%arg27 : memref<!tpu.dma_semaphore, #tpu.memory_space<semaphore_mem>>) src(%arg13 : memref<128x128xf32, #tpu.memory_space<vmem>>) dst(%dma_wait3A_493 : memref<128x128xf32, #tpu.memory_space<hbm>>)
        } else {
        }
        %dma_start3A_482 = arith.constant 0 : i32
        %dma_start3A_483 = arith.constant 0 : i32
        %dma_start3A_484 = tpu.memref_slice %arg4[%dma_start3A_482, %dma_start3A_483] : memref<100000x128xf32, #tpu.memory_space<hbm>> -> memref<100000x128xf32, #tpu.memory_space<hbm>>
        tpu.enqueue_indirect_dma source(%dma_start3A_484 : memref<100000x128xf32, #tpu.memory_space<hbm>>) target(%arg13 : memref<128x128xf32, #tpu.memory_space<vmem>>) offsets(%arg9 : memref<128xi32, #tpu.memory_space<vmem>>) semaphore(%arg23 : memref<!tpu.dma_semaphore, #tpu.memory_space<semaphore_mem>>)
        %dma_start3A_485 = arith.constant 0 : i32
        %dma_start3A_486 = arith.constant 0 : i32
        %dma_start3A_487 = tpu.memref_slice %arg5[%dma_start3A_485, %dma_start3A_486] : memref<400x128xf32, #tpu.memory_space<hbm>> -> memref<400x128xf32, #tpu.memory_space<hbm>>
        tpu.enqueue_indirect_dma source(%dma_start3A_487 : memref<400x128xf32, #tpu.memory_space<hbm>>) target(%arg15 : memref<128x128xf32, #tpu.memory_space<vmem>>) offsets(%arg11 : memref<128xi32, #tpu.memory_space<vmem>>) semaphore(%arg25 : memref<!tpu.dma_semaphore, #tpu.memory_space<semaphore_mem>>)
      } else {
      }
      %dma_wait3A_292 = arith.constant 0 : i32
      %dma_wait3A_293 = arith.constant 0 : i32
      %dma_wait3A_294 = tpu.memref_slice %arg4[%dma_wait3A_292, %dma_wait3A_293] : memref<100000x128xf32, #tpu.memory_space<hbm>> -> memref<128x128xf32, #tpu.memory_space<hbm>>
      %dma_wait3A_295 = arith.constant 0 : i32
      %dma_wait3A_296 = arith.constant 0 : i32
      %dma_wait3A_297 = tpu.memref_slice %arg4[%dma_wait3A_295, %dma_wait3A_296] : memref<100000x128xf32, #tpu.memory_space<hbm>> -> memref<128x128xf32, #tpu.memory_space<hbm>>
      tpu.wait_dma2 semaphore(%arg24 : memref<!tpu.dma_semaphore, #tpu.memory_space<semaphore_mem>>) src(%dma_wait3A_297 : memref<128x128xf32, #tpu.memory_space<hbm>>) dst(%arg14 : memref<128x128xf32, #tpu.memory_space<vmem>>)
      %dma_wait3A_298 = arith.constant 0 : i32
      %dma_wait3A_299 = arith.constant 0 : i32
      %dma_wait3A_300 = tpu.memref_slice %arg4[%dma_wait3A_298, %dma_wait3A_299] : memref<100000x128xf32, #tpu.memory_space<hbm>> -> memref<128x128xf32, #tpu.memory_space<hbm>>
      %dma_wait3A_301 = arith.constant 0 : i32
      %dma_wait3A_302 = arith.constant 0 : i32
      %dma_wait3A_303 = tpu.memref_slice %arg4[%dma_wait3A_301, %dma_wait3A_302] : memref<100000x128xf32, #tpu.memory_space<hbm>> -> memref<128x128xf32, #tpu.memory_space<hbm>>
      tpu.wait_dma2 semaphore(%arg26 : memref<!tpu.dma_semaphore, #tpu.memory_space<semaphore_mem>>) src(%dma_wait3A_303 : memref<128x128xf32, #tpu.memory_space<hbm>>) dst(%arg16 : memref<128x128xf32, #tpu.memory_space<vmem>>)
      %add3A_304 = arith.constant 2 : i32
      %add3A_305 = arith.addi %add3A_284, %add3A_304 : i32
      %le3A_306 = arith.constant 199 : i32
      %le3A_307 = arith.cmpi sle, %add3A_305, %le3A_306 : i32
      %convert_element_type3A_308 = arith.extui %le3A_307 : i1 to i32
      %cond3A_309 = arith.constant 0 : i32
      %cond3A_310 = arith.cmpi ne, %convert_element_type3A_308, %cond3A_309 : i32
      scf.if %cond3A_310 {
        %add3A_321 = arith.constant 2 : i32
        %add3A_322 = arith.addi %add3A_284, %add3A_321 : i32
        %mul3A_323 = arith.constant 128 : i32
        %mul3A_324 = arith.muli %add3A_322, %mul3A_323 : i32
        %add3A_325 = arith.addi %mul3A_2, %mul3A_324 : i32
        %dma_start3A_326 = tpu.memref_slice %arg2[%add3A_325] : memref<819200xi32, #tpu.memory_space<hbm>> -> memref<128xi32, #tpu.memory_space<hbm>>
        %dma_start3A_327 = tpu.memref_slice %arg2[%add3A_325] : memref<819200xi32, #tpu.memory_space<hbm>> -> memref<128xi32, #tpu.memory_space<hbm>>
        tpu.enqueue_dma source(%dma_start3A_327 : memref<128xi32, #tpu.memory_space<hbm>>) target(%arg10 : memref<128xi32, #tpu.memory_space<vmem>>) target_semaphore(%arg20 : memref<!tpu.dma_semaphore, #tpu.memory_space<semaphore_mem>>)
        %dma_start3A_328 = tpu.memref_slice %arg3[%add3A_325] : memref<819200xi32, #tpu.memory_space<hbm>> -> memref<128xi32, #tpu.memory_space<hbm>>
        %dma_start3A_329 = tpu.memref_slice %arg3[%add3A_325] : memref<819200xi32, #tpu.memory_space<hbm>> -> memref<128xi32, #tpu.memory_space<hbm>>
        tpu.enqueue_dma source(%dma_start3A_329 : memref<128xi32, #tpu.memory_space<hbm>>) target(%arg12 : memref<128xi32, #tpu.memory_space<vmem>>) target_semaphore(%arg22 : memref<!tpu.dma_semaphore, #tpu.memory_space<semaphore_mem>>)
      } else {
      }
      %parallel_loop3A_311 = arith.constant 0 : i32
      %parallel_loop3A_312 = arith.constant 128 : i32
      %parallel_loop3A_313 = arith.constant 1 : i32
      scf.for %parallel_loop3A_321 = %parallel_loop3A_311 to %parallel_loop3A_312 step %parallel_loop3A_313  : i32 {
        %parallel_loop3A_322 = arith.index_cast %parallel_loop3A_321 : i32 to index
        %parallel_loop3A_323 = arith.constant 0 : index
        %parallel_loop3A_324 = tpu.vector_load %arg14[%parallel_loop3A_322, %parallel_loop3A_323] {strides = array<i32>} : memref<128x128xf32, #tpu.memory_space<vmem>>, vector<1x16xf32>,
        %parallel_loop3A_325 = vector.shape_cast %parallel_loop3A_324 : vector<1x16xf32> to vector<16xf32>
        %parallel_loop3A_326 = arith.index_cast %parallel_loop3A_321 : i32 to index
        %parallel_loop3A_327 = arith.constant 0 : index
        %parallel_loop3A_328 = tpu.vector_load %arg16[%parallel_loop3A_326, %parallel_loop3A_327] {strides = array<i32>} : memref<128x128xf32, #tpu.memory_space<vmem>>, vector<1x16xf32>,
        %parallel_loop3A_329 = vector.shape_cast %parallel_loop3A_328 : vector<1x16xf32> to vector<16xf32>
        %parallel_loop3A_330 = arith.addf %parallel_loop3A_325, %parallel_loop3A_329 : vector<16xf32>
        %parallel_loop3A_331 = arith.index_cast %parallel_loop3A_321 : i32 to index
        %parallel_loop3A_332 = arith.constant 16 : index
        %parallel_loop3A_333 = tpu.vector_load %arg14[%parallel_loop3A_331, %parallel_loop3A_332] {strides = array<i32>} : memref<128x128xf32, #tpu.memory_space<vmem>>, vector<1x16xf32>,
        %parallel_loop3A_334 = vector.shape_cast %parallel_loop3A_333 : vector<1x16xf32> to vector<16xf32>
        %parallel_loop3A_335 = arith.index_cast %parallel_loop3A_321 : i32 to index
        %parallel_loop3A_336 = arith.constant 16 : index
        %parallel_loop3A_337 = tpu.vector_load %arg16[%parallel_loop3A_335, %parallel_loop3A_336] {strides = array<i32>} : memref<128x128xf32, #tpu.memory_space<vmem>>, vector<1x16xf32>,
        %parallel_loop3A_338 = vector.shape_cast %parallel_loop3A_337 : vector<1x16xf32> to vector<16xf32>
        %parallel_loop3A_339 = arith.addf %parallel_loop3A_334, %parallel_loop3A_338 : vector<16xf32>
        %parallel_loop3A_340 = arith.index_cast %parallel_loop3A_321 : i32 to index
        %parallel_loop3A_341 = arith.constant 32 : index
        %parallel_loop3A_342 = tpu.vector_load %arg14[%parallel_loop3A_340, %parallel_loop3A_341] {strides = array<i32>} : memref<128x128xf32, #tpu.memory_space<vmem>>, vector<1x16xf32>,
        %parallel_loop3A_343 = vector.shape_cast %parallel_loop3A_342 : vector<1x16xf32> to vector<16xf32>
        %parallel_loop3A_344 = arith.index_cast %parallel_loop3A_321 : i32 to index
        %parallel_loop3A_345 = arith.constant 32 : index
        %parallel_loop3A_346 = tpu.vector_load %arg16[%parallel_loop3A_344, %parallel_loop3A_345] {strides = array<i32>} : memref<128x128xf32, #tpu.memory_space<vmem>>, vector<1x16xf32>,
        %parallel_loop3A_347 = vector.shape_cast %parallel_loop3A_346 : vector<1x16xf32> to vector<16xf32>
        %parallel_loop3A_348 = arith.addf %parallel_loop3A_343, %parallel_loop3A_347 : vector<16xf32>
        %parallel_loop3A_349 = arith.index_cast %parallel_loop3A_321 : i32 to index
        %parallel_loop3A_350 = arith.constant 48 : index
        %parallel_loop3A_351 = tpu.vector_load %arg14[%parallel_loop3A_349, %parallel_loop3A_350] {strides = array<i32>} : memref<128x128xf32, #tpu.memory_space<vmem>>, vector<1x16xf32>,
        %parallel_loop3A_352 = vector.shape_cast %parallel_loop3A_351 : vector<1x16xf32> to vector<16xf32>
        %parallel_loop3A_353 = arith.index_cast %parallel_loop3A_321 : i32 to index
        %parallel_loop3A_354 = arith.constant 48 : index
        %parallel_loop3A_355 = tpu.vector_load %arg16[%parallel_loop3A_353, %parallel_loop3A_354] {strides = array<i32>} : memref<128x128xf32, #tpu.memory_space<vmem>>, vector<1x16xf32>,
        %parallel_loop3A_356 = vector.shape_cast %parallel_loop3A_355 : vector<1x16xf32> to vector<16xf32>
        %parallel_loop3A_357 = arith.addf %parallel_loop3A_352, %parallel_loop3A_356 : vector<16xf32>
        %parallel_loop3A_358 = arith.index_cast %parallel_loop3A_321 : i32 to index
        %parallel_loop3A_359 = arith.constant 64 : index
        %parallel_loop3A_360 = tpu.vector_load %arg14[%parallel_loop3A_358, %parallel_loop3A_359] {strides = array<i32>} : memref<128x128xf32, #tpu.memory_space<vmem>>, vector<1x16xf32>,
        %parallel_loop3A_361 = vector.shape_cast %parallel_loop3A_360 : vector<1x16xf32> to vector<16xf32>
        %parallel_loop3A_362 = arith.index_cast %parallel_loop3A_321 : i32 to index
        %parallel_loop3A_363 = arith.constant 64 : index
        %parallel_loop3A_364 = tpu.vector_load %arg16[%parallel_loop3A_362, %parallel_loop3A_363] {strides = array<i32>} : memref<128x128xf32, #tpu.memory_space<vmem>>, vector<1x16xf32>,
        %parallel_loop3A_365 = vector.shape_cast %parallel_loop3A_364 : vector<1x16xf32> to vector<16xf32>
        %parallel_loop3A_366 = arith.addf %parallel_loop3A_361, %parallel_loop3A_365 : vector<16xf32>
        %parallel_loop3A_367 = arith.index_cast %parallel_loop3A_321 : i32 to index
        %parallel_loop3A_368 = arith.constant 80 : index
        %parallel_loop3A_369 = tpu.vector_load %arg14[%parallel_loop3A_367, %parallel_loop3A_368] {strides = array<i32>} : memref<128x128xf32, #tpu.memory_space<vmem>>, vector<1x16xf32>,
        %parallel_loop3A_370 = vector.shape_cast %parallel_loop3A_369 : vector<1x16xf32> to vector<16xf32>
        %parallel_loop3A_371 = arith.index_cast %parallel_loop3A_321 : i32 to index
        %parallel_loop3A_372 = arith.constant 80 : index
        %parallel_loop3A_373 = tpu.vector_load %arg16[%parallel_loop3A_371, %parallel_loop3A_372] {strides = array<i32>} : memref<128x128xf32, #tpu.memory_space<vmem>>, vector<1x16xf32>,
        %parallel_loop3A_374 = vector.shape_cast %parallel_loop3A_373 : vector<1x16xf32> to vector<16xf32>
        %parallel_loop3A_375 = arith.addf %parallel_loop3A_370, %parallel_loop3A_374 : vector<16xf32>
        %parallel_loop3A_376 = arith.index_cast %parallel_loop3A_321 : i32 to index
        %parallel_loop3A_377 = arith.constant 96 : index
        %parallel_loop3A_378 = tpu.vector_load %arg14[%parallel_loop3A_376, %parallel_loop3A_377] {strides = array<i32>} : memref<128x128xf32, #tpu.memory_space<vmem>>, vector<1x16xf32>,
        %parallel_loop3A_379 = vector.shape_cast %parallel_loop3A_378 : vector<1x16xf32> to vector<16xf32>
        %parallel_loop3A_380 = arith.index_cast %parallel_loop3A_321 : i32 to index
        %parallel_loop3A_381 = arith.constant 96 : index
        %parallel_loop3A_382 = tpu.vector_load %arg16[%parallel_loop3A_380, %parallel_loop3A_381] {strides = array<i32>} : memref<128x128xf32, #tpu.memory_space<vmem>>, vector<1x16xf32>,
        %parallel_loop3A_383 = vector.shape_cast %parallel_loop3A_382 : vector<1x16xf32> to vector<16xf32>
        %parallel_loop3A_384 = arith.addf %parallel_loop3A_379, %parallel_loop3A_383 : vector<16xf32>
        %parallel_loop3A_385 = arith.index_cast %parallel_loop3A_321 : i32 to index
        %parallel_loop3A_386 = arith.constant 112 : index
        %parallel_loop3A_387 = tpu.vector_load %arg14[%parallel_loop3A_385, %parallel_loop3A_386] {strides = array<i32>} : memref<128x128xf32, #tpu.memory_space<vmem>>, vector<1x16xf32>,
        %parallel_loop3A_388 = vector.shape_cast %parallel_loop3A_387 : vector<1x16xf32> to vector<16xf32>
        %parallel_loop3A_389 = arith.index_cast %parallel_loop3A_321 : i32 to index
        %parallel_loop3A_390 = arith.constant 112 : index
        %parallel_loop3A_391 = tpu.vector_load %arg16[%parallel_loop3A_389, %parallel_loop3A_390] {strides = array<i32>} : memref<128x128xf32, #tpu.memory_space<vmem>>, vector<1x16xf32>,
        %parallel_loop3A_392 = vector.shape_cast %parallel_loop3A_391 : vector<1x16xf32> to vector<16xf32>
        %parallel_loop3A_393 = arith.addf %parallel_loop3A_388, %parallel_loop3A_392 : vector<16xf32>
        %parallel_loop3A_394 = arith.mulf %parallel_loop3A_330, %parallel_loop3A_330 : vector<16xf32>
        %parallel_loop3A_395 = arith.addf %parallel_loop3A_330, %parallel_loop3A_339 : vector<16xf32>
        %parallel_loop3A_396 = arith.mulf %parallel_loop3A_339, %parallel_loop3A_339 : vector<16xf32>
        %parallel_loop3A_397 = arith.addf %parallel_loop3A_394, %parallel_loop3A_396 : vector<16xf32>
        %parallel_loop3A_398 = arith.addf %parallel_loop3A_395, %parallel_loop3A_348 : vector<16xf32>
        %parallel_loop3A_399 = arith.mulf %parallel_loop3A_348, %parallel_loop3A_348 : vector<16xf32>
        %parallel_loop3A_400 = arith.addf %parallel_loop3A_397, %parallel_loop3A_399 : vector<16xf32>
        %parallel_loop3A_401 = arith.addf %parallel_loop3A_398, %parallel_loop3A_357 : vector<16xf32>
        %parallel_loop3A_402 = arith.mulf %parallel_loop3A_357, %parallel_loop3A_357 : vector<16xf32>
        %parallel_loop3A_403 = arith.addf %parallel_loop3A_400, %parallel_loop3A_402 : vector<16xf32>
        %parallel_loop3A_404 = arith.addf %parallel_loop3A_401, %parallel_loop3A_366 : vector<16xf32>
        %parallel_loop3A_405 = arith.mulf %parallel_loop3A_366, %parallel_loop3A_366 : vector<16xf32>
        %parallel_loop3A_406 = arith.addf %parallel_loop3A_403, %parallel_loop3A_405 : vector<16xf32>
        %parallel_loop3A_407 = arith.addf %parallel_loop3A_404, %parallel_loop3A_375 : vector<16xf32>
        %parallel_loop3A_408 = arith.mulf %parallel_loop3A_375, %parallel_loop3A_375 : vector<16xf32>
        %parallel_loop3A_409 = arith.addf %parallel_loop3A_406, %parallel_loop3A_408 : vector<16xf32>
        %parallel_loop3A_410 = arith.addf %parallel_loop3A_407, %parallel_loop3A_384 : vector<16xf32>
        %parallel_loop3A_411 = arith.mulf %parallel_loop3A_384, %parallel_loop3A_384 : vector<16xf32>
        %parallel_loop3A_412 = arith.addf %parallel_loop3A_409, %parallel_loop3A_411 : vector<16xf32>
        %parallel_loop3A_413 = arith.addf %parallel_loop3A_410, %parallel_loop3A_393 : vector<16xf32>
        %parallel_loop3A_414 = arith.mulf %parallel_loop3A_393, %parallel_loop3A_393 : vector<16xf32>
        %parallel_loop3A_415 = arith.addf %parallel_loop3A_412, %parallel_loop3A_414 : vector<16xf32>
        %parallel_loop3A_416 = arith.constant 0 : i32
        %parallel_loop3A_417 = vector.broadcast %parallel_loop3A_416 : i32 to vector<16xi32>
        %parallel_loop3A_418 = arith.cmpi slt, %xor3A_51, %parallel_loop3A_417 : vector<16xi32>
        %parallel_loop3A_419 = arith.constant 16 : i32
        %parallel_loop3A_420 = vector.broadcast %parallel_loop3A_419 : i32 to vector<16xi32>
        %parallel_loop3A_421 = arith.addi %xor3A_51, %parallel_loop3A_420 : vector<16xi32>
        %parallel_loop3A_422 = arith.select %parallel_loop3A_418, %parallel_loop3A_421, %xor3A_51 : vector<16xi1>, vector<16xi32>
        %parallel_loop3A_423 = vector.shape_cast %parallel_loop3A_422 : vector<16xi32> to vector<16x1xi32>
        %parallel_loop3A_424 = vector.shape_cast %parallel_loop3A_423 : vector<16x1xi32> to vector<16xi32>
        %parallel_loop3A_425 = tpu.dynamic_gather %parallel_loop3A_413[%parallel_loop3A_424] in [0] : vector<16xf32>, vector<16xi32> -> vector<16xf32>
        %parallel_loop3A_426 = arith.addf %parallel_loop3A_413, %parallel_loop3A_425 : vector<16xf32>
        %parallel_loop3A_427 = arith.constant 0 : i32
        %parallel_loop3A_428 = vector.broadcast %parallel_loop3A_427 : i32 to vector<16xi32>
        %parallel_loop3A_429 = arith.cmpi slt, %xor3A_54, %parallel_loop3A_428 : vector<16xi32>
        %parallel_loop3A_430 = arith.constant 16 : i32
        %parallel_loop3A_431 = vector.broadcast %parallel_loop3A_430 : i32 to vector<16xi32>
        %parallel_loop3A_432 = arith.addi %xor3A_54, %parallel_loop3A_431 : vector<16xi32>
        %parallel_loop3A_433 = arith.select %parallel_loop3A_429, %parallel_loop3A_432, %xor3A_54 : vector<16xi1>, vector<16xi32>
        %parallel_loop3A_434 = vector.shape_cast %parallel_loop3A_433 : vector<16xi32> to vector<16x1xi32>
        %parallel_loop3A_435 = vector.shape_cast %parallel_loop3A_434 : vector<16x1xi32> to vector<16xi32>
        %parallel_loop3A_436 = tpu.dynamic_gather %parallel_loop3A_426[%parallel_loop3A_435] in [0] : vector<16xf32>, vector<16xi32> -> vector<16xf32>
        %parallel_loop3A_437 = arith.addf %parallel_loop3A_426, %parallel_loop3A_436 : vector<16xf32>
        %parallel_loop3A_438 = arith.constant 0 : i32
        %parallel_loop3A_439 = vector.broadcast %parallel_loop3A_438 : i32 to vector<16xi32>
        %parallel_loop3A_440 = arith.cmpi slt, %xor3A_57, %parallel_loop3A_439 : vector<16xi32>
        %parallel_loop3A_441 = arith.constant 16 : i32
        %parallel_loop3A_442 = vector.broadcast %parallel_loop3A_441 : i32 to vector<16xi32>
        %parallel_loop3A_443 = arith.addi %xor3A_57, %parallel_loop3A_442 : vector<16xi32>
        %parallel_loop3A_444 = arith.select %parallel_loop3A_440, %parallel_loop3A_443, %xor3A_57 : vector<16xi1>, vector<16xi32>
        %parallel_loop3A_445 = vector.shape_cast %parallel_loop3A_444 : vector<16xi32> to vector<16x1xi32>
        %parallel_loop3A_446 = vector.shape_cast %parallel_loop3A_445 : vector<16x1xi32> to vector<16xi32>
        %parallel_loop3A_447 = tpu.dynamic_gather %parallel_loop3A_437[%parallel_loop3A_446] in [0] : vector<16xf32>, vector<16xi32> -> vector<16xf32>
        %parallel_loop3A_448 = arith.addf %parallel_loop3A_437, %parallel_loop3A_447 : vector<16xf32>
        %parallel_loop3A_449 = arith.constant 0 : i32
        %parallel_loop3A_450 = vector.broadcast %parallel_loop3A_449 : i32 to vector<16xi32>
        %parallel_loop3A_451 = arith.cmpi slt, %xor3A_60, %parallel_loop3A_450 : vector<16xi32>
        %parallel_loop3A_452 = arith.constant 16 : i32
        %parallel_loop3A_453 = vector.broadcast %parallel_loop3A_452 : i32 to vector<16xi32>
        %parallel_loop3A_454 = arith.addi %xor3A_60, %parallel_loop3A_453 : vector<16xi32>
        %parallel_loop3A_455 = arith.select %parallel_loop3A_451, %parallel_loop3A_454, %xor3A_60 : vector<16xi1>, vector<16xi32>
        %parallel_loop3A_456 = vector.shape_cast %parallel_loop3A_455 : vector<16xi32> to vector<16x1xi32>
        %parallel_loop3A_457 = vector.shape_cast %parallel_loop3A_456 : vector<16x1xi32> to vector<16xi32>
        %parallel_loop3A_458 = tpu.dynamic_gather %parallel_loop3A_448[%parallel_loop3A_457] in [0] : vector<16xf32>, vector<16xi32> -> vector<16xf32>
        %parallel_loop3A_459 = arith.addf %parallel_loop3A_448, %parallel_loop3A_458 : vector<16xf32>
        %parallel_loop3A_460 = arith.constant 7.812500e-03 : f32
        %parallel_loop3A_461 = vector.broadcast %parallel_loop3A_460 : f32 to vector<16xf32>
        %parallel_loop3A_462 = arith.mulf %parallel_loop3A_459, %parallel_loop3A_461 : vector<16xf32>
        %parallel_loop3A_463 = arith.constant 0 : i32
        %parallel_loop3A_464 = vector.broadcast %parallel_loop3A_463 : i32 to vector<16xi32>
        %parallel_loop3A_465 = arith.cmpi slt, %xor3A_51, %parallel_loop3A_464 : vector<16xi32>
        %parallel_loop3A_466 = arith.constant 16 : i32
        %parallel_loop3A_467 = vector.broadcast %parallel_loop3A_466 : i32 to vector<16xi32>
        %parallel_loop3A_468 = arith.addi %xor3A_51, %parallel_loop3A_467 : vector<16xi32>
        %parallel_loop3A_469 = arith.select %parallel_loop3A_465, %parallel_loop3A_468, %xor3A_51 : vector<16xi1>, vector<16xi32>
        %parallel_loop3A_470 = vector.shape_cast %parallel_loop3A_469 : vector<16xi32> to vector<16x1xi32>
        %parallel_loop3A_471 = vector.shape_cast %parallel_loop3A_470 : vector<16x1xi32> to vector<16xi32>
        %parallel_loop3A_472 = tpu.dynamic_gather %parallel_loop3A_415[%parallel_loop3A_471] in [0] : vector<16xf32>, vector<16xi32> -> vector<16xf32>
        %parallel_loop3A_473 = arith.addf %parallel_loop3A_415, %parallel_loop3A_472 : vector<16xf32>
        %parallel_loop3A_474 = arith.constant 0 : i32
        %parallel_loop3A_475 = vector.broadcast %parallel_loop3A_474 : i32 to vector<16xi32>
        %parallel_loop3A_476 = arith.cmpi slt, %xor3A_54, %parallel_loop3A_475 : vector<16xi32>
        %parallel_loop3A_477 = arith.constant 16 : i32
        %parallel_loop3A_478 = vector.broadcast %parallel_loop3A_477 : i32 to vector<16xi32>
        %parallel_loop3A_479 = arith.addi %xor3A_54, %parallel_loop3A_478 : vector<16xi32>
        %parallel_loop3A_480 = arith.select %parallel_loop3A_476, %parallel_loop3A_479, %xor3A_54 : vector<16xi1>, vector<16xi32>
        %parallel_loop3A_481 = vector.shape_cast %parallel_loop3A_480 : vector<16xi32> to vector<16x1xi32>
        %parallel_loop3A_482 = vector.shape_cast %parallel_loop3A_481 : vector<16x1xi32> to vector<16xi32>
        %parallel_loop3A_483 = tpu.dynamic_gather %parallel_loop3A_473[%parallel_loop3A_482] in [0] : vector<16xf32>, vector<16xi32> -> vector<16xf32>
        %parallel_loop3A_484 = arith.addf %parallel_loop3A_473, %parallel_loop3A_483 : vector<16xf32>
        %parallel_loop3A_485 = arith.constant 0 : i32
        %parallel_loop3A_486 = vector.broadcast %parallel_loop3A_485 : i32 to vector<16xi32>
        %parallel_loop3A_487 = arith.cmpi slt, %xor3A_57, %parallel_loop3A_486 : vector<16xi32>
        %parallel_loop3A_488 = arith.constant 16 : i32
        %parallel_loop3A_489 = vector.broadcast %parallel_loop3A_488 : i32 to vector<16xi32>
        %parallel_loop3A_490 = arith.addi %xor3A_57, %parallel_loop3A_489 : vector<16xi32>
        %parallel_loop3A_491 = arith.select %parallel_loop3A_487, %parallel_loop3A_490, %xor3A_57 : vector<16xi1>, vector<16xi32>
        %parallel_loop3A_492 = vector.shape_cast %parallel_loop3A_491 : vector<16xi32> to vector<16x1xi32>
        %parallel_loop3A_493 = vector.shape_cast %parallel_loop3A_492 : vector<16x1xi32> to vector<16xi32>
        %parallel_loop3A_494 = tpu.dynamic_gather %parallel_loop3A_484[%parallel_loop3A_493] in [0] : vector<16xf32>, vector<16xi32> -> vector<16xf32>
        %parallel_loop3A_495 = arith.addf %parallel_loop3A_484, %parallel_loop3A_494 : vector<16xf32>
        %parallel_loop3A_496 = arith.constant 0 : i32
        %parallel_loop3A_497 = vector.broadcast %parallel_loop3A_496 : i32 to vector<16xi32>
        %parallel_loop3A_498 = arith.cmpi slt, %xor3A_60, %parallel_loop3A_497 : vector<16xi32>
        %parallel_loop3A_499 = arith.constant 16 : i32
        %parallel_loop3A_500 = vector.broadcast %parallel_loop3A_499 : i32 to vector<16xi32>
        %parallel_loop3A_501 = arith.addi %xor3A_60, %parallel_loop3A_500 : vector<16xi32>
        %parallel_loop3A_502 = arith.select %parallel_loop3A_498, %parallel_loop3A_501, %xor3A_60 : vector<16xi1>, vector<16xi32>
        %parallel_loop3A_503 = vector.shape_cast %parallel_loop3A_502 : vector<16xi32> to vector<16x1xi32>
        %parallel_loop3A_504 = vector.shape_cast %parallel_loop3A_503 : vector<16x1xi32> to vector<16xi32>
        %parallel_loop3A_505 = tpu.dynamic_gather %parallel_loop3A_495[%parallel_loop3A_504] in [0] : vector<16xf32>, vector<16xi32> -> vector<16xf32>
        %parallel_loop3A_506 = arith.addf %parallel_loop3A_495, %parallel_loop3A_505 : vector<16xf32>
        %parallel_loop3A_507 = arith.constant 7.812500e-03 : f32
        %parallel_loop3A_508 = vector.broadcast %parallel_loop3A_507 : f32 to vector<16xf32>
        %parallel_loop3A_509 = arith.mulf %parallel_loop3A_506, %parallel_loop3A_508 : vector<16xf32>
        %parallel_loop3A_510 = arith.mulf %parallel_loop3A_462, %parallel_loop3A_462 : vector<16xf32>
        %parallel_loop3A_511 = arith.subf %parallel_loop3A_509, %parallel_loop3A_510 : vector<16xf32>
        %parallel_loop3A_512 = arith.constant 9.99999996E-13 : f32
        %parallel_loop3A_513 = vector.broadcast %parallel_loop3A_512 : f32 to vector<16xf32>
        %parallel_loop3A_514 = arith.addf %parallel_loop3A_511, %parallel_loop3A_513 : vector<16xf32>
        %parallel_loop3A_515 = tpu.bitcast %parallel_loop3A_514 : vector<16xf32> -> vector<16xi32>
        %parallel_loop3A_516 = arith.constant 1 : i32
        %parallel_loop3A_517 = vector.broadcast %parallel_loop3A_516 : i32 to vector<16xi32>
        %parallel_loop3A_518 = arith.shrui %parallel_loop3A_515, %parallel_loop3A_517 : vector<16xi32>
        %parallel_loop3A_519 = arith.constant 1597463007 : i32
        %parallel_loop3A_520 = vector.broadcast %parallel_loop3A_519 : i32 to vector<16xi32>
        %parallel_loop3A_521 = arith.subi %parallel_loop3A_520, %parallel_loop3A_518 : vector<16xi32>
        %parallel_loop3A_522 = tpu.bitcast %parallel_loop3A_521 : vector<16xi32> -> vector<16xf32>
        %parallel_loop3A_523 = arith.constant 5.000000e-01 : f32
        %parallel_loop3A_524 = vector.broadcast %parallel_loop3A_523 : f32 to vector<16xf32>
        %parallel_loop3A_525 = arith.mulf %parallel_loop3A_514, %parallel_loop3A_524 : vector<16xf32>
        %parallel_loop3A_526 = arith.mulf %parallel_loop3A_525, %parallel_loop3A_522 : vector<16xf32>
        %parallel_loop3A_527 = arith.mulf %parallel_loop3A_526, %parallel_loop3A_522 : vector<16xf32>
        %parallel_loop3A_528 = arith.constant 1.500000e+00 : f32
        %parallel_loop3A_529 = vector.broadcast %parallel_loop3A_528 : f32 to vector<16xf32>
        %parallel_loop3A_530 = arith.subf %parallel_loop3A_529, %parallel_loop3A_527 : vector<16xf32>
        %parallel_loop3A_531 = arith.mulf %parallel_loop3A_522, %parallel_loop3A_530 : vector<16xf32>
        %parallel_loop3A_532 = arith.mulf %parallel_loop3A_525, %parallel_loop3A_531 : vector<16xf32>
        %parallel_loop3A_533 = arith.mulf %parallel_loop3A_532, %parallel_loop3A_531 : vector<16xf32>
        %parallel_loop3A_534 = arith.constant 1.500000e+00 : f32
        %parallel_loop3A_535 = vector.broadcast %parallel_loop3A_534 : f32 to vector<16xf32>
        %parallel_loop3A_536 = arith.subf %parallel_loop3A_535, %parallel_loop3A_533 : vector<16xf32>
        %parallel_loop3A_537 = arith.mulf %parallel_loop3A_531, %parallel_loop3A_536 : vector<16xf32>
        %parallel_loop3A_538 = arith.mulf %parallel_loop3A_525, %parallel_loop3A_537 : vector<16xf32>
        %parallel_loop3A_539 = arith.mulf %parallel_loop3A_538, %parallel_loop3A_537 : vector<16xf32>
        %parallel_loop3A_540 = arith.constant 1.500000e+00 : f32
        %parallel_loop3A_541 = vector.broadcast %parallel_loop3A_540 : f32 to vector<16xf32>
        %parallel_loop3A_542 = arith.subf %parallel_loop3A_541, %parallel_loop3A_539 : vector<16xf32>
        %parallel_loop3A_543 = arith.mulf %parallel_loop3A_537, %parallel_loop3A_542 : vector<16xf32>
        %parallel_loop3A_544 = arith.subf %parallel_loop3A_330, %parallel_loop3A_462 : vector<16xf32>
        %parallel_loop3A_545 = arith.mulf %parallel_loop3A_544, %parallel_loop3A_543 : vector<16xf32>
        %parallel_loop3A_546 = arith.mulf %parallel_loop3A_545, %get3A_4 : vector<16xf32>
        %parallel_loop3A_547 = arith.addf %parallel_loop3A_546, %get3A_28 : vector<16xf32>
        %parallel_loop3A_548 = arith.index_cast %parallel_loop3A_321 : i32 to index
        %parallel_loop3A_549 = arith.constant 0 : index
        %parallel_loop3A_550 = tpu.vector_load %arg14[%parallel_loop3A_548, %parallel_loop3A_549] {strides = array<i32>} : memref<128x128xf32, #tpu.memory_space<vmem>>, vector<1x16xf32>,
        %parallel_loop3A_551 = vector.shape_cast %parallel_loop3A_550 : vector<1x16xf32> to vector<16xf32>
        %parallel_loop3A_552 = vector.shape_cast %parallel_loop3A_547 : vector<16xf32> to vector<1x16xf32>
        tpu.vector_store %arg14[%parallel_loop3A_548, %parallel_loop3A_549], %parallel_loop3A_552 {strides = array<i32>} : memref<128x128xf32, #tpu.memory_space<vmem>>, vector<1x16xf32>,
        %parallel_loop3A_553 = arith.subf %parallel_loop3A_339, %parallel_loop3A_462 : vector<16xf32>
        %parallel_loop3A_554 = arith.mulf %parallel_loop3A_553, %parallel_loop3A_543 : vector<16xf32>
        %parallel_loop3A_555 = arith.mulf %parallel_loop3A_554, %get3A_7 : vector<16xf32>
        %parallel_loop3A_556 = arith.addf %parallel_loop3A_555, %get3A_31 : vector<16xf32>
        %parallel_loop3A_557 = arith.index_cast %parallel_loop3A_321 : i32 to index
        %parallel_loop3A_558 = arith.constant 16 : index
        %parallel_loop3A_559 = tpu.vector_load %arg14[%parallel_loop3A_557, %parallel_loop3A_558] {strides = array<i32>} : memref<128x128xf32, #tpu.memory_space<vmem>>, vector<1x16xf32>,
        %parallel_loop3A_560 = vector.shape_cast %parallel_loop3A_559 : vector<1x16xf32> to vector<16xf32>
        %parallel_loop3A_561 = vector.shape_cast %parallel_loop3A_556 : vector<16xf32> to vector<1x16xf32>
        tpu.vector_store %arg14[%parallel_loop3A_557, %parallel_loop3A_558], %parallel_loop3A_561 {strides = array<i32>} : memref<128x128xf32, #tpu.memory_space<vmem>>, vector<1x16xf32>,
        %parallel_loop3A_562 = arith.subf %parallel_loop3A_348, %parallel_loop3A_462 : vector<16xf32>
        %parallel_loop3A_563 = arith.mulf %parallel_loop3A_562, %parallel_loop3A_543 : vector<16xf32>
        %parallel_loop3A_564 = arith.mulf %parallel_loop3A_563, %get3A_10 : vector<16xf32>
        %parallel_loop3A_565 = arith.addf %parallel_loop3A_564, %get3A_34 : vector<16xf32>
        %parallel_loop3A_566 = arith.index_cast %parallel_loop3A_321 : i32 to index
        %parallel_loop3A_567 = arith.constant 32 : index
        %parallel_loop3A_568 = tpu.vector_load %arg14[%parallel_loop3A_566, %parallel_loop3A_567] {strides = array<i32>} : memref<128x128xf32, #tpu.memory_space<vmem>>, vector<1x16xf32>,
        %parallel_loop3A_569 = vector.shape_cast %parallel_loop3A_568 : vector<1x16xf32> to vector<16xf32>
        %parallel_loop3A_570 = vector.shape_cast %parallel_loop3A_565 : vector<16xf32> to vector<1x16xf32>
        tpu.vector_store %arg14[%parallel_loop3A_566, %parallel_loop3A_567], %parallel_loop3A_570 {strides = array<i32>} : memref<128x128xf32, #tpu.memory_space<vmem>>, vector<1x16xf32>,
        %parallel_loop3A_571 = arith.subf %parallel_loop3A_357, %parallel_loop3A_462 : vector<16xf32>
        %parallel_loop3A_572 = arith.mulf %parallel_loop3A_571, %parallel_loop3A_543 : vector<16xf32>
        %parallel_loop3A_573 = arith.mulf %parallel_loop3A_572, %get3A_13 : vector<16xf32>
        %parallel_loop3A_574 = arith.addf %parallel_loop3A_573, %get3A_37 : vector<16xf32>
        %parallel_loop3A_575 = arith.index_cast %parallel_loop3A_321 : i32 to index
        %parallel_loop3A_576 = arith.constant 48 : index
        %parallel_loop3A_577 = tpu.vector_load %arg14[%parallel_loop3A_575, %parallel_loop3A_576] {strides = array<i32>} : memref<128x128xf32, #tpu.memory_space<vmem>>, vector<1x16xf32>,
        %parallel_loop3A_578 = vector.shape_cast %parallel_loop3A_577 : vector<1x16xf32> to vector<16xf32>
        %parallel_loop3A_579 = vector.shape_cast %parallel_loop3A_574 : vector<16xf32> to vector<1x16xf32>
        tpu.vector_store %arg14[%parallel_loop3A_575, %parallel_loop3A_576], %parallel_loop3A_579 {strides = array<i32>} : memref<128x128xf32, #tpu.memory_space<vmem>>, vector<1x16xf32>,
        %parallel_loop3A_580 = arith.subf %parallel_loop3A_366, %parallel_loop3A_462 : vector<16xf32>
        %parallel_loop3A_581 = arith.mulf %parallel_loop3A_580, %parallel_loop3A_543 : vector<16xf32>
        %parallel_loop3A_582 = arith.mulf %parallel_loop3A_581, %get3A_16 : vector<16xf32>
        %parallel_loop3A_583 = arith.addf %parallel_loop3A_582, %get3A_40 : vector<16xf32>
        %parallel_loop3A_584 = arith.index_cast %parallel_loop3A_321 : i32 to index
        %parallel_loop3A_585 = arith.constant 64 : index
        %parallel_loop3A_586 = tpu.vector_load %arg14[%parallel_loop3A_584, %parallel_loop3A_585] {strides = array<i32>} : memref<128x128xf32, #tpu.memory_space<vmem>>, vector<1x16xf32>,
        %parallel_loop3A_587 = vector.shape_cast %parallel_loop3A_586 : vector<1x16xf32> to vector<16xf32>
        %parallel_loop3A_588 = vector.shape_cast %parallel_loop3A_583 : vector<16xf32> to vector<1x16xf32>
        tpu.vector_store %arg14[%parallel_loop3A_584, %parallel_loop3A_585], %parallel_loop3A_588 {strides = array<i32>} : memref<128x128xf32, #tpu.memory_space<vmem>>, vector<1x16xf32>,
        %parallel_loop3A_589 = arith.subf %parallel_loop3A_375, %parallel_loop3A_462 : vector<16xf32>
        %parallel_loop3A_590 = arith.mulf %parallel_loop3A_589, %parallel_loop3A_543 : vector<16xf32>
        %parallel_loop3A_591 = arith.mulf %parallel_loop3A_590, %get3A_19 : vector<16xf32>
        %parallel_loop3A_592 = arith.addf %parallel_loop3A_591, %get3A_43 : vector<16xf32>
        %parallel_loop3A_593 = arith.index_cast %parallel_loop3A_321 : i32 to index
        %parallel_loop3A_594 = arith.constant 80 : index
        %parallel_loop3A_595 = tpu.vector_load %arg14[%parallel_loop3A_593, %parallel_loop3A_594] {strides = array<i32>} : memref<128x128xf32, #tpu.memory_space<vmem>>, vector<1x16xf32>,
        %parallel_loop3A_596 = vector.shape_cast %parallel_loop3A_595 : vector<1x16xf32> to vector<16xf32>
        %parallel_loop3A_597 = vector.shape_cast %parallel_loop3A_592 : vector<16xf32> to vector<1x16xf32>
        tpu.vector_store %arg14[%parallel_loop3A_593, %parallel_loop3A_594], %parallel_loop3A_597 {strides = array<i32>} : memref<128x128xf32, #tpu.memory_space<vmem>>, vector<1x16xf32>,
        %parallel_loop3A_598 = arith.subf %parallel_loop3A_384, %parallel_loop3A_462 : vector<16xf32>
        %parallel_loop3A_599 = arith.mulf %parallel_loop3A_598, %parallel_loop3A_543 : vector<16xf32>
        %parallel_loop3A_600 = arith.mulf %parallel_loop3A_599, %get3A_22 : vector<16xf32>
        %parallel_loop3A_601 = arith.addf %parallel_loop3A_600, %get3A_46 : vector<16xf32>
        %parallel_loop3A_602 = arith.index_cast %parallel_loop3A_321 : i32 to index
        %parallel_loop3A_603 = arith.constant 96 : index
        %parallel_loop3A_604 = tpu.vector_load %arg14[%parallel_loop3A_602, %parallel_loop3A_603] {strides = array<i32>} : memref<128x128xf32, #tpu.memory_space<vmem>>, vector<1x16xf32>,
        %parallel_loop3A_605 = vector.shape_cast %parallel_loop3A_604 : vector<1x16xf32> to vector<16xf32>
        %parallel_loop3A_606 = vector.shape_cast %parallel_loop3A_601 : vector<16xf32> to vector<1x16xf32>
        tpu.vector_store %arg14[%parallel_loop3A_602, %parallel_loop3A_603], %parallel_loop3A_606 {strides = array<i32>} : memref<128x128xf32, #tpu.memory_space<vmem>>, vector<1x16xf32>,
        %parallel_loop3A_607 = arith.subf %parallel_loop3A_393, %parallel_loop3A_462 : vector<16xf32>
        %parallel_loop3A_608 = arith.mulf %parallel_loop3A_607, %parallel_loop3A_543 : vector<16xf32>
        %parallel_loop3A_609 = arith.mulf %parallel_loop3A_608, %get3A_25 : vector<16xf32>
        %parallel_loop3A_610 = arith.addf %parallel_loop3A_609, %get3A_49 : vector<16xf32>
        %parallel_loop3A_611 = arith.index_cast %parallel_loop3A_321 : i32 to index
        %parallel_loop3A_612 = arith.constant 112 : index
        %parallel_loop3A_613 = tpu.vector_load %arg14[%parallel_loop3A_611, %parallel_loop3A_612] {strides = array<i32>} : memref<128x128xf32, #tpu.memory_space<vmem>>, vector<1x16xf32>,
        %parallel_loop3A_614 = vector.shape_cast %parallel_loop3A_613 : vector<1x16xf32> to vector<16xf32>
        %parallel_loop3A_615 = vector.shape_cast %parallel_loop3A_610 : vector<16xf32> to vector<1x16xf32>
        tpu.vector_store %arg14[%parallel_loop3A_611, %parallel_loop3A_612], %parallel_loop3A_615 {strides = array<i32>} : memref<128x128xf32, #tpu.memory_space<vmem>>, vector<1x16xf32>,
      } {sc.loop_unroll_factor = 4 : i64, sc.parallel_access}
      %mul3A_314 = arith.constant 128 : i32
      %mul3A_315 = arith.muli %add3A_284, %mul3A_314 : i32
      %add3A_316 = arith.addi %mul3A_2, %mul3A_315 : i32
      %dma_start3A_317 = arith.constant 0 : i32
      %dma_start3A_318 = tpu.memref_slice %arg8[%add3A_316, %dma_start3A_317] : memref<819200x128xf32, #tpu.memory_space<hbm>> -> memref<128x128xf32, #tpu.memory_space<hbm>>
      %dma_start3A_319 = arith.constant 0 : i32
      %dma_start3A_320 = tpu.memref_slice %arg8[%add3A_316, %dma_start3A_319] : memref<819200x128xf32, #tpu.memory_space<hbm>> -> memref<128x128xf32, #tpu.memory_space<hbm>>
      tpu.enqueue_dma source(%arg14 : memref<128x128xf32, #tpu.memory_space<vmem>>) target(%dma_start3A_320 : memref<128x128xf32, #tpu.memory_space<hbm>>) target_semaphore(%arg28 : memref<!tpu.dma_semaphore, #tpu.memory_space<semaphore_mem>>)
    }
    %scan3A_233 = arith.constant 100 : i32
    %dma_wait3A_234 = arith.constant 0 : i32
    %dma_wait3A_235 = arith.constant 0 : i32
    %dma_wait3A_236 = tpu.memref_slice %arg8[%dma_wait3A_234, %dma_wait3A_235] : memref<819200x128xf32, #tpu.memory_space<hbm>> -> memref<128x128xf32, #tpu.memory_space<hbm>>
    %dma_wait3A_237 = arith.constant 0 : i32
    %dma_wait3A_238 = arith.constant 0 : i32
    %dma_wait3A_239 = tpu.memref_slice %arg8[%dma_wait3A_237, %dma_wait3A_238] : memref<819200x128xf32, #tpu.memory_space<hbm>> -> memref<128x128xf32, #tpu.memory_space<hbm>>
    tpu.wait_dma2 semaphore(%arg27 : memref<!tpu.dma_semaphore, #tpu.memory_space<semaphore_mem>>) src(%arg13 : memref<128x128xf32, #tpu.memory_space<vmem>>) dst(%dma_wait3A_239 : memref<128x128xf32, #tpu.memory_space<hbm>>)
    %dma_wait3A_240 = arith.constant 0 : i32
    %dma_wait3A_241 = arith.constant 0 : i32
    %dma_wait3A_242 = tpu.memref_slice %arg8[%dma_wait3A_240, %dma_wait3A_241] : memref<819200x128xf32, #tpu.memory_space<hbm>> -> memref<128x128xf32, #tpu.memory_space<hbm>>
    %dma_wait3A_243 = arith.constant 0 : i32
    %dma_wait3A_244 = arith.constant 0 : i32
    %dma_wait3A_245 = tpu.memref_slice %arg8[%dma_wait3A_243, %dma_wait3A_244] : memref<819200x128xf32, #tpu.memory_space<hbm>> -> memref<128x128xf32, #tpu.memory_space<hbm>>
    tpu.wait_dma2 semaphore(%arg28 : memref<!tpu.dma_semaphore, #tpu.memory_space<semaphore_mem>>) src(%arg14 : memref<128x128xf32, #tpu.memory_space<vmem>>) dst(%dma_wait3A_245 : memref<128x128xf32, #tpu.memory_space<hbm>>)
    return
  }
}

</mosaic_0001>

<sc_bundles>
// kernel: kernel.3.cloned.1.call-start
scs
__scs_entry_jumppad:
0x0: {  	(pc) =	sbr.rel $0x88, $3  }
0x1: {  	(tag) =	ssettag $0x0;
	lr =	simm.s32 $0x1  }
0x2: {  	[smem:$0x3F9A] =	sst lr;
	_ =	strace $0xD0000000  }
0x3: {  	_ = 	snop  }
0x4: {  	_ = 	snop  }
0x5: {  	_ = 	snop  }
0x6: {  	_ = 	snop  }
0x7: {  	_ = 	snop  }
__scs_overlays_trampoline_lowered:
0x8: {  	[smem:$0x3FA9] =	sst s0  }
0x9: {  	[smem:$0x3FAA] =	sst s1  }
0xa: {  	[smem:$0x3FAB] =	sst s2  }
0xb: {  	[smem:$0x3FAC] =	sst s3  }
0xc: {  	[smem:$0x3FAD] =	sst s4  }
0xd: {  	[smem:$0x3FAE] =	sst s5  }
0xe: {  	[smem:$0x3FAF] =	sst s6  }
0xf: {  	[smem:$0x3FB0] =	sst s7  }
0x10: {  	[smem:$0x3FB1] =	sst s8  }
0x11: {  	[smem:$0x3FB2] =	sst s9;
	s0 =	simm.s32 @!p0 $0x0  }
0x12: {  	s1 =	sld [smem:$0x3F98];
	s0 =	simm.s32 @p0 $0x1  }
0x13: {  	[smem:$0x3FB3] =	sst s0;
	s0 =	simm.s32 @!p1 $0x0  }
0x14: {  	s2 =	sld [smem:$0x3F97];
	s0 =	simm.s32 @p1 $0x1  }
0x15: {  	[smem:$0x3FB4] =	sst s0;
	s0 =	simm.s32 @!p2 $0x0  }
0x16: {  	s3 =	sld [smem:$0x3FDB];
	s0 =	simm.s32 @p2 $0x1  }
0x17: {  	s4 =	simm.s32 $0x1BF5;
	[smem:$0x3FB6] =	sst s0  }
0x18: {  	s0 =	sld [smem:$0x3F99];
	_ =	swait.ge [sflag:s4], $0x0  }
0x19: {  	s7 =	sld [smem:$0x3F9A]  }
0x1a: {  	s8 =	sadd.s32 $0xFFFFE003, lr  }
0x1b: {  	s9 =	sadd.s32 $0xFFFFFEF7, lr;
	s5 =	simm.s32 $0xFFFFFFFF;
	p2 =	slt.u32 s8, $0xFFFFF086  }
0x1c: {  	p1 =	slt.u32 s9, $0xF7A;
	s5 =	simm.s32 @!p2 $0x0  }
0x1d: {  	s5 =	simm.s32 @p1 $0x1;
	p0 =	seq.s32 s7, s2  }
0x1e: {  	s7 =	smul.u32 @!p0 $0xF7A, s2;
	p2 =	seq.s32 @!p0 s5, $0x0  }
0x1f: {  	s9 =	smul.u32 $0xF7A, s1;
	s8 =	simm.s32 @!p0 $0x1BF5;
	p2 =	por !p2, p0  }
0x20: {  	[sflag:s8] =	ssyncset.s32 @!p0 $0xFFFFF086;
	s6 =	sadd.s32 @!p0 s3, s7;
	s7 =	simm.s32 @!p0 $0x108  }
0x21: {  	s3 =	sadd.s32 s3, s9;
	s6 =	sadd.s32 @!p0 $0x88, s6;
	s7 =	simm.s32 @p2 $0x1082  }
0x22: {  	[simem:s7], [sflag:s8] =	dma.local @!p0 [hbm:s6], $0xF7A  }
0x23: {  	s9 =	sor.u32 $0xD0000000, s2;
	s6 =	simm.s32 $0x108;
	_ =	swait.ge @!p0 [sflag:s8], $0x0  }
0x24: {  	s3 =	sadd.s32 $0x88, s3;
	s6 =	simm.s32 @!p1 $0x1082;
	[sflag:s4] =	ssyncset.s32 $0xFFFFF086  }
0x25: {  	[simem:s6], [sflag:s4] =	dma.local [hbm:s3], $0xF7A  }
0x26: {  	[smem:$0x3F9A] =	sst s1;
	(tag) =	ssettag s2;
	_ =	strace s9  }
0x27: {  	s1 =	sld [smem:$0x3FAA]  }
0x28: {  	s2 =	sld [smem:$0x3FAB]  }
0x29: {  	s4 =	sld [smem:$0x3FAD]  }
0x2a: {  	p0 =	seq.s32 s5, $0x0;
	s5 =	sld [smem:$0x3FAE]  }
0x2b: {  	s6 =	sld [smem:$0x3FAF]  }
0x2c: {  	s7 =	sld [smem:$0x3FB0]  }
0x2d: {  	s3 =	simm.s32 $0x108;
	s8 =	sld [smem:$0x3FB1]  }
0x2e: {  	s3 =	simm.s32 @!p0 $0x1082;
	s9 =	sld [smem:$0x3FB2]  }
0x2f: {  	lr =	sadd.s32 s0, s3;
	s0 =	sld [smem:$0x3FA9]  }
0x30: {  	s3 =	sld [smem:$0x3FAC]  }
0x31: {  	[smem:$0x3FB5] =	sst s10  }
0x32: {  	s10 =	sld [smem:$0x3FB3];
	_ =	sdelay $0x3  }
0x33: {  	p0 =	seq.s32 s10, $0x1;
	s10 =	sld [smem:$0x3FB5];
	_ =	sdelay $0x3  }
0x34: {  	[smem:$0x3FB5] =	sst s10  }
0x35: {  	s10 =	sld [smem:$0x3FB4];
	_ =	sdelay $0x3  }
0x36: {  	p1 =	seq.s32 s10, $0x1;
	s10 =	sld [smem:$0x3FB5];
	_ =	sdelay $0x3  }
0x37: {  	[smem:$0x3FB5] =	sst s10  }
0x38: {  	s10 =	sld [smem:$0x3FB6]  }
0x39: {  	_ = 	snop;
	(pc) =	sbr.ind lr, $3  }
0x3a: {  	_ = 	snop  }
0x3b: {  	_ = 	snop  }
0x3c: {  	p2 =	seq.s32 s10, $0x1;
	s10 =	sld [smem:$0x3FB5]  }
0x3d: {  	_ =	shalt  }
0x3e: {  	_ =	shalt  }
0x3f: {  	_ =	shalt  }
0x40: {  	_ =	shalt  }
0x41: {  	_ =	shalt  }
0x42: {  	_ =	shalt  }
0x43: {  	_ =	shalt  }
0x44: {  	_ =	shalt  }
0x45: {  	_ =	shalt  }
0x46: {  	_ =	shalt  }
0x47: {  	_ =	shalt  }
0x48: {  	_ =	shalt  }
0x49: {  	_ =	shalt  }
0x4a: {  	_ =	shalt  }
0x4b: {  	_ =	shalt  }
0x4c: {  	_ =	shalt  }
0x4d: {  	_ =	shalt  }
0x4e: {  	_ =	shalt  }
0x4f: {  	_ =	shalt  }
0x50: {  	_ =	shalt  }
0x51: {  	_ =	shalt  }
0x52: {  	_ =	shalt  }
0x53: {  	_ =	shalt  }
0x54: {  	_ =	shalt  }
0x55: {  	_ =	shalt  }
0x56: {  	_ =	shalt  }
0x57: {  	_ =	shalt  }
0x58: {  	_ =	shalt  }
0x59: {  	_ =	shalt  }
0x5a: {  	_ =	shalt  }
0x5b: {  	_ =	shalt  }
0x5c: {  	_ =	shalt  }
0x5d: {  	_ =	shalt  }
0x5e: {  	_ =	shalt  }
0x5f: {  	_ =	shalt  }
0x60: {  	_ =	shalt  }
0x61: {  	_ =	shalt  }
0x62: {  	_ =	shalt  }
0x63: {  	_ =	shalt  }
0x64: {  	_ =	shalt  }
0x65: {  	_ =	shalt  }
0x66: {  	_ =	shalt  }
0x67: {  	_ =	shalt  }
0x68: {  	_ =	shalt  }
0x69: {  	_ =	shalt  }
0x6a: {  	_ =	shalt  }
0x6b: {  	_ =	shalt  }
0x6c: {  	_ =	shalt  }
0x6d: {  	_ =	shalt  }
0x6e: {  	_ =	shalt  }
0x6f: {  	_ =	shalt  }
0x70: {  	_ =	shalt  }
0x71: {  	_ =	shalt  }
0x72: {  	_ =	shalt  }
0x73: {  	_ =	shalt  }
0x74: {  	_ =	shalt  }
0x75: {  	_ =	shalt  }
0x76: {  	_ =	shalt  }
0x77: {  	_ =	shalt  }
0x78: {  	_ =	shalt  }
0x79: {  	_ =	shalt  }
0x7a: {  	_ =	shalt  }
0x7b: {  	_ =	shalt  }
0x7c: {  	_ =	shalt  }
0x7d: {  	_ =	shalt  }
0x7e: {  	_ =	shalt  }
0x7f: {  	_ =	shalt  }
0x80: {  	_ =	shalt  }
0x81: {  	_ =	shalt  }
0x82: {  	_ =	shalt  }
0x83: {  	_ =	shalt  }
0x84: {  	_ =	shalt  }
0x85: {  	_ =	shalt  }
0x86: {  	_ =	shalt  }
0x87: {  	_ =	shalt  }
.Lfunc_end0:
.L_simem_size_0:
called_computation_lowered:
.L_overlay_start_0:
0x88: {  	s2 =	sld [smem:$0x3FD9]  }
0x89: {  	s3 =	sld [smem:$0x3FFE];
	_ =	sdelay $0x1  }
0x8a: {  	s1 =	srdreg.scid  }
0x8b: {  	s0 =	sand.u32 $0x1, s1  }
0x8c: {  	s17 =	sshll.u32 s0, $0xA;
	s2 =	sadd.s32 s3, s2  }
0x8d: {  	s2 =	sadd.s32 s2, s17  }
0x8e: {  	[smem:$0x3FC1] =	sst s2  }
0x8f: {  	_ = 	snop  }
0x90: {  	s2 =	sld [smem:$0x3FC7]  }
0x91: {  	s18 =	sld [smem:$0x3FC4]  }
0x92: {  	s4 =	sld [smem:$0x3FC3]  }
0x93: {  	s5 =	sld [smem:$0x3FD0];
	(tm) =	ssettm $0x1  }
0x94: {  	s6 =	sld [smem:$0x3FFB];
	_ =	sdelay $0x3  }
0x95: {  	_ =	strace s6  }
0x96: {  	s6 =	sld [smem:$0x3FFC];
	_ =	sdelay $0x3  }
0x97: {  	_ =	strace s6  }
0x98: {  	s6 =	sld [smem:$0x3FFD];
	_ =	sdelay $0x3  }
0x99: {  	_ =	strace s6  }
0x9a: {  	_ =	strace $0x8FFFFFFF  }
0x9b: {  	s19 =	sld [smem:$0x3FDB];
	_ =	sdelay $0x1  }
0x9c: {  	s7 =	simm.s32 $_scs_section_size  }
0x9d: {  	s8 =	simm.s32 $_size__tile_overlayer_lowered;
	s9 =	simm.s32 $_tile_overlayer_lowered  }
0x9e: {  	s22 =	simm.s32 $0x1BFF;
	s21 =	sshll.u32 s9, $0x1;
	s6 =	sadd.s32 s7, s19  }
0x9f: {  	s10 =	simm.s32 $0x0;
	s20 =	sshll.u32 s8, $0x1;
	s8 =	sadd.s32 s21, s6  }
0xa0: {  	[timem:s10], [sflag:s22] =	dma.local [hbm:s8], s20  }
0xa1: {  	_ =	swait.ge [sflag:s22], s20  }
0xa2: {  	s7 =	ssub.s32 $0x0, s20;
	[sflag:s22] =	ssyncset.done $0x0  }
0xa3: {  	[sflag:s22] =	ssyncadd.s32 s7;
	_ =	sdelay $0x1  }
0xa4: {  	s23 =	simm.s32 $0x1B8B  }
0xa5: {  	_ =	swait.ge [sflag:s23], $0x1  }
0xa6: {  	[sflag:s23] =	ssyncset.done $0x0  }
0xa7: {  	s25 =	simm.s32 $0x1B8E;
	s24 =	sld [smem:$0x3FFE];
	[sflag:s23] =	ssyncadd.s32 $0xFFFFFFFF  }
0xa8: {  	s26 =	simm.s32 $execute0_lowered;
	[smem:$0x3FD2] =	sst s25  }
0xa9: {  	s8 =	sshll.u32 s26, $0x1;
	_ =	strace $0x80000046;
	[dreg:$0x1] =	wrdreg $0xFFFFFFFF  }
0xaa: {  	s28 =	simm.s32 $_size_execute0_lowered;
	s6 =	sadd.s32 s6, s8;
	[dreg:$0x0] =	wrdreg $0x0  }
0xab: {  	s8 =	sshll.u32 s28, $0x1;
	[dreg:$0x2] =	wrdreg s6  }
0xac: {  	[dreg:$0x3] =	wrdreg s8  }
0xad: {  	[dreg:$0x4] =	wrdreg $0xC0  }
0xae: {  	_ =	task [dreg:s10], $0x5FFFF  }
0xaf: {  	[dreg:$0x1] =	wrdreg $0xFFFFFFFF  }
0xb0: {  	[dreg:$0x0] =	wrdreg $0x60  }
0xb1: {  	[dreg:$0x2] =	wrdreg s24  }
0xb2: {  	[dreg:$0x3] =	wrdreg s2  }
0xb3: {  	[dreg:$0x4] =	wrdreg s18  }
0xb4: {  	[dreg:$0x5] =	wrdreg s4  }
0xb5: {  	[dreg:$0x6] =	wrdreg s5  }
0xb6: {  	[dreg:$0x7] =	wrdreg $0x9  }
0xb7: {  	_ =	task.clear_ibuf [dreg:s10], $0x8FFFF;
	_ =	strace $0x90000046  }
0xb8: {  	s29 =	simm.s32 $0x9;
	_ =	strace $0x80000048  }
0xb9: {  	_ =	swait.ge [sflag:s29], $0x1  }
0xba: {  	[sflag:s29] =	ssyncadd.s32 $0xFFFFFFFF  }
0xbb: {  	_ =	strace $0x90000048  }
0xbc: {  	_ =	sfence  }
0xbd: {  	s30 =	sld [smem:$0x0];
	_ =	sdelay $0x2  }
0xbe: {  	s31 =	sshll.u32 s1, $0xD;
	s1 =	sshrl.u32 s1, $0x2  }
0xbf: {  	s3 =	sand.u32 $0x4000, s31;
	s1 =	sadd.s32 s1, s30  }
0xc0: {  	s0 =	sor.u32 s3, s0;
	s1 =	sshll.u32 s1, $0x11  }
0xc1: {  	s0 =	sor.u32 s1, s0  }
0xc2: {  	s0 =	sadd.s32 $0x8F2B, s0  }
0xc3: {  	[sflag:s0] =	ssyncadd.remote.s32 $0x1  }
0xc4: {  	_ =	sfence.sel $0xFFFF  }
0xc5: {  	[dreg:$0x0] =	wrdreg $0xFFFFFFFF;
	(pc) =	sbr.abs _section_cstart, $3  }
0xc6: {  	[dreg:$0x1] =	wrdreg $0xFFFFFFFF  }
0xc7: {  	_ =	task.clear_ibuf [dreg:s10], $0x2FFFF;
	_ =	strace $0x9FFFFFFF  }
0xc8: {  	(tm) =	ssettm $0x7FFFFFFF  }
0xc9: {  	_ =	shalt  }
tec
execute0_lowered:
.L_overlay_start_1:
0x0: {  	(tag) =	ssettag $0x1  }
0x1: {  	s0 =	srdreg.scid;
	s1 =	stileid.u32  }
0x2: {  	s3 =	sand.u32 $0x1, s0;
	s14 =	sshll.u32 s1, $0x1  }
0x3: {  	s0 =	sor.u32 s3, s14  }
0x4: {  	s1 =	smul.u32 $0x6400, s0  }
0x5: {  	v11 =	vlaneseq.u32  }
0x6: {  	v0 =	vor.u32 s1, v11;
	s2 =	sor.u32 $0x10, s1  }
0x7: {  	s15 =	sor.u32 $0x20, s1;
	v1 =	vmulhi.u32 $0x51EB851F, v0;
	v2 =	vor.u32 s2, v11  }
0x8: {  	s16 =	sor.u32 $0x30, s1;
	v4 =	vor.u32 s15, v11;
	v3 =	vmulhi.u32 $0x51EB851F, v2  }
0x9: {  	s17 =	sor.u32 $0x40, s1;
	v6 =	vor.u32 s16, v11;
	v5 =	vmulhi.u32 $0x51EB851F, v4  }
0xa: {  	v52 =	vimm.s32 $0xBA98FEDC;
	s5 =	sor.u32 $0x50, s1;
	v8 =	vor.u32 s17, v11;
	v7 =	vmulhi.u32 $0x51EB851F, v6  }
0xb: {  	v53 =	vimm.s32 $0x32107654;
	s18 =	sor.u32 $0x60, s1;
	v10 =	vor.u32 s5, v11;
	v9 =	vmulhi.u32 $0x51EB851F, v8  }
0xc: {  	v59 =	vimm.s32 $0x76543210;
	s19 =	sor.u32 $0x70, s1;
	v49 =	vor.u32 s18, v11;
	v44 =	vmulhi.u32 $0x51EB851F, v10  }
0xd: {  	v60 =	vimm.s32 $0xFEDCBA98;
	v51 =	vor.u32 s19, v11;
	v50 =	vmulhi.u32 $0x51EB851F, v49  }
0xe: {  	v54 =	vmulhi.u32 $0x51EB851F, v51;
	v1 =	vshrl.u32 v1, $0x6;
	v3 =	vshrl.u32 v3, $0x6  }
0xf: {  	v1 =	vmul.u32 $0xC8, v1;
	v5 =	vshrl.u32 v5, $0x6;
	v7 =	vshrl.u32 v7, $0x6  }
0x10: {  	v48 =	vshrl.u32 v9, $0x6;
	v55 =	vshrl.u32 v50, $0x6;
	v56 =	vshrl.u32 v54, $0x6  }
0x11: {  	v9 =	vimm.s32 $0xEFCDAB89;
	v3 =	vmul.u32 $0xC8, v3;
	v5 =	vmul.u32 $0xC8, v5  }
0x12: {  	v7 =	vmul.u32 $0xC8, v7;
	v9 =	vunpack.c.l.s4.s8 v9;
	v0 =	vsub.s32 v0, v1  }
0x13: {  	v1 =	vmul.u32 $0xC8, v48;
	v45 =	vsub.s32 v2, v3;
	v46 =	vsub.s32 v4, v5  }
0x14: {  	s4 =	rddreg [dreg:$0x0];
	[tilespmem:$0x1FF40] =	vst v0;
	v47 =	vsub.s32 v6, v7;
	v0 =	vshrl.u32 v44, $0x6;
	v5 =	vunpack.c.l.s4.s8 v52  }
0x15: {  	s6 =	rddreg [dreg:$0x4];
	v6 =	vunpack.c.l.s4.s8 v53;
	v7 =	vunpack.c.l.s4.s8 v60;
	v9 =	vunpack.c.0.s8.s32 v9  }
0x16: {  	s7 =	simm.s32 $0x0;
	s29 =	simm.s32 $0x2;
	s30 =	simm.s32 $0x4;
	[tilespmem:$0x1FF50] =	vst v45;
	v0 =	vmul.u32 $0xC8, v0;
	v1 =	vsub.s32 v8, v1;
	v8 =	vimm.s32 $0xDCFE98BA  }
0x17: {  	s31 =	simm.s32 $0x4200;
	[smem:$0x7FF] =	sst s7;
	s8 =	sadd.s32 $0xC00, s4;
	[tilespmem:$0x1FF60] =	vst v46;
	v57 =	vunpack.c.0.s8.s32 v5;
	v58 =	vunpack.c.0.s8.s32 v6;
	v61 =	vunpack.c.l.s4.s8 v8  }
0x18: {  	s9 =	sadd.s32 $0x19C00, s4;
	s10 =	sadd.s32 $0x32C00, s4;
	s4 =	simm.s32 $0x6;
	[tilespmem:$0x1FF70] =	vst v47;
	v8 =	vimm.s32 $0x54761032;
	v6 =	vunpack.c.l.s4.s8 v59;
	v7 =	vunpack.c.0.s8.s32 v7  }
0x19: {  	s3 =	ssub.s32 $0x2, s3;
	s2 =	rddreg [dreg:$0x1];
	_ =	strace $0x80000047;
	[tilespmem:$0x1FF80] =	vst v1;
	v1 =	vmul.u32 $0xC8, v56;
	v0 =	vsub.s32 v10, v0;
	v10 =	vimm.s32 $0x67452301  }
0x1a: {  	s20 =	sshrl.u32 s3, $0x1;
	s13 =	smul.u32 $0x320000, s0;
	s0 =	simm.s32 $0x5;
	v8 =	vunpack.c.l.s4.s8 v8;
	v3 =	vcombine.low v58, v57;
	v10 =	vunpack.c.l.s4.s8 v10  }
0x1b: {  	s3 =	ssub.s32 s3, s20;
	s20 =	simm.s32 $0x9;
	s21 =	sshrl.u32 s1, $0x3;
	[tilespmem:$0x1FF90] =	vst v0;
	v5 =	vunpack.c.0.s8.s32 v61;
	v0 =	vmul.u32 $0xC8, v55;
	v6 =	vunpack.c.0.s8.s32 v6  }
0x1c: {  	s14 =	sor.u32 $0x180, s1;
	s28 =	smax.u32 s3, $0x1;
	s22 =	sadd.s32 s8, s21;
	v7 =	vand.u32 $0xF, v7;
	v62 =	vsub.s32 v51, v1;
	v8 =	vunpack.c.0.s8.s32 v8  }
0x1d: {  	s23 =	sadd.s32 s9, s21;
	s24 =	sor.u32 $0x10, s21;
	[dreg:$0x6] =	wrdreg s22;
	[tilespmem:$0x1FFB0] =	vst v62;
	v10 =	vunpack.c.0.s8.s32 v10;
	v0 =	vsub.s32 v49, v0;
	v63 =	vcombine.low v7, v6  }
0x1e: {  	s3 =	simm.s32 $0x7;
	s25 =	sadd.s32 s8, s24;
	[dreg:$0x7] =	wrdreg s23;
	v5 =	vcombine.low v8, v5;
	[tilespmem:$0x1FFA0] =	vst v0  }
0x1f: {  	s5 =	simm.s32 $0xC200;
	s26 =	sadd.s32 s9, s24;
	[dreg:$0x8] =	wrdreg s25;
	v8 =	vcombine.low v10, v9;
	[tilespmem:$0x1FFC0] =	vst v63;
	v10 =	vand.u32 $0xF, v3  }
0x20: {  	s18 =	simm.s32 $0x8;
	s15 =	simm.s32 $0x0;
	[dreg:$0x9] =	wrdreg s26;
	v11 =	vand.u32 $0xF, v5;
	[tilespmem:$0x1FFD0] =	vst v10  }
0x21: {  	s24 =	simm.s32 $0x1;
	[dreg:$0xa] =	wrdreg s28;
	s22 =	simm.s32 $0x80;
	v12 =	vand.u32 $0xF, v8;
	[tilespmem:$0x1FFF0] =	vst v11  }
0x22: {  	s23 =	simm.s32 $0x180;
	s25 =	simm.s32 $0x3;
	s26 =	simm.s32 $0x200;
	[tilespmem:$0x1FFE0] =	vst v12  }
.LBB2_1:
0x23: {  	[dreg:$0xb] =	wrdreg s15  }
0x24: {  	s11 =	rddreg [dreg:$0x2];
	s12 =	simm.s32 $0x10200;
	s19 =	simm.s32 $0xB  }
0x25: {  	[tilespmem:s12], [sflag:$0xB] =	stream.linear.gather [hbm4b:s11+s7], $0x80, $0x38;
	[tilespmem:$0x10300] =	vst v63  }
0x26: {  	_ =	swait.ge [sflag:s19], $0x80  }
0x27: {  	[sflag:s19] =	ssyncset.done $0x0  }
0x28: {  	[sflag:s19] =	ssyncadd.s32 $0xFFFFFF80  }
0x29: {  	s28 =	simm.s32 $0x10280;
	s21 =	rddreg [dreg:$0x3]  }
0x2a: {  	[tilespmem:s28], [sflag:$0xB] =	stream.linear.gather [hbm4b:s21+s7], $0x80, $0x38;
	[tilespmem:$0x10300] =	vst v63  }
0x2b: {  	_ =	swait.ge [sflag:s19], $0x80  }
0x2c: {  	[sflag:s19] =	ssyncset.done $0x0  }
0x2d: {  	[sflag:s19] =	ssyncadd.s32 $0xFFFFFF80  }
0x2e: {  	v13 =	vld [tilespmem:$0x10200]  }
0x2f: {  	v9 =	vld [tilespmem:$0x10210]  }
0x30: {  	v8 =	vld [tilespmem:$0x10220]  }
0x31: {  	v24 =	vld [tilespmem:$0x10230]  }
0x32: {  	v18 =	vld [tilespmem:$0x10240]  }
0x33: {  	v19 =	vld [tilespmem:$0x10250]  }
0x34: {  	v20 =	vld [tilespmem:$0x10260]  }
0x35: {  	v14 =	vld [tilespmem:$0x10270]  }
0x36: {  	v25 =	vld [tilespmem:$0x10280]  }
0x37: {  	v26 =	vld [tilespmem:$0x10290]  }
0x38: {  	v62 =	vld [tilespmem:$0x102A0]  }
0x39: {  	v58 =	vld [tilespmem:$0x102B0]  }
0x3a: {  	v27 =	vld [tilespmem:$0x102C0]  }
0x3b: {  	v54 =	vld [tilespmem:$0x102D0]  }
0x3c: {  	s15 =	rddreg [dreg:$0x6];
	v34 =	vld [tilespmem:$0x102E0]  }
0x3d: {  	v17 =	vld [tilespmem:$0x102F0];
	[tilespmem:s7], [sflag:$0x1] =	stream.linear.gather [hbm4b:s15+s7], $0x80, $0x38  }
0x3e: {  	s17 =	simm.s32 $0x100;
	s16 =	rddreg [dreg:$0x7]  }
0x3f: {  	[tilespmem:s17], [sflag:$0x3] =	stream.linear.gather [hbm4b:s16+s7], $0x80, $0x38;
	[tilespmem:$0x10300] =	vst v63  }
0x40: {  	s19 =	rddreg [dreg:$0x8]  }
0x41: {  	[tilespmem:s22], [sflag:$0x2] =	stream.linear.gather [hbm4b:s19+s7], $0x80, $0x38;
	[tilespmem:$0x10300] =	vst v63  }
0x42: {  	s21 =	rddreg [dreg:$0x9]  }
0x43: {  	[tilespmem:s23], [sflag:$0x4] =	stream.linear.gather [hbm4b:s21+s7], $0x80, $0x38;
	[tilespmem:$0x10300] =	vst v63  }
0x44: {  	_ =	swait.ge [sflag:s24], $0x80  }
0x45: {  	[sflag:s24] =	ssyncset.done $0x0  }
0x46: {  	[sflag:s24] =	ssyncadd.s32 $0xFFFFFF80  }
0x47: {  	_ =	swait.ge [sflag:s25], $0x80  }
0x48: {  	[tilespmem:$0x1FE40] =	vst v13  }
0x49: {  	v7 =	vld [tilespmem:$0x1FF40];
	[tilespmem:$0x1FE50] =	vst v9  }
0x4a: {  	v49 =	vld [tilespmem:$0x1FF50];
	[tilespmem:$0x1FE60] =	vst v8  }
0x4b: {  	v51 =	vld [tilespmem:$0x1FF60];
	[tilespmem:$0x1FE70] =	vst v14  }
0x4c: {  	v53 =	vld [tilespmem:$0x1FF70];
	[tilespmem:$0x1FE80] =	vst v24  }
0x4d: {  	[sflag:s25] =	ssyncset.done $0x0;
	v56 =	vld [tilespmem:$0x1FF80];
	[tilespmem:$0x1FE90] =	vst v18  }
0x4e: {  	v59 =	vld [tilespmem:$0x1FF90];
	[tilespmem:$0x1FEA0] =	vst v19;
	[sflag:s25] =	ssyncadd.s32 $0xFFFFFF80  }
0x4f: {  	[tilespmem:$0x1FEB0] =	vst v20;
	v0 =	vld [tilespmem:$0x100]  }
0x50: {  	[tilespmem:$0x1FEC0] =	vst v25;
	v1 =	vld [tilespmem:$0x110]  }
0x51: {  	[tilespmem:$0x1FED0] =	vst v26;
	v2 =	vld [tilespmem:$0x120]  }
0x52: {  	[tilespmem:$0x1FEE0] =	vst v62;
	v3 =	vld [tilespmem:$0x130]  }
0x53: {  	[tilespmem:$0x1FEF0] =	vst v58;
	v4 =	vld [tilespmem:$0x140]  }
0x54: {  	[tilespmem:$0x1FF00] =	vst v27;
	v5 =	vld [tilespmem:$0x150];
	v0 =	vmul.u32 $0xC8, v0  }
0x55: {  	[tilespmem:$0x1FF10] =	vst v54;
	v6 =	vld [tilespmem:$0x160];
	v1 =	vmul.u32 $0xC8, v1  }
0x56: {  	[tilespmem:$0x1FF20] =	vst v34;
	v48 =	vld [tilespmem:$0x170];
	v2 =	vmul.u32 $0xC8, v2;
	v0 =	vadd.s32 v7, v0  }
0x57: {  	v61 =	vld [tilespmem:$0x1FFA0];
	v50 =	vmul.u32 $0xC8, v3;
	[tilespmem:$0x100] =	vst v0;
	v0 =	vadd.s32 v49, v1  }
0x58: {  	v63 =	vld [tilespmem:$0x1FFB0];
	v52 =	vmul.u32 $0xC8, v4;
	[tilespmem:$0x110] =	vst v0;
	v0 =	vadd.s32 v51, v2  }
0x59: {  	v55 =	vmul.u32 $0xC8, v5;
	[tilespmem:$0x120] =	vst v0;
	v0 =	vadd.s32 v53, v50  }
0x5a: {  	v57 =	vmul.u32 $0xC8, v6;
	[tilespmem:$0x130] =	vst v0;
	v0 =	vadd.s32 v56, v52  }
0x5b: {  	v60 =	vmul.u32 $0xC8, v48;
	[tilespmem:$0x140] =	vst v0;
	v0 =	vadd.s32 v59, v55  }
0x5c: {  	[tilespmem:$0x150] =	vst v0;
	v0 =	vadd.s32 v61, v57  }
0x5d: {  	[tilespmem:$0x160] =	vst v0;
	v0 =	vadd.s32 v63, v60  }
0x5e: {  	[tilespmem:$0x170] =	vst v0  }
0x5f: {  	[tilespmem:s26], [sflag:$0x5] =	stream.indirect.gather [hbm4b:s2+s22], $0x80, s7, s22, $0xb8;
	[tilespmem:$0x10300] =	vst v63  }
0x60: {  	s28 =	simm.s32 $0x8200;
	s15 =	simm.s32 $0x0;
	[tilespmem:$0x1FF30] =	vst v17  }
0x61: {  	[tilespmem:s28], [sflag:$0x7] =	stream.indirect.gather [hbm4b:s10+s22], $0x80, s17, s22, $0xb8;
	[tilespmem:$0x10300] =	vst v63  }
.LBB2_2:
0x62: {  	_ =	swait.ge [sflag:s29], $0x80  }
0x63: {  	s16 =	sshllo.u32 s15, $0x1;
	[sflag:s29] =	ssyncset.done $0x0  }
0x64: {  	s11 =	sshll.u32 s16, $0x7;
	[sflag:s29] =	ssyncadd.s32 $0xFFFFFF80  }
0x65: {  	v13 =	vlaneseq.u32;
	s11 =	sadd.s32 s1, s11;
	_ =	swait.ge [sflag:s30], $0x80  }
0x66: {  	v1 =	vor.u32 s11, v13;
	[sflag:s30] =	ssyncset.done $0x0  }
0x67: {  	v2 =	vmulhi.u32 $0x51EB851F, v1;
	[sflag:s30] =	ssyncadd.s32 $0xFFFFFF80  }
0x68: {  	s12 =	sor.u32 $0x10, s11;
	v0 =	vld [tilespmem:$0x180]  }
0x69: {  	v3 =	vor.u32 s12, v13;
	v2 =	vshrl.u32 v2, $0x6  }
0x6a: {  	s21 =	sor.u32 $0x20, s11;
	s17 =	sor.u32 $0x30, s11;
	v4 =	vmulhi.u32 $0x51EB851F, v3;
	v2 =	vmul.u32 $0xC8, v2  }
0x6b: {  	v7 =	vor.u32 s21, v13;
	v30 =	vor.u32 s17, v13;
	v5 =	vld [tilespmem:$0x190]  }
0x6c: {  	v6 =	vld [tilespmem:$0x1A0];
	v4 =	vshrl.u32 v4, $0x6;
	v1 =	vsub.s32 v1, v2;
	v2 =	vmulhi.u32 $0x51EB851F, v30  }
0x6d: {  	v8 =	vmulhi.u32 $0x51EB851F, v7;
	v29 =	vld [tilespmem:$0x1B0];
	v4 =	vmul.u32 $0xC8, v4;
	v0 =	vmul.u32 $0xC8, v0  }
0x6e: {  	v2 =	vshrl.u32 v2, $0x6  }
0x6f: {  	v0 =	vadd.s32 v1, v0;
	v1 =	vsub.s32 v3, v4;
	v3 =	vshrl.u32 v8, $0x6  }
0x70: {  	s19 =	sor.u32 $0x40, s11;
	v2 =	vmul.u32 $0xC8, v2;
	v3 =	vmul.u32 $0xC8, v3  }
0x71: {  	v4 =	vmul.u32 $0xC8, v5;
	v5 =	vmul.u32 $0xC8, v6;
	v6 =	vld [tilespmem:$0x1C0];
	v8 =	vor.u32 s19, v13  }
0x72: {  	v3 =	vsub.s32 v7, v3;
	v7 =	vmul.u32 $0xC8, v29;
	v29 =	vmulhi.u32 $0x51EB851F, v8  }
0x73: {  	s21 =	sor.u32 $0x50, s11;
	v2 =	vsub.s32 v30, v2;
	v30 =	vld [tilespmem:$0x1E0];
	v1 =	vadd.s32 v1, v4;
	v3 =	vadd.s32 v3, v5  }
0x74: {  	s17 =	sor.u32 $0x60, s11;
	v5 =	vld [tilespmem:$0x1D0];
	v2 =	vadd.s32 v2, v7;
	v4 =	vshrl.u32 v29, $0x6;
	v7 =	vor.u32 s21, v13  }
0x75: {  	s11 =	sor.u32 $0x70, s11;
	v31 =	vor.u32 s17, v13;
	v4 =	vmul.u32 $0xC8, v4;
	v29 =	vmulhi.u32 $0x51EB851F, v7  }
0x76: {  	v34 =	vor.u32 s11, v13;
	v32 =	vmulhi.u32 $0x51EB851F, v31;
	v33 =	vld [tilespmem:$0x1F0];
	[tilespmem:$0x180] =	vst v0;
	v6 =	vmul.u32 $0xC8, v6  }
0x77: {  	[tilespmem:$0x190] =	vst v1;
	v0 =	vsub.s32 v8, v4;
	v4 =	vshrl.u32 v29, $0x6;
	v8 =	vmulhi.u32 $0x51EB851F, v34  }
0x78: {  	[tilespmem:$0x1B0] =	vst v2;
	v2 =	vmul.u32 $0xC8, v30;
	v1 =	vmul.u32 $0xC8, v4;
	v4 =	vshrl.u32 v32, $0x6  }
0x79: {  	[tilespmem:$0x1A0] =	vst v3;
	v3 =	vmul.u32 $0xC8, v5;
	v4 =	vmul.u32 $0xC8, v4;
	v5 =	vshrl.u32 v8, $0x6  }
0x7a: {  	v0 =	vadd.s32 v0, v6;
	v1 =	vsub.s32 v7, v1;
	v5 =	vmul.u32 $0xC8, v5  }
0x7b: {  	[tilespmem:$0x1C0] =	vst v0;
	v0 =	vadd.s32 v1, v3;
	v1 =	vsub.s32 v31, v4;
	v3 =	vmul.u32 $0xC8, v33  }
0x7c: {  	[tilespmem:$0x1D0] =	vst v0;
	v0 =	vadd.s32 v1, v2;
	v1 =	vsub.s32 v34, v5  }
0x7d: {  	p0 =	seq.s32 s15, $0x0;
	[tilespmem:$0x1E0] =	vst v0;
	v0 =	vadd.s32 v1, v3  }
0x7e: {  	s11 =	simm.s32 @!p0 $0xA;
	[tilespmem:$0x1F0] =	vst v0  }
0x7f: {  	_ =	swait.ge @!p0 [sflag:s11], $0x4000  }
0x80: {  	[sflag:s11] =	ssyncset.done @!p0 $0x0  }
0x81: {  	[sflag:s11] =	ssyncadd.s32 @!p0 $0xFFFFC000  }
0x82: {  	[tilespmem:s31], [sflag:$0x6] =	stream.indirect.gather [hbm4b:s2+s22], $0x80, s22, s22, $0xb8;
	[tilespmem:$0x10300] =	vst v63  }
0x83: {  	_ = 	snop  }
0x84: {  	[tilespmem:s5], [sflag:$0x8] =	stream.indirect.gather [hbm4b:s10+s22], $0x80, s23, s22, $0xb8;
	[tilespmem:$0x10300] =	vst v63  }
0x85: {  	s19 =	sshll.u32 s15, $0x1;
	_ =	swait.ge [sflag:s0], $0x4000  }
0x86: {  	s17 =	sadd.s32 $0x2, s19;
	p0 =	seq.s32 s15, $0x63;
	[sflag:s0] =	ssyncset.done $0x0  }
0x87: {  	s11 =	sshll.u32 @!p0 s17, $0x7;
	[sflag:s0] =	ssyncadd.s32 $0xFFFFC000  }
0x88: {  	s11 =	sadd.s32 @!p0 s1, s11;
	_ =	swait.ge [sflag:s3], $0x4000  }
0x89: {  	s11 =	sshrl.u32 @!p0 s11, $0x3;
	[sflag:s3] =	ssyncset.done $0x0  }
0x8a: {  	s19 =	simm.s32 @!p0 $0x0;
	s12 =	sadd.s32 @!p0 s8, s11;
	[sflag:s3] =	ssyncadd.s32 $0xFFFFC000  }
0x8b: {  	[tilespmem:s19], [sflag:$0x1] =	stream.linear.gather @!p0 [hbm4b:s12+s19], $0x80, $0x38;
	[tilespmem:$0x10300] =	vst v63  }
0x8c: {  	s11 =	sadd.s32 @!p0 s9, s11;
	s12 =	simm.s32 @!p0 $0x100  }
0x8d: {  	[tilespmem:s12], [sflag:$0x3] =	stream.linear.gather @!p0 [hbm4b:s11+s19], $0x80, $0x38;
	[tilespmem:$0x10300] =	vst v63  }
0x8e: {  	v14 =	vld [tilespmem:$0x1FFC0];
	s11 =	simm.s32 $0x300  }
0x8f: {  	v0 =	vld [tilespmem:s11+$0xA0]  }
0x90: {  	s21 =	simm.s32 $0x8300;
	v1 =	vld [tilespmem:s11+$0x80]  }
0x91: {  	v2 =	vld [tilespmem:s21+$0x80]  }
0x92: {  	v3 =	vld [tilespmem:s11+$0x90]  }
0x93: {  	v4 =	vld [tilespmem:s21+$0x90]  }
0x94: {  	v5 =	vld [tilespmem:s21+$0xA0]  }
0x95: {  	v6 =	vld [tilespmem:s11+$0xB0]  }
0x96: {  	v7 =	vld [tilespmem:s21+$0xB0]  }
0x97: {  	v8 =	vld [tilespmem:s11+$0xC0]  }
0x98: {  	v29 =	vld [tilespmem:s21+$0xC0];
	v4 =	vadd.f32 v4, v3  }
0x99: {  	v30 =	vld [tilespmem:s11+$0xD0];
	v13 =	vadd.f32 v5, v0  }
0x9a: {  	v31 =	vld [tilespmem:s21+$0xD0];
	[tilespmem:$0x1FA10] =	vst v4  }
0x9b: {  	v53 =	vadd.f32 v2, v1;
	v1 =	vld [tilespmem:s11+$0xE0];
	[tilespmem:$0x1FA20] =	vst v13  }
0x9c: {  	v0 =	vld [tilespmem:s21+$0xE0]  }
0x9d: {  	v2 =	vmul.f32 v53, v53;
	v3 =	vadd.f32 v4, v53;
	v4 =	vmul.f32 v4, v4;
	v5 =	vld [tilespmem:s11+$0xF0]  }
0x9e: {  	v6 =	vadd.f32 v7, v6;
	v7 =	vld [tilespmem:s21+$0xF0]  }
0x9f: {  	v2 =	vadd.f32 v4, v2;
	v32 =	vld [tilespmem:s21+$0xFFFFFF00]  }
0xa0: {  	v3 =	vadd.f32 v13, v3;
	v4 =	vmul.f32 v13, v13;
	v13 =	vadd.f32 v29, v8;
	v8 =	vld [tilespmem:s11+$0xFFFFFF10];
	[tilespmem:$0x1FA30] =	vst v6  }
0xa1: {  	v29 =	vld [tilespmem:s21+$0xFFFFFF10]  }
0xa2: {  	v50 =	vadd.f32 v31, v30;
	v30 =	vld [tilespmem:s11+$0xFFFFFF80];
	[tilespmem:$0x1FA40] =	vst v13  }
0xa3: {  	v2 =	vadd.f32 v4, v2;
	v3 =	vadd.f32 v6, v3;
	v4 =	vmul.f32 v6, v6;
	v31 =	vld [tilespmem:s21+$0xFFFFFF80]  }
0xa4: {  	v49 =	vld [tilespmem:s21+$0x0]  }
0xa5: {  	v60 =	vld [tilespmem:s11+$0x10];
	v2 =	vadd.f32 v4, v2;
	v3 =	vadd.f32 v13, v3;
	v4 =	vmul.f32 v13, v13  }
0xa6: {  	v35 =	vld [tilespmem:s21+$0x10];
	v52 =	vadd.f32 v0, v1  }
0xa7: {  	v1 =	vld [tilespmem:s11+$0xFFFFFF90];
	v0 =	vadd.f32 v4, v2;
	v2 =	vadd.f32 v50, v3;
	v3 =	vmul.f32 v50, v50  }
0xa8: {  	v51 =	vadd.f32 v7, v5;
	v7 =	vld [tilespmem:s11+$0x0]  }
0xa9: {  	v4 =	vld [tilespmem:s21+$0xFFFFFF90];
	v0 =	vadd.f32 v3, v0;
	v2 =	vadd.f32 v52, v2;
	v3 =	vmul.f32 v52, v52;
	_ =	sdelay $0x1  }
0xaa: {  	v36 =	vld [tilespmem:s11+$0xFFFFFF00];
	v0 =	vadd.f32 v3, v0;
	v2 =	vadd.f32 v51, v2;
	v3 =	vmul.f32 v51, v51  }
0xab: {  	v37 =	vld [tilespmem:s11+$0xFFFFFF20];
	v5 =	vadd.f32 v35, v60  }
0xac: {  	v38 =	vld [tilespmem:s21+$0xFFFFFF20];
	v46 =	vadd.f32 v31, v30;
	v0 =	vadd.f32 v3, v0;
	v3 =	vperm.xlane v2, v14  }
0xad: {  	v39 =	vld [tilespmem:s11+$0xFFFFFFA0];
	v6 =	vadd.f32 v49, v7;
	v47 =	vmul.f32 v5, v5;
	v56 =	vadd.f32 v4, v1  }
0xae: {  	v30 =	vld [tilespmem:s21+$0xFFFFFFA0];
	v1 =	vmul.f32 v46, v46;
	v2 =	vadd.f32 v2, v3;
	v3 =	vperm.xlane v0, v14  }
0xaf: {  	v40 =	vld [tilespmem:s11+$0x20];
	v44 =	vmul.f32 v6, v6;
	v61 =	vmul.f32 v56, v56  }
0xb0: {  	v63 =	vld [tilespmem:s21+$0xFFFFFF30];
	v41 =	vadd.f32 v5, v6;
	v31 =	vperm.xlane v2, v10;
	v3 =	vadd.f32 v3, v0  }
0xb1: {  	v49 =	vld [tilespmem:s11+$0xFFFFFFB0];
	v44 =	vadd.f32 v47, v44;
	v33 =	vadd.f32 v61, v1  }
0xb2: {  	v4 =	vld [tilespmem:s21+$0x20];
	v0 =	vadd.f32 v29, v8;
	v7 =	vadd.f32 v2, v31;
	v8 =	vperm.xlane v3, v10  }
0xb3: {  	v29 =	vld [tilespmem:s11+$0xFFFFFF30];
	[tilespmem:$0x1FB50] =	vst v6;
	v6 =	vadd.f32 v30, v39;
	v2 =	vadd.f32 v32, v36  }
0xb4: {  	[tilespmem:$0x1FB60] =	vst v5;
	v31 =	vadd.f32 v56, v46;
	v48 =	vperm.xlane v7, v11;
	v3 =	vadd.f32 v8, v3  }
0xb5: {  	v42 =	vld [tilespmem:s21+$0xFFFFFFB0];
	v55 =	vmul.f32 v0, v0;
	v1 =	vmul.f32 v2, v2;
	v45 =	vadd.f32 v0, v2  }
0xb6: {  	v8 =	vadd.f32 v38, v37;
	v7 =	vadd.f32 v7, v48;
	v57 =	vperm.xlane v3, v11  }
0xb7: {  	v43 =	vld [tilespmem:s11+$0x30];
	v61 =	vadd.f32 v6, v31;
	v36 =	vadd.f32 v55, v1  }
0xb8: {  	v58 =	vld [tilespmem:s21+$0x30];
	v1 =	vadd.f32 v4, v40;
	v59 =	vperm.xlane v7, v12;
	v3 =	vadd.f32 v57, v3  }
0xb9: {  	v39 =	vld [tilespmem:s21+$0xFFFFFF40];
	v31 =	vadd.f32 v63, v29;
	v30 =	vadd.f32 v8, v45;
	v60 =	vmul.f32 v8, v8  }
0xba: {  	v32 =	vld [tilespmem:s11+$0xFFFFFF40];
	v5 =	vadd.f32 v42, v49;
	[tilespmem:$0x1FB70] =	vst v1;
	v4 =	vadd.f32 v7, v59;
	v7 =	vperm.xlane v3, v12  }
0xbb: {  	v55 =	vmul.f32 v6, v6;
	v41 =	vadd.f32 v1, v41;
	v29 =	vadd.f32 v60, v36;
	v38 =	vld [tilespmem:s11+$0xFFFFFFC0]  }
0xbc: {  	v30 =	vadd.f32 v31, v30;
	v47 =	vld [tilespmem:s21+$0xFFFFFFC0];
	v54 =	vmul.f32 $7.812500000e-03, v4;
	v3 =	vadd.f32 v7, v3  }
0xbd: {  	v48 =	vmul.f32 v1, v1;
	v49 =	vadd.f32 v55, v33;
	v1 =	vadd.f32 v58, v43;
	v34 =	vld [tilespmem:s21+$0x40]  }
0xbe: {  	v61 =	vadd.f32 v5, v61;
	v36 =	vld [tilespmem:s11+$0xFFFFFF50];
	v3 =	vmul.f32 $7.812500000e-03, v3;
	v63 =	vmul.f32 v54, v54  }
0xbf: {  	v60 =	vmul.f32 v31, v31;
	v33 =	vadd.f32 v39, v32;
	v40 =	vadd.f32 v48, v44;
	v7 =	vld [tilespmem:s11+$0x40]  }
0xc0: {  	v55 =	vld [tilespmem:s21+$0xFFFFFF50];
	v41 =	vadd.f32 v1, v41;
	[tilespmem:$0x1FB80] =	vst v1;
	v3 =	vsub.f32 v3, v63  }
0xc1: {  	v59 =	vmul.f32 v1, v1;
	v29 =	vadd.f32 v60, v29;
	v35 =	vld [tilespmem:s11+$0xFFFFFFD0];
	v4 =	vadd.f32 v47, v38  }
0xc2: {  	v30 =	vadd.f32 v33, v30;
	v58 =	vld [tilespmem:s11+$0x50];
	v57 =	vadd.f32 $9.999999960e-13, v3  }
0xc3: {  	v40 =	vadd.f32 v59, v40;
	v32 =	vld [tilespmem:s21+$0x50];
	v63 =	vmul.f32 v5, v5;
	v43 =	vadd.f32 v4, v61  }
0xc4: {  	v44 =	vld [tilespmem:s21+$0xFFFFFFD0];
	v1 =	vadd.f32 v34, v7;
	v48 =	vshrl.u32 v57, $0x1;
	v38 =	vmul.f32 $5.000000000e-01, v57  }
0xc5: {  	v39 =	vld [tilespmem:s11+$0xFFFFFF60];
	v59 =	vmul.f32 v4, v4;
	v34 =	vadd.f32 v55, v36;
	v37 =	vsub.s32 $0x5F3759DF, v48  }
0xc6: {  	v45 =	vld [tilespmem:s21+$0xFFFFFF60];
	v42 =	vadd.f32 v63, v49;
	v49 =	vmul.f32 v33, v33;
	[tilespmem:$0x1FB90] =	vst v1;
	v7 =	vmul.f32 v37, v38  }
0xc7: {  	v41 =	vadd.f32 v1, v41;
	v61 =	vmul.f32 v1, v1;
	v30 =	vadd.f32 v34, v30;
	v47 =	vld [tilespmem:s11+$0xFFFFFFE0]  }
0xc8: {  	v1 =	vadd.f32 v32, v58;
	v60 =	vld [tilespmem:s21+$0xFFFFFFE0];
	v29 =	vadd.f32 v49, v29;
	v48 =	vmul.f32 v37, v7  }
0xc9: {  	v55 =	vld [tilespmem:s11+$0x60];
	v42 =	vadd.f32 v59, v42;
	v40 =	vadd.f32 v61, v40  }
0xca: {  	v49 =	vmul.f32 v34, v34;
	v36 =	vld [tilespmem:s11+$0xFFFFFF70];
	v7 =	vadd.f32 v44, v35;
	v63 =	vsub.f32 $1.500000000e+00, v48  }
0xcb: {  	v44 =	vld [tilespmem:s21+$0x60];
	[tilespmem:$0x1FBA0] =	vst v1;
	v35 =	vadd.f32 v45, v39;
	v39 =	vadd.f32 v1, v41;
	v41 =	vmul.f32 v1, v1  }
0xcc: {  	v32 =	vld [tilespmem:s21+$0xFFFFFF70];
	v59 =	vmul.f32 v7, v7;
	v43 =	vadd.f32 v7, v43;
	v37 =	vmul.f32 v37, v63  }
0xcd: {  	v58 =	vld [tilespmem:s11+$0xFFFFFFF0];
	v48 =	vadd.f32 v49, v29;
	v29 =	vadd.f32 v60, v47  }
0xce: {  	v45 =	vld [tilespmem:s21+$0xFFFFFFF0];
	v40 =	vadd.f32 v41, v40;
	v42 =	vadd.f32 v59, v42;
	v49 =	vmul.f32 v37, v38  }
0xcf: {  	v47 =	vld [tilespmem:s11+$0x70];
	v59 =	vadd.f32 v35, v30;
	v30 =	vmul.f32 v35, v35;
	v43 =	vadd.f32 v29, v43  }
0xd0: {  	v60 =	vld [tilespmem:s21+$0x70];
	v1 =	vmul.f32 v29, v29;
	v3 =	vadd.f32 v44, v55;
	v63 =	vmul.f32 v49, v37  }
0xd1: {  	v48 =	vadd.f32 v30, v48;
	v36 =	vadd.f32 v32, v36  }
0xd2: {  	v57 =	vadd.f32 v1, v42;
	v30 =	vsub.f32 $1.500000000e+00, v63  }
0xd3: {  	v32 =	vadd.f32 v45, v58;
	v39 =	vadd.f32 v3, v39  }
0xd4: {  	v61 =	vmul.f32 v36, v36;
	v30 =	vmul.f32 v30, v37;
	v37 =	vadd.f32 v36, v59  }
0xd5: {  	v1 =	vadd.f32 v60, v47;
	v49 =	vmul.f32 v3, v3;
	v41 =	vadd.f32 v32, v43  }
0xd6: {  	v63 =	vmul.f32 v32, v32;
	v44 =	vadd.f32 v61, v48;
	v48 =	vperm.xlane v37, v14  }
0xd7: {  	v39 =	vadd.f32 v1, v39;
	v47 =	vmul.f32 v1, v1;
	v40 =	vadd.f32 v49, v40  }
0xd8: {  	v49 =	vperm.xlane v41, v14;
	v43 =	vadd.f32 v63, v57;
	v37 =	vadd.f32 v37, v48  }
0xd9: {  	v60 =	vperm.xlane v39, v14;
	v61 =	vperm.xlane v44, v14;
	v40 =	vadd.f32 v47, v40  }
0xda: {  	v41 =	vadd.f32 v41, v49;
	v63 =	vperm.xlane v43, v14;
	v49 =	vperm.xlane v37, v10  }
0xdb: {  	v39 =	vadd.f32 v39, v60;
	v44 =	vadd.f32 v61, v44;
	v48 =	vperm.xlane v40, v14  }
0xdc: {  	v60 =	vperm.xlane v41, v10;
	v43 =	vadd.f32 v63, v43;
	v37 =	vadd.f32 v37, v49  }
0xdd: {  	v63 =	vperm.xlane v44, v10;
	v40 =	vadd.f32 v48, v40  }
0xde: {  	v41 =	vadd.f32 v41, v60;
	v48 =	vperm.xlane v43, v10;
	v58 =	vperm.xlane v37, v11  }
0xdf: {  	v61 =	vperm.xlane v39, v10;
	v44 =	vadd.f32 v63, v44;
	v49 =	vperm.xlane v40, v10  }
0xe0: {  	v60 =	vperm.xlane v41, v11;
	v43 =	vadd.f32 v48, v43;
	v37 =	vadd.f32 v37, v58  }
0xe1: {  	v39 =	vadd.f32 v39, v61;
	v63 =	vperm.xlane v44, v11;
	v40 =	vadd.f32 v49, v40  }
0xe2: {  	v41 =	vadd.f32 v41, v60;
	v48 =	vperm.xlane v43, v11;
	v58 =	vperm.xlane v37, v12  }
0xe3: {  	v61 =	vperm.xlane v39, v11;
	v44 =	vadd.f32 v63, v44;
	v49 =	vperm.xlane v40, v11  }
0xe4: {  	v60 =	vperm.xlane v41, v12;
	v43 =	vadd.f32 v48, v43;
	v37 =	vadd.f32 v37, v58  }
0xe5: {  	v39 =	vadd.f32 v39, v61;
	v63 =	vperm.xlane v44, v12;
	v40 =	vadd.f32 v49, v40  }
0xe6: {  	v41 =	vadd.f32 v41, v60;
	v42 =	vperm.xlane v43, v12;
	v37 =	vmul.f32 $7.812500000e-03, v37  }
0xe7: {  	v61 =	vperm.xlane v39, v12;
	v45 =	vadd.f32 v63, v44;
	v48 =	vperm.xlane v40, v12  }
0xe8: {  	[tilespmem:$0x1FBC0] =	vst v1;
	v58 =	vmul.f32 $7.812500000e-03, v41;
	v49 =	vadd.f32 v42, v43;
	v1 =	vsub.f32 v2, v37  }
0xe9: {  	s19 =	simm.s32 $0x500;
	[tilespmem:$0x1FBB0] =	vst v3;
	v39 =	vadd.f32 v39, v61;
	v57 =	vmul.f32 $7.812500000e-03, v45;
	v59 =	vmul.f32 v37, v37  }
0xea: {  	s12 =	simm.s32 $0x8500;
	v55 =	vld [tilespmem:s19+$0x80];
	v41 =	vmul.f32 $7.812500000e-03, v49;
	v60 =	vmul.f32 v58, v58;
	v0 =	vsub.f32 v0, v37;
	[tilespmem:$0x1FA50] =	vst v1  }
0xeb: {  	v44 =	vmul.f32 $7.812500000e-03, v39;
	v40 =	vadd.f32 v48, v40;
	v2 =	vsub.f32 v57, v59;
	v39 =	vld [tilespmem:s12+$0x80]  }
0xec: {  	v41 =	vsub.f32 v41, v60;
	v1 =	vsub.f32 v8, v37;
	v43 =	vld [tilespmem:s19+$0x90];
	[tilespmem:$0x1FA60] =	vst v0  }
0xed: {  	v0 =	vadd.f32 $9.999999960e-13, v2;
	v2 =	vld [tilespmem:s12+$0x90]  }
0xee: {  	v61 =	vmul.f32 $7.812500000e-03, v40;
	v40 =	vadd.f32 $9.999999960e-13, v41;
	v41 =	vld [tilespmem:s19+$0xA0];
	[tilespmem:$0x1FA70] =	vst v1;
	v1 =	vsub.f32 v31, v37  }
0xef: {  	v63 =	vmul.f32 v44, v44  }
0xf0: {  	[tilespmem:$0x1FA80] =	vst v1  }
0xf1: {  	v45 =	vsub.f32 v61, v63;
	v42 =	vld [tilespmem:s12+$0xA0]  }
0xf2: {  	v8 =	vshrl.u32 v0, $0x1;
	v49 =	vmul.f32 $5.000000000e-01, v0;
	v63 =	vld [tilespmem:s19+$0xB0];
	v31 =	vadd.f32 v39, v55  }
0xf3: {  	v0 =	vshrl.u32 v40, $0x1;
	v3 =	vld [tilespmem:s12+$0xB0];
	v13 =	vadd.f32 v2, v43;
	v2 =	vsub.f32 v33, v37  }
0xf4: {  	v59 =	vsub.s32 $0x5F3759DF, v0;
	v0 =	vld [tilespmem:s19+$0xC0];
	[tilespmem:$0x1FBF0] =	vst v31  }
0xf5: {  	[tilespmem:$0x1FA90] =	vst v2;
	v2 =	vsub.f32 v34, v37  }
0xf6: {  	v38 =	vmul.f32 v30, v38;
	[tilespmem:$0x1FC20] =	vst v13  }
0xf7: {  	v9 =	vsub.f32 v35, v37;
	v45 =	vadd.f32 $9.999999960e-13, v45;
	[tilespmem:$0x1FAA0] =	vst v2  }
0xf8: {  	v38 =	vmul.f32 v38, v30;
	v6 =	vsub.f32 v6, v58;
	v5 =	vsub.f32 v5, v58;
	v2 =	vld [tilespmem:s12+$0xC0]  }
0xf9: {  	v48 =	vmul.f32 $5.000000000e-01, v40;
	v1 =	vshrl.u32 v45, $0x1;
	v40 =	vadd.f32 v42, v41;
	v33 =	vld [tilespmem:s19+$0xD0];
	[tilespmem:$0x1FAB0] =	vst v9  }
0xfa: {  	v47 =	vmul.f32 $5.000000000e-01, v45;
	v8 =	vsub.s32 $0x5F3759DF, v8;
	v9 =	vsub.f32 v36, v37;
	v35 =	vld [tilespmem:s12+$0xD0]  }
0xfb: {  	v1 =	vsub.s32 $0x5F3759DF, v1;
	v43 =	vmul.f32 v31, v31;
	v55 =	vmul.f32 v13, v13;
	v61 =	vld [tilespmem:s19+$0xE0];
	[tilespmem:$0x1FC30] =	vst v40  }
0xfc: {  	v57 =	vadd.f32 v13, v31;
	v31 =	vadd.f32 v3, v63;
	v3 =	vmul.f32 v59, v48;
	[tilespmem:$0x1FAC0] =	vst v9  }
0xfd: {  	v34 =	vadd.f32 v55, v43;
	v63 =	vmul.f32 v40, v40;
	v9 =	vsub.f32 v46, v58;
	v36 =	vld [tilespmem:s12+$0xE0]  }
0xfe: {  	v45 =	vmul.f32 v8, v49;
	v55 =	vadd.f32 v40, v57;
	v57 =	vadd.f32 v2, v0;
	v0 =	vld [tilespmem:s19+$0xF0];
	[tilespmem:$0x1FC40] =	vst v31  }
0xff: {  	v60 =	vmul.f32 v31, v31;
	v43 =	vmul.f32 v59, v3;
	v2 =	vadd.f32 v63, v34;
	[tilespmem:$0x1FAD0] =	vst v9  }
0x100: {  	v37 =	vadd.f32 v31, v55;
	v63 =	vmul.f32 v8, v45;
	v45 =	vld [tilespmem:s12+$0xF0];
	v31 =	vadd.f32 v35, v33;
	[tilespmem:$0x1FC50] =	vst v57  }
0x101: {  	v3 =	vsub.f32 v56, v58;
	v2 =	vadd.f32 v60, v2;
	v42 =	vmul.f32 v57, v57;
	v39 =	vld [tilespmem:s12+$0xFFFFFF00]  }
0x102: {  	v55 =	vsub.f32 $1.500000000e+00, v63;
	v37 =	vadd.f32 v57, v37;
	v63 =	vmul.f32 v1, v47;
	v46 =	vld [tilespmem:s19+$0xFFFFFF10];
	[tilespmem:$0x1FC60] =	vst v31  }
0x103: {  	v13 =	vadd.f32 v36, v61;
	v57 =	vmul.f32 v31, v31;
	v2 =	vadd.f32 v42, v2;
	v36 =	vld [tilespmem:s12+$0xFFFFFF10]  }
0x104: {  	v34 =	vsub.f32 $1.500000000e+00, v43;
	v43 =	vsub.f32 $1.500000000e+00, v38;
	v60 =	vld [tilespmem:s19+$0xFFFFFF80];
	[tilespmem:$0x1FAE0] =	vst v3;
	v33 =	vmul.f32 v1, v63  }
0x105: {  	[tilespmem:$0x1FC70] =	vst v13;
	v61 =	vadd.f32 v45, v0;
	v0 =	vadd.f32 v57, v2;
	v2 =	vmul.f32 v13, v13  }
0x106: {  	v34 =	vmul.f32 v59, v34;
	v59 =	vmul.f32 v43, v30;
	v3 =	vld [tilespmem:s12+$0xFFFFFF80];
	[tilespmem:$0x1FAF0] =	vst v6;
	v30 =	vsub.f32 $1.500000000e+00, v33  }
0x107: {  	v37 =	vadd.f32 v31, v37;
	v31 =	vld [tilespmem:s19+$0xFFFFFF90];
	v0 =	vadd.f32 v2, v0;
	v2 =	vmul.f32 v61, v61  }
0x108: {  	v4 =	vsub.f32 v4, v58;
	[tilespmem:$0x1FB00] =	vst v5;
	v30 =	vmul.f32 v1, v30;
	v1 =	vld [tilespmem:$0x1FA20]  }
0x109: {  	[tilespmem:$0x1FC00] =	vst v61;
	v0 =	vadd.f32 v2, v0;
	v2 =	vsub.f32 v7, v58  }
0x10a: {  	v5 =	vld [tilespmem:s12+$0xFFFFFF90];
	[tilespmem:$0x1FB10] =	vst v4  }
0x10b: {  	v4 =	vld [tilespmem:s19+$0x0];
	[tilespmem:$0x1FB20] =	vst v2;
	v2 =	vsub.f32 v29, v58  }
0x10c: {  	v37 =	vadd.f32 v13, v37  }
0x10d: {  	v6 =	vsub.f32 v32, v58;
	v13 =	vsub.f32 v1, v54;
	v1 =	vld [tilespmem:$0x1FA30];
	[tilespmem:$0x1FB30] =	vst v2  }
0x10e: {  	v2 =	vld [tilespmem:s12+$0x0]  }
0x10f: {  	[tilespmem:$0x1FB40] =	vst v6;
	v6 =	vld [tilespmem:$0x1FA10]  }
0x110: {  	v41 =	vadd.f32 v61, v37;
	v32 =	vld [tilespmem:s19+$0x10]  }
0x111: {  	v8 =	vmul.f32 v8, v55;
	v38 =	vld [tilespmem:s12+$0x10]  }
0x112: {  	v7 =	vperm.xlane v41, v14;
	v58 =	vld [tilespmem:s19+$0xFFFFFF00]  }
0x113: {  	v29 =	vmul.f32 v8, v49;
	v40 =	vld [tilespmem:s19+$0xFFFFFF20]  }
0x114: {  	v53 =	vsub.f32 v53, v54;
	v45 =	vmul.f32 v34, v48;
	v7 =	vadd.f32 v41, v7;
	v37 =	vld [tilespmem:s12+$0xFFFFFF20]  }
0x115: {  	v63 =	vsub.f32 v51, v54;
	v51 =	vsub.f32 v50, v54;
	v29 =	vmul.f32 v29, v8;
	v61 =	vld [tilespmem:s19+$0xFFFFFFA0]  }
0x116: {  	v57 =	vmul.f32 v45, v34;
	v56 =	vadd.f32 v36, v46;
	v33 =	vperm.xlane v7, v10;
	v35 =	vld [tilespmem:s12+$0xFFFFFFA0]  }
0x117: {  	v28 =	vadd.f32 v3, v60;
	v42 =	vperm.xlane v0, v14;
	v29 =	vsub.f32 $1.500000000e+00, v29;
	v60 =	vld [tilespmem:s19+$0xFFFFFF30]  }
0x118: {  	v23 =	vadd.f32 v5, v31;
	v7 =	vadd.f32 v7, v33;
	v31 =	vld [tilespmem:s12+$0xFFFFFF30]  }
0x119: {  	v0 =	vadd.f32 v42, v0;
	v33 =	vld [tilespmem:s19+$0xFFFFFFB0];
	v42 =	vmul.f32 v29, v8;
	v8 =	vsub.f32 $1.500000000e+00, v57  }
0x11a: {  	v45 =	vsub.f32 v52, v54;
	v52 =	vmul.f32 v56, v56;
	v3 =	vld [tilespmem:s12+$0x30];
	v5 =	vperm.xlane v7, v11  }
0x11b: {  	v43 =	vsub.f32 v1, v54;
	v1 =	vld [tilespmem:$0x1FA40];
	v41 =	vmul.f32 v8, v34;
	v34 =	vperm.xlane v0, v10  }
0x11c: {  	v46 =	vmul.f32 v28, v28;
	v29 =	vld [tilespmem:s19+$0x20];
	v55 =	vsub.f32 v6, v54;
	v21 =	vadd.f32 v2, v4  }
0x11d: {  	v8 =	vld [tilespmem:s12+$0x20];
	v2 =	vmul.f32 v30, v47;
	v5 =	vadd.f32 v7, v5;
	v0 =	vadd.f32 v34, v0  }
0x11e: {  	v7 =	vmul.f32 v23, v23;
	v4 =	vld [tilespmem:s19+$0xFFFFFF40];
	v22 =	vadd.f32 v38, v32;
	v50 =	vadd.f32 v39, v58  }
0x11f: {  	v6 =	vld [tilespmem:s19+$0xFFFFFFC0];
	v9 =	vadd.f32 v35, v61;
	v2 =	vmul.f32 v2, v30;
	v36 =	vperm.xlane v0, v11  }
0x120: {  	v39 =	vld [tilespmem:s12+$0xFFFFFFB0];
	v7 =	vadd.f32 v7, v46;
	v32 =	vperm.xlane v5, v12;
	v46 =	vadd.f32 v37, v40  }
0x121: {  	v58 =	vld [tilespmem:s19+$0x30];
	v38 =	vmul.f32 v50, v50;
	v2 =	vsub.f32 $1.500000000e+00, v2;
	v0 =	vadd.f32 v36, v0  }
0x122: {  	v37 =	vld [tilespmem:s12+$0xFFFFFF40];
	v5 =	vadd.f32 v5, v32;
	v16 =	vadd.f32 v8, v29;
	v8 =	vmul.f32 v21, v21  }
0x123: {  	v40 =	vld [tilespmem:s12+$0x40];
	v34 =	vmul.f32 v2, v30;
	v30 =	vadd.f32 v52, v38;
	v38 =	vperm.xlane v0, v12  }
0x124: {  	v57 =	vsub.f32 v1, v54;
	v1 =	vld [tilespmem:s12+$0xFFFFFFD0];
	v29 =	vmul.f32 v22, v22;
	v52 =	vmul.f32 $7.812500000e-03, v5  }
0x125: {  	v32 =	vld [tilespmem:s19+$0x40];
	v5 =	vmul.f32 v46, v46;
	v54 =	vadd.f32 v39, v33;
	v0 =	vadd.f32 v38, v0  }
0x126: {  	v2 =	vld [tilespmem:s12+$0xFFFFFFC0];
	v15 =	vadd.f32 v3, v58;
	v38 =	vadd.f32 v31, v60;
	v31 =	vmul.f32 v9, v9  }
0x127: {  	v33 =	vld [tilespmem:s12+$0xFFFFFF50];
	v5 =	vadd.f32 v5, v30;
	v30 =	vmul.f32 v52, v52;
	v0 =	vmul.f32 $7.812500000e-03, v0  }
0x128: {  	v3 =	vld [tilespmem:s19+$0xFFFFFFD0];
	v35 =	vadd.f32 v37, v4;
	v4 =	vmul.f32 v54, v54;
	v7 =	vadd.f32 v31, v7  }
0x129: {  	v8 =	vadd.f32 v29, v8;
	v60 =	vld [tilespmem:s19+$0xFFFFFF50];
	v58 =	vsub.f32 v0, v30  }
0x12a: {  	v0 =	vmul.f32 v38, v38;
	v4 =	vadd.f32 v4, v7;
	v7 =	vmul.f32 v59, v63  }
0x12b: {  	v61 =	vadd.f32 v40, v32;
	v37 =	vadd.f32 v2, v6;
	v6 =	vld [tilespmem:s12+$0x50]  }
0x12c: {  	v31 =	vmul.f32 v16, v16;
	v0 =	vadd.f32 v0, v5;
	v5 =	vld [tilespmem:s19+$0x50];
	[tilespmem:$0x1FBD0] =	vst v7;
	v7 =	vmul.f32 v59, v53  }
0x12d: {  	v2 =	vmul.f32 v15, v15;
	v36 =	vadd.f32 v1, v3;
	v1 =	vmul.f32 v59, v55  }
0x12e: {  	v30 =	vadd.f32 v31, v8;
	v31 =	vadd.f32 v33, v60;
	v60 =	vmul.f32 v37, v37;
	v33 =	vld [tilespmem:s19+$0xFFFFFF60];
	[tilespmem:$0x1FBE0] =	vst v7  }
0x12f: {  	v63 =	vld [tilespmem:s12+$0xFFFFFF60];
	[tilespmem:$0x1FC10] =	vst v1;
	v1 =	vmul.f32 v59, v13  }
0x130: {  	v2 =	vadd.f32 v2, v30;
	v3 =	vadd.f32 v60, v4;
	v4 =	vmul.f32 v61, v61  }
0x131: {  	[tilespmem:$0x1FC80] =	vst v1;
	v39 =	vadd.f32 v6, v5;
	v5 =	vmul.f32 v59, v57  }
0x132: {  	v2 =	vadd.f32 v4, v2;
	v4 =	vmul.f32 v59, v51;
	v1 =	vld [tilespmem:s19+$0xFFFFFFE0]  }
0x133: {  	v40 =	vmul.f32 v35, v35;
	v13 =	vmul.f32 v59, v43;
	v43 =	vld [tilespmem:s12+$0xFFFFFFE0];
	[tilespmem:$0x1FE10] =	vst v5  }
0x134: {  	v6 =	vld [tilespmem:s19+$0x60];
	[tilespmem:$0x1FE20] =	vst v4  }
0x135: {  	v0 =	vadd.f32 v40, v0;
	v5 =	vmul.f32 v31, v31;
	v60 =	vld [tilespmem:s12+$0x60]  }
0x136: {  	v30 =	vadd.f32 v63, v33  }
0x137: {  	v4 =	vmul.f32 v59, v45;
	v63 =	vmul.f32 v42, v49;
	v0 =	vadd.f32 v5, v0  }
0x138: {  	v59 =	vmul.f32 v30, v30;
	v32 =	vadd.f32 v43, v1;
	v1 =	vmul.f32 v41, v48  }
0x139: {  	v40 =	vmul.f32 v63, v42  }
0x13a: {  	v63 =	vadd.f32 v60, v6;
	v6 =	vadd.f32 v59, v0;
	v0 =	vmul.f32 v1, v41;
	_ =	sdelay $0x1  }
0x13b: {  	v0 =	vsub.f32 $1.500000000e+00, v0;
	_ =	sdelay $0x1  }
0x13c: {  	v51 =	vmul.f32 v0, v41;
	v0 =	vld [tilespmem:$0x1FA50]  }
0x13d: {  	v40 =	vsub.f32 $1.500000000e+00, v40  }
0x13e: {  	v57 =	vmul.f32 v36, v36;
	[tilespmem:$0x1FE30] =	vst v4  }
0x13f: {  	v33 =	vld [tilespmem:s19+$0xFFFFFF70];
	v40 =	vmul.f32 v40, v42  }
0x140: {  	v3 =	vadd.f32 v57, v3;
	v57 =	vmul.f32 v39, v39;
	v49 =	vld [tilespmem:s12+$0xFFFFFF70]  }
0x141: {  	v48 =	vld [tilespmem:s19+$0xFFFFFFF0];
	v0 =	vmul.f32 v40, v0  }
0x142: {  	v2 =	vadd.f32 v57, v2;
	v57 =	vld [tilespmem:s12+$0xFFFFFFF0]  }
0x143: {  	[tilespmem:$0x1FC90] =	vst v0;
	v0 =	vld [tilespmem:$0x1FA60];
	_ =	sdelay $0x4  }
0x144: {  	v0 =	vmul.f32 v40, v0;
	_ =	sdelay $0x1  }
0x145: {  	[tilespmem:$0x1FCA0] =	vst v0;
	v0 =	vld [tilespmem:$0x1FA70];
	_ =	sdelay $0x3  }
0x146: {  	v55 =	vmul.f32 v34, v47;
	v60 =	vmul.f32 v63, v63  }
0x147: {  	v0 =	vmul.f32 v40, v0  }
0x148: {  	v1 =	vmul.f32 v55, v34;
	v2 =	vadd.f32 v60, v2;
	v60 =	vld [tilespmem:s19+$0x70]  }
0x149: {  	[tilespmem:$0x1FCB0] =	vst v0;
	v0 =	vld [tilespmem:$0x1FA80]  }
0x14a: {  	v59 =	vmul.f32 v32, v32;
	v1 =	vsub.f32 $1.500000000e+00, v1;
	_ =	sdelay $0x1  }
0x14b: {  	v42 =	vadd.f32 v59, v3;
	v3 =	vmul.f32 v1, v34;
	v1 =	vadd.f32 $9.999999960e-13, v58;
	_ =	sdelay $0x1  }
0x14c: {  	v8 =	vadd.f32 v57, v48;
	v57 =	vshrl.u32 v1, $0x1;
	v0 =	vmul.f32 v40, v0  }
0x14d: {  	v59 =	vsub.s32 $0x5F3759DF, v57;
	v57 =	vld [tilespmem:s12+$0x70]  }
0x14e: {  	[tilespmem:$0x1FCC0] =	vst v0;
	v0 =	vld [tilespmem:$0x1FA90];
	_ =	sdelay $0x4  }
0x14f: {  	v0 =	vmul.f32 v40, v0;
	_ =	sdelay $0x1  }
0x150: {  	[tilespmem:$0x1FCD0] =	vst v0;
	v0 =	vld [tilespmem:$0x1FAA0];
	_ =	sdelay $0x4  }
0x151: {  	v0 =	vmul.f32 v40, v0;
	_ =	sdelay $0x1  }
0x152: {  	[tilespmem:$0x1FCE0] =	vst v0;
	v0 =	vld [tilespmem:$0x1FAB0];
	_ =	sdelay $0x4  }
0x153: {  	v0 =	vmul.f32 v40, v0;
	_ =	sdelay $0x1  }
0x154: {  	[tilespmem:$0x1FCF0] =	vst v0;
	v0 =	vld [tilespmem:$0x1FAC0];
	_ =	sdelay $0x4  }
0x155: {  	v0 =	vmul.f32 v40, v0;
	_ =	sdelay $0x1  }
0x156: {  	[tilespmem:$0x1FD00] =	vst v0;
	v0 =	vld [tilespmem:$0x1FAD0];
	_ =	sdelay $0x4  }
0x157: {  	v0 =	vmul.f32 v51, v0;
	_ =	sdelay $0x1  }
0x158: {  	[tilespmem:$0x1FD10] =	vst v0;
	v0 =	vld [tilespmem:$0x1FAE0];
	_ =	sdelay $0x4  }
0x159: {  	v0 =	vmul.f32 v51, v0;
	_ =	sdelay $0x1  }
0x15a: {  	[tilespmem:$0x1FD20] =	vst v0;
	v0 =	vld [tilespmem:$0x1FAF0];
	_ =	sdelay $0x4  }
0x15b: {  	v0 =	vmul.f32 v51, v0;
	_ =	sdelay $0x1  }
0x15c: {  	[tilespmem:$0x1FD30] =	vst v0;
	v0 =	vld [tilespmem:$0x1FB00];
	_ =	sdelay $0x4  }
0x15d: {  	v0 =	vmul.f32 v51, v0;
	_ =	sdelay $0x1  }
0x15e: {  	[tilespmem:$0x1FD40] =	vst v0;
	v0 =	vld [tilespmem:$0x1FB10];
	_ =	sdelay $0x3  }
0x15f: {  	v55 =	vadd.f32 v22, v21  }
0x160: {  	v45 =	vadd.f32 v49, v33;
	v49 =	vadd.f32 v56, v50;
	v0 =	vmul.f32 v51, v0  }
0x161: {  	v53 =	vadd.f32 v23, v28  }
0x162: {  	v33 =	vadd.f32 v46, v49;
	v58 =	vadd.f32 v16, v55;
	[tilespmem:$0x1FD50] =	vst v0;
	v0 =	vld [tilespmem:$0x1FB20]  }
0x163: {  	v48 =	vmul.f32 $5.000000000e-01, v1;
	v1 =	vadd.f32 v9, v53  }
0x164: {  	v33 =	vadd.f32 v38, v33;
	v34 =	vadd.f32 v15, v58  }
0x165: {  	v43 =	vmul.f32 v59, v48;
	v1 =	vadd.f32 v54, v1  }
0x166: {  	v33 =	vadd.f32 v35, v33;
	v34 =	vadd.f32 v61, v34  }
0x167: {  	v43 =	vmul.f32 v59, v43;
	v1 =	vadd.f32 v37, v1;
	v0 =	vmul.f32 v51, v0  }
0x168: {  	v33 =	vadd.f32 v31, v33;
	v34 =	vadd.f32 v39, v34  }
0x169: {  	v43 =	vsub.f32 $1.500000000e+00, v43;
	v58 =	vadd.f32 v36, v1;
	[tilespmem:$0x1FD60] =	vst v0;
	v0 =	vld [tilespmem:$0x1FB30]  }
0x16a: {  	v53 =	vmul.f32 v8, v8;
	v33 =	vadd.f32 v30, v33;
	v34 =	vadd.f32 v63, v34  }
0x16b: {  	v29 =	vadd.f32 v57, v60;
	v40 =	vmul.f32 v59, v43;
	v59 =	vadd.f32 v32, v58  }
0x16c: {  	v42 =	vadd.f32 v53, v42;
	v33 =	vadd.f32 v45, v33;
	v60 =	vmul.f32 v45, v45  }
0x16d: {  	v34 =	vadd.f32 v29, v34;
	v41 =	vadd.f32 v8, v59  }
0x16e: {  	v6 =	vadd.f32 v60, v6;
	v60 =	vperm.xlane v42, v14;
	v0 =	vmul.f32 v51, v0  }
0x16f: {  	v58 =	vperm.xlane v34, v14;
	v57 =	vperm.xlane v41, v14  }
0x170: {  	v55 =	vperm.xlane v33, v14;
	v42 =	vadd.f32 v60, v42;
	v59 =	vperm.xlane v6, v14;
	[tilespmem:$0x1FD70] =	vst v0;
	v0 =	vld [tilespmem:$0x1FB40]  }
0x171: {  	v49 =	vmul.f32 v29, v29;
	v34 =	vadd.f32 v34, v58;
	v41 =	vadd.f32 v41, v57  }
0x172: {  	v33 =	vadd.f32 v33, v55;
	v53 =	vperm.xlane v42, v10;
	v6 =	vadd.f32 v59, v6  }
0x173: {  	v2 =	vadd.f32 v49, v2;
	v49 =	vperm.xlane v34, v10;
	v59 =	vperm.xlane v41, v10  }
0x174: {  	v58 =	vperm.xlane v33, v10;
	v60 =	vperm.xlane v6, v10  }
0x175: {  	v34 =	vadd.f32 v34, v49;
	v41 =	vadd.f32 v41, v59;
	v0 =	vmul.f32 v51, v0  }
0x176: {  	v42 =	vadd.f32 v53, v42;
	v6 =	vadd.f32 v60, v6  }
0x177: {  	v33 =	vadd.f32 v33, v58;
	v49 =	vperm.xlane v34, v11;
	v59 =	vperm.xlane v41, v11;
	[tilespmem:$0x1FD80] =	vst v0;
	v0 =	vld [tilespmem:$0x1FB50]  }
0x178: {  	v53 =	vperm.xlane v42, v11;
	v60 =	vperm.xlane v6, v11  }
0x179: {  	v58 =	vperm.xlane v33, v11;
	v34 =	vadd.f32 v34, v49;
	v41 =	vadd.f32 v41, v59  }
0x17a: {  	v42 =	vadd.f32 v53, v42;
	v49 =	vmul.f32 v40, v48;
	v6 =	vadd.f32 v60, v6  }
0x17b: {  	v33 =	vadd.f32 v33, v58;
	v59 =	vperm.xlane v34, v12;
	v58 =	vperm.xlane v41, v12  }
0x17c: {  	v57 =	vperm.xlane v2, v14;
	v53 =	vperm.xlane v6, v12;
	v51 =	vsub.f32 v0, v44;
	v0 =	vld [tilespmem:$0x1FB60]  }
0x17d: {  	v47 =	vadd.f32 v41, v58;
	v58 =	vadd.f32 v34, v59;
	v34 =	vmul.f32 v49, v40  }
0x17e: {  	v2 =	vadd.f32 v57, v2  }
0x17f: {  	v6 =	vadd.f32 v53, v6;
	v53 =	vsub.f32 $1.500000000e+00, v34  }
0x180: {  	v57 =	vperm.xlane v2, v10  }
0x181: {  	v40 =	vmul.f32 v53, v40;
	v53 =	vsub.f32 v0, v44;
	v0 =	vld [tilespmem:$0x1FB70]  }
0x182: {  	v2 =	vadd.f32 v57, v2;
	_ =	sdelay $0x1  }
0x183: {  	v55 =	vperm.xlane v2, v11;
	_ =	sdelay $0x1  }
0x184: {  	v2 =	vadd.f32 v55, v2;
	v55 =	vsub.f32 v0, v44;
	v0 =	vld [tilespmem:$0x1FB80];
	_ =	sdelay $0x2  }
0x185: {  	v1 =	vld [tilespmem:$0x1FBB0]  }
0x186: {  	v57 =	vperm.xlane v33, v12  }
0x187: {  	v59 =	vsub.f32 v0, v44;
	v0 =	vld [tilespmem:$0x1FB90]  }
0x188: {  	v33 =	vadd.f32 v33, v57  }
0x189: {  	v60 =	vperm.xlane v42, v12  }
0x18a: {  	v4 =	vsub.f32 v1, v44;
	v33 =	vmul.f32 $7.812500000e-03, v33;
	v43 =	vperm.xlane v2, v12  }
0x18b: {  	v42 =	vadd.f32 v60, v42;
	v6 =	vmul.f32 $7.812500000e-03, v6;
	v34 =	vmul.f32 $7.812500000e-03, v47  }
0x18c: {  	v47 =	vmul.f32 v33, v33;
	v7 =	vmul.f32 v3, v51;
	v60 =	vsub.f32 v0, v44;
	v0 =	vld [tilespmem:$0x1FBA0]  }
0x18d: {  	v4 =	vmul.f32 v3, v4  }
0x18e: {  	v2 =	vadd.f32 v43, v2;
	v6 =	vsub.f32 v6, v47;
	[tilespmem:$0x1FD90] =	vst v7;
	v7 =	vmul.f32 v3, v53  }
0x18f: {  	v1 =	vld [tilespmem:$0x1FBC0];
	v42 =	vmul.f32 $7.812500000e-03, v42;
	v35 =	vsub.f32 v35, v33;
	v49 =	vmul.f32 v34, v34  }
0x190: {  	v2 =	vmul.f32 $7.812500000e-03, v2;
	v6 =	vadd.f32 $9.999999960e-13, v6;
	[tilespmem:$0x1FDA0] =	vst v7;
	v7 =	vmul.f32 v3, v55  }
0x191: {  	[tilespmem:$0x1FDF0] =	vst v4;
	v51 =	vmul.f32 v40, v48;
	v5 =	vsub.f32 v0, v44;
	v0 =	vmul.f32 $7.812500000e-03, v58  }
0x192: {  	v30 =	vsub.f32 v30, v33;
	v4 =	vmul.f32 $5.000000000e-01, v6;
	[tilespmem:$0x1FDB0] =	vst v7;
	v7 =	vmul.f32 v3, v59  }
0x193: {  	v43 =	vshrl.u32 v6, $0x1;
	v57 =	vmul.f32 v51, v40;
	v41 =	vmul.f32 v0, v0  }
0x194: {  	[tilespmem:$0x1FDC0] =	vst v7;
	v7 =	vmul.f32 v3, v60;
	v44 =	vsub.f32 v1, v44;
	v1 =	vsub.f32 v42, v49  }
0x195: {  	v49 =	vsub.f32 v50, v33;
	v50 =	vsub.s32 $0x5F3759DF, v43;
	v2 =	vsub.f32 v2, v41  }
0x196: {  	v43 =	vsub.f32 v56, v33;
	v5 =	vmul.f32 v3, v5;
	v1 =	vadd.f32 $9.999999960e-13, v1  }
0x197: {  	v42 =	vsub.f32 v31, v33;
	v48 =	vmul.f32 v50, v4;
	v2 =	vadd.f32 $9.999999960e-13, v2  }
0x198: {  	v14 =	vsub.f32 v21, v0;
	[tilespmem:$0x1FDE0] =	vst v5;
	v6 =	vshrl.u32 v1, $0x1;
	v5 =	vmul.f32 $5.000000000e-01, v1  }
0x199: {  	[tilespmem:$0x1FDD0] =	vst v7;
	v55 =	vsub.s32 $0x5F3759DF, v6;
	v47 =	vshrl.u32 v2, $0x1;
	v7 =	vmul.f32 $5.000000000e-01, v2  }
0x19a: {  	v48 =	vmul.f32 v50, v48;
	v60 =	vmul.f32 v55, v5;
	v53 =	vsub.s32 $0x5F3759DF, v47  }
0x19b: {  	v51 =	vsub.f32 v29, v0;
	v41 =	vsub.f32 v46, v33;
	v1 =	vmul.f32 v53, v7  }
0x19c: {  	v31 =	vsub.f32 $1.500000000e+00, v48;
	v56 =	vmul.f32 v55, v60;
	v2 =	vmul.f32 v3, v44  }
0x19d: {  	v44 =	vsub.f32 $1.500000000e+00, v57;
	v47 =	vsub.f32 v38, v33;
	v1 =	vmul.f32 v53, v1  }
0x19e: {  	v38 =	vsub.f32 v45, v33;
	v33 =	vmul.f32 v50, v31;
	v58 =	vsub.f32 $1.500000000e+00, v56  }
0x19f: {  	v50 =	vsub.f32 v63, v0;
	v1 =	vsub.f32 $1.500000000e+00, v1  }
0x1a0: {  	v56 =	vsub.f32 v37, v34;
	v31 =	vmul.f32 v33, v4;
	v45 =	vmul.f32 v55, v58  }
0x1a1: {  	v55 =	vsub.f32 v23, v34;
	v23 =	vsub.f32 v61, v0;
	v1 =	vmul.f32 v53, v1  }
0x1a2: {  	v61 =	vsub.f32 v39, v0;
	v59 =	vmul.f32 v31, v33;
	v31 =	vsub.f32 v36, v34  }
0x1a3: {  	v36 =	vmul.f32 v44, v40;
	v40 =	vsub.f32 v16, v0;
	v60 =	vmul.f32 v1, v7  }
0x1a4: {  	v37 =	vsub.f32 $1.500000000e+00, v59;
	v59 =	vsub.f32 v22, v0;
	v22 =	vld [tilespmem:$0x1FE70]  }
0x1a5: {  	v53 =	vsub.f32 v8, v34;
	v8 =	vmul.f32 v60, v1;
	v60 =	vsub.f32 v15, v0;
	v0 =	vld [tilespmem:$0x1FBD0];
	_ =	sdelay $0x2  }
0x1a6: {  	v37 =	vmul.f32 v37, v33;
	v33 =	vsub.f32 $1.500000000e+00, v8  }
0x1a7: {  	v16 =	vld [tilespmem:$0x1FE40]  }
0x1a8: {  	v3 =	vmul.f32 v33, v1;
	v1 =	vmul.f32 v0, v22;
	v0 =	vld [tilespmem:$0x1FBE0];
	_ =	sdelay $0x3  }
0x1a9: {  	v46 =	vmul.f32 v45, v5  }
0x1aa: {  	v29 =	vmul.f32 v0, v16;
	v0 =	vld [tilespmem:$0x1FBF0]  }
0x1ab: {  	v46 =	vmul.f32 v46, v45  }
0x1ac: {  	v58 =	vsub.f32 v54, v34  }
0x1ad: {  	v54 =	vsub.f32 v32, v34;
	v32 =	vsub.f32 $1.500000000e+00, v46;
	_ =	sdelay $0x1  }
0x1ae: {  	[tilespmem:$0x1FE00] =	vst v2;
	v2 =	vmul.f32 v32, v45;
	v32 =	vsub.f32 v0, v52;
	v0 =	vld [tilespmem:$0x1FC00];
	_ =	sdelay $0x3  }
0x1af: {  	v48 =	vsub.f32 v28, v34;
	v15 =	vld [tilespmem:$0x1FE50]  }
0x1b0: {  	v57 =	vsub.f32 v9, v34;
	v34 =	vsub.f32 v0, v52;
	v0 =	vld [tilespmem:$0x1FC10];
	_ =	sdelay $0x4  }
0x1b1: {  	v63 =	vmul.f32 v0, v15;
	v0 =	vld [tilespmem:$0x1FC20];
	_ =	sdelay $0x4  }
0x1b2: {  	v44 =	vsub.f32 v0, v52;
	v0 =	vld [tilespmem:$0x1FC30];
	_ =	sdelay $0x4  }
0x1b3: {  	v45 =	vsub.f32 v0, v52;
	v0 =	vld [tilespmem:$0x1FC40];
	_ =	sdelay $0x4  }
0x1b4: {  	v46 =	vsub.f32 v0, v52;
	v0 =	vld [tilespmem:$0x1FC50];
	_ =	sdelay $0x4  }
0x1b5: {  	v6 =	vmul.f32 v36, v32;
	v32 =	vsub.f32 v0, v52;
	v0 =	vld [tilespmem:$0x1FC60];
	_ =	sdelay $0x3  }
0x1b6: {  	v4 =	vmul.f32 v37, v4  }
0x1b7: {  	v9 =	vld [tilespmem:$0x1FE60];
	v0 =	vsub.f32 v0, v52  }
0x1b8: {  	v4 =	vmul.f32 v4, v37;
	v8 =	vld [tilespmem:$0x1FC70];
	v39 =	vmul.f32 v36, v34  }
0x1b9: {  	v1 =	vadd.f32 v1, v17;
	v34 =	vmul.f32 v36, v46;
	v46 =	vmul.f32 v36, v0;
	v0 =	vld [tilespmem:$0x1FC80]  }
0x1ba: {  	v29 =	vadd.f32 v29, v25  }
0x1bb: {  	v4 =	vsub.f32 $1.500000000e+00, v4;
	[tilespmem:s11+$0xF0] =	vst v1  }
0x1bc: {  	v33 =	vmul.f32 v36, v45;
	v21 =	vld [tilespmem:$0x1FEF0];
	[tilespmem:s11+$0x80] =	vst v29  }
0x1bd: {  	v52 =	vsub.f32 v8, v52;
	v1 =	vmul.f32 v4, v37;
	v4 =	vmul.f32 v13, v24;
	v13 =	vld [tilespmem:$0x1FC90]  }
0x1be: {  	v8 =	vmul.f32 v36, v44;
	v0 =	vmul.f32 v0, v9  }
0x1bf: {  	v44 =	vmul.f32 v36, v32;
	v45 =	vmul.f32 v36, v52;
	v36 =	vadd.f32 v63, v26  }
0x1c0: {  	v0 =	vadd.f32 v0, v62  }
0x1c1: {  	[tilespmem:s11+$0x90] =	vst v36  }
0x1c2: {  	v29 =	vmul.f32 v13, v16;
	v13 =	vld [tilespmem:$0x1FCA0];
	[tilespmem:s11+$0xA0] =	vst v0  }
0x1c3: {  	v4 =	vadd.f32 v4, v21;
	v0 =	vld [tilespmem:$0x1FCB0]  }
0x1c4: {  	v29 =	vadd.f32 v29, v25  }
0x1c5: {  	[tilespmem:s11+$0xB0] =	vst v4  }
0x1c6: {  	v4 =	vld [tilespmem:$0x1FCC0];
	[tilespmem:s11+$0xFFFFFF00] =	vst v29  }
0x1c7: {  	v37 =	vmul.f32 v13, v15;
	v13 =	vld [tilespmem:$0x1FCD0]  }
0x1c8: {  	v0 =	vmul.f32 v0, v9  }
0x1c9: {  	v32 =	vadd.f32 v37, v26  }
0x1ca: {  	v0 =	vadd.f32 v0, v62  }
0x1cb: {  	v5 =	vmul.f32 v2, v5;
	v7 =	vmul.f32 v3, v7;
	[tilespmem:s11+$0xFFFFFF10] =	vst v32  }
0x1cc: {  	v4 =	vmul.f32 v4, v24;
	v29 =	vmul.f32 v13, v18;
	v13 =	vld [tilespmem:$0x1FCE0];
	[tilespmem:s11+$0xFFFFFF20] =	vst v0  }
0x1cd: {  	v5 =	vmul.f32 v5, v2;
	v0 =	vld [tilespmem:$0x1FCF0]  }
0x1ce: {  	v7 =	vmul.f32 v7, v3;
	v4 =	vadd.f32 v4, v21  }
0x1cf: {  	v5 =	vsub.f32 $1.500000000e+00, v5  }
0x1d0: {  	v7 =	vsub.f32 $1.500000000e+00, v7;
	v29 =	vadd.f32 v29, v27;
	[tilespmem:s11+$0xFFFFFF30] =	vst v4  }
0x1d1: {  	v2 =	vmul.f32 v5, v2;
	v4 =	vld [tilespmem:$0x1FF10]  }
0x1d2: {  	v5 =	vmul.f32 v0, v20;
	v0 =	vmul.f32 v7, v3;
	v3 =	vld [tilespmem:$0x1FD00];
	[tilespmem:s11+$0xFFFFFF40] =	vst v29  }
0x1d3: {  	v52 =	vmul.f32 v13, v19;
	v13 =	vld [tilespmem:$0x1FD20];
	_ =	sdelay $0x4  }
0x1d4: {  	v29 =	vmul.f32 v13, v15;
	v13 =	vld [tilespmem:$0x1FF20];
	_ =	sdelay $0x2  }
0x1d5: {  	v4 =	vadd.f32 v52, v4  }
0x1d6: {  	v7 =	vld [tilespmem:$0x1FD10]  }
0x1d7: {  	[tilespmem:s11+$0xFFFFFF50] =	vst v4;
	v5 =	vadd.f32 v5, v13  }
0x1d8: {  	v4 =	vld [tilespmem:$0x1FD30]  }
0x1d9: {  	v13 =	vld [tilespmem:$0x1FD40];
	[tilespmem:s11+$0xFFFFFF60] =	vst v5  }
0x1da: {  	v3 =	vmul.f32 v3, v22;
	v5 =	vld [tilespmem:$0x1FD50]  }
0x1db: {  	v7 =	vmul.f32 v7, v16  }
0x1dc: {  	v3 =	vadd.f32 v3, v17  }
0x1dd: {  	v7 =	vadd.f32 v7, v25;
	v4 =	vmul.f32 v4, v9  }
0x1de: {  	v29 =	vadd.f32 v29, v26;
	v32 =	vmul.f32 v13, v24;
	v13 =	vld [tilespmem:$0x1FD60];
	[tilespmem:s11+$0xFFFFFF70] =	vst v3  }
0x1df: {  	v4 =	vadd.f32 v4, v62;
	v3 =	vld [tilespmem:$0x1FD70];
	[tilespmem:s11+$0xFFFFFF80] =	vst v7;
	v5 =	vmul.f32 v5, v18  }
0x1e0: {  	[tilespmem:s11+$0xFFFFFF90] =	vst v29;
	v7 =	vadd.f32 v32, v21  }
0x1e1: {  	[tilespmem:s11+$0xFFFFFFA0] =	vst v4;
	v5 =	vadd.f32 v5, v27  }
0x1e2: {  	[tilespmem:s11+$0xFFFFFFB0] =	vst v7  }
0x1e3: {  	v7 =	vld [tilespmem:$0x1FF10];
	[tilespmem:s11+$0xFFFFFFC0] =	vst v5  }
0x1e4: {  	v63 =	vmul.f32 v13, v19;
	v13 =	vld [tilespmem:$0x1FD90];
	_ =	sdelay $0x4  }
0x1e5: {  	v4 =	vmul.f32 v1, v30;
	v30 =	vmul.f32 v13, v16;
	v13 =	vld [tilespmem:$0x1FF20];
	_ =	sdelay $0x1  }
0x1e6: {  	v7 =	vadd.f32 v63, v7  }
0x1e7: {  	v3 =	vmul.f32 v3, v20  }
0x1e8: {  	v5 =	vld [tilespmem:$0x1FD80];
	[tilespmem:s11+$0xFFFFFFD0] =	vst v7  }
0x1e9: {  	v3 =	vadd.f32 v3, v13;
	v13 =	vld [tilespmem:$0x1FDB0];
	_ =	sdelay $0x2  }
0x1ea: {  	v7 =	vld [tilespmem:$0x1FDA0];
	[tilespmem:s11+$0xFFFFFFE0] =	vst v3  }
0x1eb: {  	v49 =	vmul.f32 v1, v49;
	v3 =	vld [tilespmem:$0x1FDC0]  }
0x1ec: {  	v29 =	vmul.f32 v39, v22;
	v32 =	vmul.f32 v13, v9;
	v13 =	vld [tilespmem:$0x1FDD0]  }
0x1ed: {  	v41 =	vmul.f32 v1, v41;
	v5 =	vmul.f32 v5, v22  }
0x1ee: {  	v35 =	vmul.f32 v1, v35;
	v36 =	vmul.f32 v1, v42;
	v29 =	vadd.f32 v29, v17  }
0x1ef: {  	v42 =	vmul.f32 v2, v48;
	v5 =	vadd.f32 v5, v17;
	v7 =	vmul.f32 v7, v15  }
0x1f0: {  	v37 =	vmul.f32 v2, v57;
	v52 =	vmul.f32 v1, v43;
	v30 =	vadd.f32 v30, v25;
	[tilespmem:s19+$0xF0] =	vst v29  }
0x1f1: {  	v3 =	vmul.f32 v3, v24;
	v63 =	vmul.f32 v13, v18;
	v13 =	vld [tilespmem:$0x1FDE0];
	[tilespmem:s11+$0xFFFFFFF0] =	vst v5;
	v5 =	vadd.f32 v7, v26  }
0x1f2: {  	v43 =	vmul.f32 v1, v47;
	v47 =	vmul.f32 v2, v55;
	v55 =	vld [tilespmem:$0x1FF20];
	[tilespmem:s11+$0x0] =	vst v30;
	v30 =	vadd.f32 v32, v62  }
0x1f3: {  	v1 =	vmul.f32 v1, v38;
	v38 =	vmul.f32 v2, v58;
	v57 =	vadd.f32 v3, v21;
	[tilespmem:s11+$0x10] =	vst v5  }
0x1f4: {  	v7 =	vmul.f32 v2, v56;
	v5 =	vmul.f32 v2, v54;
	v54 =	vld [tilespmem:$0x1FF10];
	[tilespmem:s11+$0x20] =	vst v30  }
0x1f5: {  	v3 =	vmul.f32 v2, v53;
	v32 =	vmul.f32 v2, v31;
	v2 =	vld [tilespmem:$0x1FDF0];
	[tilespmem:s11+$0x30] =	vst v57  }
0x1f6: {  	v29 =	vmul.f32 v13, v19;
	v13 =	vld [tilespmem:$0x1FE00];
	_ =	sdelay $0x4  }
0x1f7: {  	v58 =	vmul.f32 v13, v22;
	v13 =	vld [tilespmem:$0x1FE10];
	_ =	sdelay $0x1  }
0x1f8: {  	v31 =	vadd.f32 v63, v27;
	_ =	sdelay $0x1  }
0x1f9: {  	[tilespmem:s11+$0x40] =	vst v31  }
0x1fa: {  	v30 =	vmul.f32 v13, v18;
	v13 =	vld [tilespmem:$0x1FE20];
	_ =	sdelay $0x1  }
0x1fb: {  	v29 =	vadd.f32 v29, v54;
	v2 =	vmul.f32 v2, v20;
	_ =	sdelay $0x1  }
0x1fc: {  	v6 =	vmul.f32 v6, v16;
	v2 =	vadd.f32 v2, v55;
	[tilespmem:s11+$0x50] =	vst v29  }
0x1fd: {  	v8 =	vmul.f32 v8, v15;
	v39 =	vadd.f32 v58, v17;
	v31 =	vmul.f32 v13, v19;
	v13 =	vld [tilespmem:$0x1FE30]  }
0x1fe: {  	v6 =	vadd.f32 v6, v25;
	v48 =	vmul.f32 v0, v14;
	[tilespmem:s11+$0x60] =	vst v2  }
0x1ff: {  	v8 =	vadd.f32 v8, v26;
	v40 =	vmul.f32 v0, v40;
	v63 =	vmul.f32 v34, v24;
	[tilespmem:s11+$0x70] =	vst v39  }
0x200: {  	v2 =	vmul.f32 v33, v9;
	v39 =	vmul.f32 v0, v59;
	[tilespmem:s19+$0x80] =	vst v6  }
0x201: {  	v6 =	vmul.f32 v0, v60;
	[tilespmem:s19+$0x90] =	vst v8;
	v8 =	vmul.f32 v0, v23;
	v33 =	vadd.f32 v63, v21  }
0x202: {  	s28 =	simm.s32 $0x4;
	s21 =	simm.s32 $0x700;
	v53 =	vadd.f32 v2, v62;
	v2 =	vmul.f32 v0, v61;
	v22 =	vmul.f32 v13, v20  }
.LBB2_3:
0x203: {  	v34 =	vld [tilespmem:s21+$0xA0]  }
0x204: {  	v28 =	vld [tilespmem:$0x1FE40]  }
0x205: {  	v14 =	vld [tilespmem:$0x1FE50]  }
0x206: {  	v13 =	vld [tilespmem:$0x1FE60]  }
0x207: {  	v30 =	vadd.f32 v30, v27;
	v9 =	vld [tilespmem:$0x1FE70];
	[tilespmem:s19+$0xA0] =	vst v53  }
0x208: {  	s12 =	sadd.s32 $0x200, s12;
	v31 =	vadd.f32 v31, v54;
	v60 =	vld [tilespmem:s21+$0x80];
	[tilespmem:s19+$0xB0] =	vst v33  }
0x209: {  	v29 =	vadd.f32 v22, v55;
	v33 =	vld [tilespmem:s12+$0x80];
	[tilespmem:s11+$0xC0] =	vst v30  }
0x20a: {  	v50 =	vmul.f32 v0, v50;
	v57 =	vmul.f32 v38, v24;
	[tilespmem:s11+$0xD0] =	vst v31;
	v30 =	vld [tilespmem:s21+$0x90]  }
0x20b: {  	v43 =	vmul.f32 v43, v24;
	v31 =	vld [tilespmem:s12+$0x90];
	[tilespmem:s11+$0xE0] =	vst v29;
	v49 =	vmul.f32 v49, v28  }
0x20c: {  	v53 =	vmul.f32 v4, v20;
	v52 =	vmul.f32 v52, v14;
	v4 =	vld [tilespmem:s12+$0xA0]  }
0x20d: {  	v35 =	vmul.f32 v35, v18;
	v41 =	vmul.f32 v41, v13;
	v29 =	vld [tilespmem:s21+$0xB0];
	v49 =	vadd.f32 v49, v25  }
0x20e: {  	v36 =	vmul.f32 v36, v19;
	s11 =	smov.u32 s19;
	v56 =	vmul.f32 v1, v9;
	v38 =	vld [tilespmem:s12+$0xB0];
	v52 =	vadd.f32 v52, v26  }
0x20f: {  	v59 =	vld [tilespmem:s21+$0xC0];
	v63 =	vadd.f32 v35, v27;
	v35 =	vmul.f32 v3, v9;
	v1 =	vadd.f32 v41, v62;
	[tilespmem:s11+$0xFFFFFF00] =	vst v49  }
0x210: {  	v61 =	vadd.f32 v43, v21;
	v3 =	vld [tilespmem:s12+$0xC0];
	v49 =	vmul.f32 v42, v28;
	[tilespmem:s11+$0xFFFFFF10] =	vst v52;
	v52 =	vmul.f32 v37, v13  }
0x211: {  	[tilespmem:s11+$0xFFFFFF20] =	vst v1;
	v1 =	vadd.f32 v33, v60;
	v55 =	vadd.f32 v31, v30;
	v37 =	vmul.f32 v39, v14  }
0x212: {  	v15 =	vadd.f32 v36, v54;
	v39 =	vmul.f32 v2, v19;
	v2 =	vmul.f32 v50, v20  }
0x213: {  	[tilespmem:s11+$0xFFFFFF30] =	vst v61;
	v30 =	vld [tilespmem:s12+$0xD0];
	v54 =	vadd.f32 v4, v34;
	v31 =	vmul.f32 v1, v1;
	v61 =	vmul.f32 v55, v55  }
0x214: {  	v4 =	vld [tilespmem:s21+$0xD0];
	v41 =	vadd.f32 v38, v29;
	v38 =	vmul.f32 v6, v24;
	v6 =	vmul.f32 v8, v18  }
0x215: {  	[tilespmem:s11+$0xFFFFFF40] =	vst v63;
	v42 =	vadd.f32 v3, v59;
	v3 =	vld [tilespmem:s21+$0xF0];
	v63 =	vmul.f32 v54, v54;
	v8 =	vadd.f32 v61, v31  }
0x216: {  	v0 =	vmul.f32 v0, v51;
	v58 =	vmul.f32 v32, v19;
	[tilespmem:$0x1FA00] =	vst v2;
	v2 =	vld [tilespmem:s12+$0xF0]  }
0x217: {  	v47 =	vmul.f32 v47, v14;
	v32 =	vmovc v14;
	v29 =	vld [tilespmem:s21+$0xE0];
	v34 =	vmul.f32 v41, v41;
	v8 =	vadd.f32 v63, v8  }
0x218: {  	[tilespmem:s11+$0xFFFFFF50] =	vst v15;
	v14 =	vmul.f32 v40, v13;
	v40 =	vmul.f32 v0, v9;
	v0 =	vld [tilespmem:s21+$0xFFFFFF10];
	v60 =	vadd.f32 v55, v1  }
0x219: {  	v50 =	vld [tilespmem:s12+$0xFFFFFF10];
	v59 =	vmul.f32 v42, v42;
	v43 =	vadd.f32 v30, v4;
	v4 =	vadd.f32 v34, v8  }
0x21a: {  	[tilespmem:$0x1F9F0] =	vst v6;
	v6 =	vld [tilespmem:s12+$0xE0];
	v31 =	vadd.f32 v54, v60  }
0x21b: {  	v60 =	vadd.f32 v59, v4;
	v4 =	vadd.f32 v2, v3;
	v2 =	vld [tilespmem:$0x1FF20]  }
0x21c: {  	v16 =	vld [tilespmem:s12+$0x30]  }
0x21d: {  	v51 =	vld [tilespmem:s12+$0xFFFFFF00];
	v31 =	vadd.f32 v41, v31  }
0x21e: {  	v63 =	vld [tilespmem:s12+$0xFFFFFF80]  }
0x21f: {  	v30 =	vmul.f32 v44, v18;
	v8 =	vadd.f32 v42, v31;
	v44 =	vadd.f32 v6, v29;
	v6 =	vld [tilespmem:s21+$0xFFFFFF80]  }
0x220: {  	v50 =	vadd.f32 v50, v0;
	v0 =	vld [tilespmem:s12+$0x0];
	v2 =	vadd.f32 v53, v2  }
0x221: {  	v61 =	vmul.f32 v43, v43;
	v29 =	vld [tilespmem:$0x1FFC0];
	v8 =	vadd.f32 v43, v8  }
0x222: {  	v49 =	vadd.f32 v49, v25;
	v34 =	vmul.f32 v45, v20;
	v3 =	vld [tilespmem:s21+$0xFFFFFF90];
	[tilespmem:s11+$0xFFFFFF60] =	vst v2;
	v2 =	vadd.f32 v56, v17  }
0x223: {  	v45 =	vadd.f32 v61, v60;
	v8 =	vadd.f32 v44, v8;
	v60 =	vmul.f32 v44, v44;
	v61 =	vld [tilespmem:s12+$0xFFFFFF90]  }
0x224: {  	v31 =	vmul.f32 v46, v19;
	v46 =	vadd.f32 v63, v6;
	v6 =	vld [tilespmem:s21+$0x10];
	[tilespmem:s11+$0xFFFFFF70] =	vst v2;
	v2 =	vadd.f32 v47, v26  }
0x225: {  	v59 =	vmul.f32 v4, v4;
	v45 =	vadd.f32 v60, v45;
	v8 =	vadd.f32 v4, v8;
	v53 =	vld [tilespmem:s21+$0xFFFFFF20]  }
0x226: {  	v7 =	vmul.f32 v7, v18;
	v56 =	vld [tilespmem:s21+$0x0];
	[tilespmem:s11+$0xFFFFFF90] =	vst v2;
	v2 =	vadd.f32 v52, v62  }
0x227: {  	[tilespmem:s11+$0xFFFFFF80] =	vst v49;
	v63 =	vperm.xlane v8, v29;
	v47 =	vadd.f32 v59, v45;
	v59 =	vld [tilespmem:s12+$0x10];
	v52 =	vadd.f32 v57, v21  }
0x228: {  	v36 =	vmul.f32 v48, v28;
	v48 =	vadd.f32 v61, v3;
	v57 =	vld [tilespmem:s21+$0xFFFFFF00];
	[tilespmem:s11+$0xFFFFFFA0] =	vst v2  }
0x229: {  	v3 =	vadd.f32 v8, v63;
	v2 =	vadd.f32 v7, v27;
	v7 =	vld [tilespmem:$0x1FF10];
	[tilespmem:s11+$0xFFFFFFB0] =	vst v52  }
0x22a: {  	v52 =	vld [tilespmem:s21+$0xFFFFFFA0]  }
0x22b: {  	v8 =	vperm.xlane v47, v29;
	v45 =	vadd.f32 v0, v56;
	v0 =	vperm.xlane v3, v10;
	[tilespmem:s11+$0xFFFFFFC0] =	vst v2;
	v2 =	vld [tilespmem:$0x1FF20]  }
0x22c: {  	v5 =	vmul.f32 v5, v20;
	v60 =	vmul.f32 v46, v46;
	v26 =	vld [tilespmem:s12+$0x60];
	v56 =	vadd.f32 v48, v46  }
0x22d: {  	v61 =	vmul.f32 v48, v48;
	v8 =	vadd.f32 v8, v47;
	v0 =	vadd.f32 v3, v0;
	v62 =	vld [tilespmem:s12+$0xFFFFFFA0]  }
0x22e: {  	v49 =	vmul.f32 v50, v50;
	v47 =	vadd.f32 v59, v6;
	v7 =	vadd.f32 v58, v7;
	v58 =	vld [tilespmem:s12+$0xFFFFFF20]  }
0x22f: {  	v19 =	vld [tilespmem:s21+$0xFFFFFF50];
	v6 =	vadd.f32 v61, v60;
	v3 =	vadd.f32 v51, v57;
	v51 =	vperm.xlane v0, v11  }
0x230: {  	v33 =	vmovc v13;
	v60 =	vld [tilespmem:s21+$0xFFFFFF30];
	v57 =	vmul.f32 v45, v45;
	v2 =	vadd.f32 v5, v2;
	v5 =	vperm.xlane v8, v10  }
0x231: {  	v61 =	vmul.f32 v3, v3;
	v63 =	vadd.f32 v50, v3;
	v0 =	vadd.f32 v0, v51;
	[tilespmem:s11+$0xFFFFFFD0] =	vst v7;
	v7 =	vld [tilespmem:s21+$0x20]  }
0x232: {  	v13 =	vmul.f32 v47, v47;
	v52 =	vadd.f32 v62, v52;
	[tilespmem:s11+$0xFFFFFFE0] =	vst v2;
	v2 =	vld [tilespmem:s12+$0x20];
	v8 =	vadd.f32 v5, v8  }
0x233: {  	v5 =	vadd.f32 v58, v53;
	v53 =	vld [tilespmem:s12+$0xFFFFFF30];
	v58 =	vadd.f32 v49, v61;
	v49 =	vperm.xlane v0, v12  }
0x234: {  	v59 =	vadd.f32 v47, v45;
	v13 =	vadd.f32 v13, v57;
	v61 =	vld [tilespmem:s21+$0xFFFFFFB0];
	v51 =	vperm.xlane v8, v11  }
0x235: {  	v17 =	vmul.f32 v52, v52;
	v62 =	vadd.f32 v5, v63;
	v63 =	vld [tilespmem:s12+$0xFFFFFFB0];
	v0 =	vadd.f32 v0, v49  }
0x236: {  	[tilespmem:$0x1F9E0] =	vst v14;
	v21 =	vld [tilespmem:s21+$0xFFFFFF60];
	v15 =	vadd.f32 v52, v56;
	v14 =	vmul.f32 v5, v5;
	v8 =	vadd.f32 v51, v8  }
0x237: {  	v6 =	vadd.f32 v17, v6;
	v51 =	vadd.f32 v2, v7;
	v2 =	vld [tilespmem:s21+$0x30];
	v49 =	vmul.f32 $7.812500000e-03, v0  }
0x238: {  	v57 =	vld [tilespmem:s21+$0xFFFFFF40];
	v14 =	vadd.f32 v14, v58;
	v56 =	vperm.xlane v8, v12;
	v7 =	vadd.f32 v53, v60  }
0x239: {  	v60 =	vld [tilespmem:s12+$0xFFFFFF40];
	v59 =	vadd.f32 v51, v59;
	v4 =	vsub.f32 v4, v49  }
0x23a: {  	v58 =	vld [tilespmem:s21+$0xFFFFFFC0];
	v18 =	vmul.f32 v51, v51;
	v0 =	vadd.f32 v56, v8;
	v56 =	vadd.f32 v63, v61  }
0x23b: {  	v61 =	vadd.f32 v7, v62;
	v62 =	vld [tilespmem:s12+$0xFFFFFFC0];
	v8 =	vmul.f32 v49, v49;
	v63 =	vmul.f32 v7, v7  }
0x23c: {  	v17 =	vld [tilespmem:s12+$0x40];
	v13 =	vadd.f32 v18, v13;
	v0 =	vmul.f32 $7.812500000e-03, v0;
	v53 =	vadd.f32 v16, v2  }
0x23d: {  	v2 =	vld [tilespmem:s21+$0x40];
	v15 =	vadd.f32 v56, v15;
	v16 =	vmul.f32 v56, v56;
	v14 =	vadd.f32 v63, v14  }
0x23e: {  	v0 =	vsub.f32 v0, v8;
	v8 =	vadd.f32 v60, v57;
	v57 =	vld [tilespmem:s12+$0xFFFFFF50]  }
0x23f: {  	v63 =	vld [tilespmem:s12+$0xFFFFFFD0];
	v18 =	vadd.f32 v53, v59;
	v59 =	vmul.f32 v53, v53;
	v6 =	vadd.f32 v16, v6  }
0x240: {  	v60 =	vadd.f32 $9.999999960e-13, v0;
	v0 =	vadd.f32 v62, v58;
	v62 =	vld [tilespmem:s21+$0xFFFFFFD0]  }
0x241: {  	v16 =	vld [tilespmem:s21+$0x50];
	v61 =	vadd.f32 v8, v61;
	v13 =	vadd.f32 v59, v13;
	v22 =	vmul.f32 v8, v8  }
0x242: {  	v2 =	vadd.f32 v17, v2;
	v58 =	vshrl.u32 v60, $0x1;
	v20 =	vmul.f32 $5.000000000e-01, v60;
	v60 =	vld [tilespmem:s12+$0x50]  }
0x243: {  	v23 =	vmul.f32 v0, v0;
	v17 =	vsub.s32 $0x5F3759DF, v58;
	v58 =	vadd.f32 v57, v19;
	v19 =	vld [tilespmem:s12+$0xFFFFFF60]  }
0x244: {  	v14 =	vadd.f32 v22, v14;
	v22 =	vld [tilespmem:s21+$0xFFFFFFE0];
	v24 =	vmul.f32 v2, v2;
	v59 =	vmul.f32 v17, v20  }
0x245: {  	v15 =	vadd.f32 v0, v15;
	v57 =	vadd.f32 v63, v62;
	v63 =	vld [tilespmem:s12+$0xFFFFFFE0]  }
0x246: {  	v23 =	vadd.f32 v23, v6;
	v13 =	vadd.f32 v24, v13;
	v24 =	vld [tilespmem:s12+$0xFFFFFF70];
	v59 =	vmul.f32 v17, v59  }
0x247: {  	v61 =	vadd.f32 v58, v61;
	v62 =	vmul.f32 v58, v58;
	v6 =	vadd.f32 v60, v16;
	v16 =	vld [tilespmem:s21+$0x60]  }
0x248: {  	v25 =	vmul.f32 v57, v57;
	v59 =	vsub.f32 $1.500000000e+00, v59;
	v60 =	vadd.f32 v19, v21;
	v19 =	vld [tilespmem:s21+$0xFFFFFF70]  }
0x249: {  	v15 =	vadd.f32 v57, v15;
	v14 =	vadd.f32 v62, v14  }
0x24a: {  	v27 =	vld [tilespmem:s12+$0xFFFFFFF0];
	v21 =	vmul.f32 v6, v6;
	v23 =	vadd.f32 v25, v23;
	v17 =	vmul.f32 v17, v59  }
0x24b: {  	v61 =	vadd.f32 v60, v61;
	v62 =	vmul.f32 v60, v60;
	v59 =	vadd.f32 v63, v22;
	v22 =	vld [tilespmem:s21+$0xFFFFFFF0]  }
0x24c: {  	v63 =	vsub.f32 v1, v49;
	v25 =	vmul.f32 v17, v20;
	v1 =	vadd.f32 v26, v16  }
0x24d: {  	v16 =	vld [tilespmem:s21+$0x70];
	v14 =	vadd.f32 v62, v14;
	v62 =	vadd.f32 v24, v19  }
0x24e: {  	v18 =	vadd.f32 v2, v18;
	v13 =	vadd.f32 v21, v13;
	v26 =	vld [tilespmem:s12+$0x70];
	v21 =	vmul.f32 v25, v17  }
0x24f: {  	v15 =	vadd.f32 v59, v15;
	v25 =	vmul.f32 v59, v59;
	v24 =	vadd.f32 v62, v61  }
0x250: {  	v61 =	vadd.f32 v27, v22;
	v21 =	vsub.f32 $1.500000000e+00, v21  }
0x251: {  	v18 =	vadd.f32 v6, v18;
	v19 =	vmul.f32 v1, v1;
	v23 =	vadd.f32 v25, v23  }
0x252: {  	v25 =	vmul.f32 v62, v62;
	v15 =	vadd.f32 v61, v15;
	v17 =	vmul.f32 v21, v17  }
0x253: {  	v21 =	vsub.f32 v55, v49;
	v55 =	vadd.f32 v26, v16;
	v16 =	vperm.xlane v24, v29  }
0x254: {  	v13 =	vadd.f32 v19, v13;
	v22 =	vmul.f32 v61, v61;
	v19 =	vmul.f32 v17, v20  }
0x255: {  	v18 =	vadd.f32 v1, v18;
	v16 =	vadd.f32 v24, v16;
	v24 =	vperm.xlane v15, v29  }
0x256: {  	v14 =	vadd.f32 v25, v14;
	v22 =	vadd.f32 v22, v23;
	v19 =	vmul.f32 v19, v17  }
0x257: {  	v18 =	vadd.f32 v55, v18;
	v23 =	vmul.f32 v55, v55;
	v15 =	vadd.f32 v15, v24  }
0x258: {  	v20 =	vsub.f32 v54, v49;
	v25 =	vperm.xlane v14, v29;
	v19 =	vsub.f32 $1.500000000e+00, v19  }
0x259: {  	v13 =	vadd.f32 v23, v13;
	v23 =	vperm.xlane v18, v29;
	v24 =	vperm.xlane v15, v10  }
0x25a: {  	v14 =	vadd.f32 v25, v14;
	v54 =	vmul.f32 v19, v17;
	v17 =	vperm.xlane v22, v29  }
0x25b: {  	v18 =	vadd.f32 v18, v23;
	v19 =	vperm.xlane v13, v29;
	v15 =	vadd.f32 v15, v24;
	v24 =	vld [tilespmem:$0x1FF30]  }
0x25c: {  	v23 =	vperm.xlane v16, v10;
	v4 =	vmul.f32 v54, v4;
	v17 =	vadd.f32 v17, v22  }
0x25d: {  	v22 =	vperm.xlane v18, v10;
	v13 =	vadd.f32 v19, v13;
	v19 =	vperm.xlane v14, v10  }
0x25e: {  	v16 =	vadd.f32 v16, v23;
	v4 =	vmul.f32 v4, v9;
	v23 =	vperm.xlane v17, v10  }
0x25f: {  	v18 =	vadd.f32 v18, v22;
	v22 =	vperm.xlane v13, v10;
	v14 =	vadd.f32 v19, v14  }
0x260: {  	v19 =	vperm.xlane v15, v11;
	v4 =	vadd.f32 v4, v24;
	v24 =	vperm.xlane v16, v11  }
0x261: {  	v17 =	vadd.f32 v23, v17;
	v23 =	vperm.xlane v18, v11;
	v13 =	vadd.f32 v22, v13  }
0x262: {  	v15 =	vadd.f32 v15, v19;
	[tilespmem:s21+$0xF0] =	vst v4;
	v4 =	vadd.f32 v16, v24;
	v16 =	vperm.xlane v14, v11  }
0x263: {  	v19 =	vperm.xlane v17, v11;
	v18 =	vadd.f32 v18, v23;
	v22 =	vperm.xlane v13, v11  }
0x264: {  	v23 =	vperm.xlane v4, v12;
	v14 =	vadd.f32 v16, v14;
	v16 =	vperm.xlane v15, v12  }
0x265: {  	v17 =	vadd.f32 v19, v17;
	v19 =	vperm.xlane v18, v12;
	v13 =	vadd.f32 v22, v13  }
0x266: {  	v4 =	vadd.f32 v4, v23;
	v22 =	vperm.xlane v14, v12;
	v15 =	vadd.f32 v15, v16  }
0x267: {  	v16 =	vperm.xlane v17, v12;
	v18 =	vadd.f32 v18, v19;
	v19 =	vperm.xlane v13, v12  }
0x268: {  	v4 =	vmul.f32 $7.812500000e-03, v4;
	v14 =	vadd.f32 v22, v14;
	v15 =	vmul.f32 $7.812500000e-03, v15  }
0x269: {  	v16 =	vadd.f32 v16, v17;
	v17 =	vmul.f32 $7.812500000e-03, v18;
	v13 =	vadd.f32 v19, v13  }
0x26a: {  	v14 =	vmul.f32 $7.812500000e-03, v14;
	v18 =	vmul.f32 v4, v4;
	v3 =	vsub.f32 v3, v4  }
0x26b: {  	v19 =	vsub.f32 v50, v4;
	v16 =	vmul.f32 $7.812500000e-03, v16;
	v22 =	vmul.f32 v15, v15  }
0x26c: {  	v13 =	vmul.f32 $7.812500000e-03, v13;
	v5 =	vsub.f32 v5, v4;
	v7 =	vsub.f32 v7, v4  }
0x26d: {  	v8 =	vsub.f32 v8, v4;
	v14 =	vsub.f32 v14, v18;
	v18 =	vmul.f32 v17, v17  }
0x26e: {  	v27 =	vsub.f32 v58, v4;
	v16 =	vsub.f32 v16, v22  }
0x26f: {  	v14 =	vadd.f32 $9.999999960e-13, v14;
	v13 =	vsub.f32 v13, v18  }
0x270: {  	v58 =	vsub.f32 v60, v4;
	v18 =	vmul.f32 v54, v21;
	v16 =	vadd.f32 $9.999999960e-13, v16  }
0x271: {  	v21 =	vshrl.u32 v14, $0x1;
	v14 =	vmul.f32 $5.000000000e-01, v14;
	v13 =	vadd.f32 $9.999999960e-13, v13  }
0x272: {  	v23 =	vshrl.u32 v16, $0x1;
	v16 =	vmul.f32 $5.000000000e-01, v16;
	v21 =	vsub.s32 $0x5F3759DF, v21  }
0x273: {  	v23 =	vsub.s32 $0x5F3759DF, v23;
	v24 =	vshrl.u32 v13, $0x1;
	v13 =	vmul.f32 $5.000000000e-01, v13  }
0x274: {  	v25 =	vmul.f32 v21, v14;
	v26 =	vmul.f32 v23, v16;
	v24 =	vsub.s32 $0x5F3759DF, v24  }
0x275: {  	v60 =	vsub.f32 v62, v4;
	v62 =	vsub.f32 v46, v15;
	v50 =	vmul.f32 v24, v13  }
0x276: {  	v48 =	vsub.f32 v48, v15;
	v25 =	vmul.f32 v21, v25;
	v26 =	vmul.f32 v23, v26  }
0x277: {  	v57 =	vsub.f32 v57, v15;
	v59 =	vsub.f32 v59, v15;
	v4 =	vmul.f32 v24, v50  }
0x278: {  	v25 =	vsub.f32 $1.500000000e+00, v25;
	v26 =	vsub.f32 $1.500000000e+00, v26  }
0x279: {  	v53 =	vsub.f32 v53, v17;
	v22 =	vmul.f32 v54, v63;
	v4 =	vsub.f32 $1.500000000e+00, v4  }
0x27a: {  	v2 =	vsub.f32 v2, v17;
	v21 =	vmul.f32 v21, v25;
	v23 =	vmul.f32 v23, v26  }
0x27b: {  	v26 =	vsub.f32 v56, v15;
	v56 =	vsub.f32 v0, v15;
	v0 =	vmul.f32 v24, v4  }
0x27c: {  	v63 =	vsub.f32 v47, v17;
	v4 =	vmul.f32 v21, v14;
	v24 =	vmul.f32 v23, v16  }
0x27d: {  	v22 =	vmul.f32 v22, v28;
	v28 =	vsub.f32 v51, v17;
	v50 =	vmul.f32 v0, v13  }
0x27e: {  	v51 =	vsub.f32 v55, v17;
	v4 =	vmul.f32 v4, v21;
	v24 =	vmul.f32 v24, v23  }
0x27f: {  	v25 =	vsub.f32 v52, v15;
	v15 =	vsub.f32 v61, v15;
	v52 =	vmul.f32 v50, v0  }
0x280: {  	v4 =	vsub.f32 $1.500000000e+00, v4;
	v24 =	vsub.f32 $1.500000000e+00, v24  }
0x281: {  	v61 =	vsub.f32 v45, v17;
	v45 =	vsub.f32 $1.500000000e+00, v52  }
0x282: {  	v50 =	vsub.f32 v1, v17;
	v4 =	vmul.f32 v4, v21;
	v21 =	vmul.f32 v24, v23  }
0x283: {  	v23 =	vsub.f32 v6, v17;
	v17 =	vsub.f32 v43, v49;
	v0 =	vmul.f32 v45, v0  }
0x284: {  	v24 =	vsub.f32 v44, v49;
	v1 =	vmul.f32 v4, v14  }
0x285: {  	v46 =	vmul.f32 v54, v17;
	v17 =	vld [tilespmem:$0x1FF30];
	v13 =	vmul.f32 v0, v13  }
0x286: {  	v45 =	vmul.f32 v54, v24;
	v24 =	vld [tilespmem:$0x1FE80];
	v1 =	vmul.f32 v1, v4  }
0x287: {  	v14 =	vsub.f32 v41, v49;
	v13 =	vmul.f32 v13, v0  }
0x288: {  	v1 =	vsub.f32 $1.500000000e+00, v1  }
0x289: {  	v14 =	vmul.f32 v54, v14;
	v13 =	vsub.f32 $1.500000000e+00, v13  }
0x28a: {  	v1 =	vmul.f32 v1, v4;
	v4 =	vadd.f32 v35, v17  }
0x28b: {  	v0 =	vmul.f32 v13, v0;
	v13 =	vmul.f32 v14, v24;
	v14 =	vld [tilespmem:$0x1FEC0]  }
0x28c: {  	[tilespmem:s11+$0xFFFFFFF0] =	vst v4;
	v4 =	vld [tilespmem:$0x1FEE0]  }
0x28d: {  	v41 =	vmul.f32 v1, v5;
	v5 =	vld [tilespmem:$0x1F9E0]  }
0x28e: {  	v6 =	vmul.f32 v21, v16;
	v16 =	vsub.f32 v42, v49;
	v49 =	vmul.f32 v1, v3;
	v3 =	vld [tilespmem:$0x1FED0];
	_ =	sdelay $0x3  }
0x28f: {  	v6 =	vmul.f32 v6, v21;
	v5 =	vadd.f32 v5, v4  }
0x290: {  	v14 =	vadd.f32 v36, v14;
	v3 =	vadd.f32 v37, v3;
	v36 =	vmul.f32 v1, v27;
	v27 =	vld [tilespmem:$0x1FF00]  }
0x291: {  	[tilespmem:s11+$0x20] =	vst v5;
	v5 =	vld [tilespmem:$0x1F9F0]  }
0x292: {  	v6 =	vsub.f32 $1.500000000e+00, v6;
	[tilespmem:s11+$0x10] =	vst v3;
	v3 =	vld [tilespmem:$0x1FEF0]  }
0x293: {  	v20 =	vmul.f32 v54, v20;
	v55 =	vld [tilespmem:$0x1FF20]  }
0x294: {  	v44 =	vmul.f32 v54, v16;
	v54 =	vld [tilespmem:$0x1FF10];
	v6 =	vmul.f32 v6, v21  }
0x295: {  	v20 =	vmul.f32 v20, v33;
	v18 =	vmul.f32 v18, v32;
	v21 =	vld [tilespmem:$0x1FEF0]  }
0x296: {  	v52 =	vmul.f32 v1, v19;
	v37 =	vmul.f32 v6, v25;
	v25 =	vld [tilespmem:$0x1FEC0];
	v5 =	vadd.f32 v5, v27  }
0x297: {  	v43 =	vmul.f32 v1, v7;
	v3 =	vadd.f32 v38, v3;
	v38 =	vmul.f32 v6, v26;
	v26 =	vld [tilespmem:$0x1FED0]  }
0x298: {  	v35 =	vmul.f32 v1, v8;
	v42 =	vmul.f32 v6, v62;
	[tilespmem:s11+$0x40] =	vst v5;
	v5 =	vld [tilespmem:$0x1FA00]  }
0x299: {  	s28 =	sadd.s32 $0x4, s28;
	v47 =	vmul.f32 v6, v48;
	v7 =	vmul.f32 v6, v56;
	[tilespmem:s11+$0x30] =	vst v3;
	v3 =	vadd.f32 v39, v54  }
0x29a: {  	p1 =	slt.u32 s28, $0x7C;
	v32 =	vmul.f32 v6, v57;
	v62 =	vld [tilespmem:$0x1FEE0];
	v48 =	vmul.f32 v0, v61;
	[tilespmem:s11+$0x0] =	vst v14;
	v14 =	vadd.f32 v40, v17  }
.Ltmp0:
0x29b: {  	v33 =	vadd.f32 v13, v21;
	[tilespmem:s11+$0x50] =	vst v3;
	v3 =	vmul.f32 v6, v15;
	v15 =	vadd.f32 v22, v25;
	(pc) =	sbr.rel @p1 .LBB2_3-.Ltmp0, $4  }
0x29c: {  	v4 =	vmul.f32 v1, v58;
	v1 =	vmul.f32 v1, v60;
	[tilespmem:s11+$0x70] =	vst v14;
	v16 =	vadd.f32 v18, v26  }
0x29d: {  	s19 =	smov.u32 s21;
	v19 =	vld [tilespmem:$0x1FEA0];
	v40 =	vmul.f32 v0, v28;
	v39 =	vmul.f32 v0, v63;
	[tilespmem:s21+$0x80] =	vst v15;
	v8 =	vadd.f32 v5, v55  }
0x29e: {  	v22 =	vmov v34;
	v18 =	vld [tilespmem:$0x1FE90];
	v5 =	vmul.f32 v6, v59;
	v6 =	vmul.f32 v0, v53;
	[tilespmem:s19+$0x90] =	vst v16  }
0x29f: {  	s21 =	sadd.s32 $0x200, s21;
	v53 =	vadd.f32 v20, v62;
	v20 =	vld [tilespmem:$0x1FEB0];
	[tilespmem:s11+$0x60] =	vst v8;
	v8 =	vmul.f32 v0, v2;
	v2 =	vmul.f32 v0, v23  }
0x2a0: {  	_ = 	snop  }
0x2a1: {  	v23 =	vld [tilespmem:$0x1FFC0];
	v13 =	vadd.f32 v30, v27;
	[tilespmem:s19+$0xA0] =	vst v53  }
0x2a2: {  	v59 =	vld [tilespmem:$0x1FE40];
	[tilespmem:s19+$0xB0] =	vst v33  }
0x2a3: {  	v28 =	vld [tilespmem:$0x1FE50];
	[tilespmem:s11+$0xC0] =	vst v13  }
0x2a4: {  	v29 =	vld [tilespmem:$0x1FE60];
	_ =	sdelay $0x2  }
0x2a5: {  	v15 =	vadd.f32 v31, v54;
	v14 =	vmul.f32 v49, v59  }
0x2a6: {  	v13 =	vadd.f32 v22, v55;
	v16 =	vmul.f32 v52, v28  }
0x2a7: {  	[tilespmem:s11+$0xD0] =	vst v15;
	v60 =	vmul.f32 v41, v29;
	v14 =	vadd.f32 v14, v25  }
0x2a8: {  	v15 =	vmul.f32 v43, v24;
	[tilespmem:s11+$0xE0] =	vst v13;
	v16 =	vadd.f32 v16, v26  }
0x2a9: {  	v13 =	vmul.f32 v35, v18;
	[tilespmem:s19+$0xFFFFFF00] =	vst v14;
	v14 =	vadd.f32 v60, v62  }
0x2aa: {  	v4 =	vmul.f32 v4, v20;
	v15 =	vadd.f32 v15, v21;
	[tilespmem:s19+$0xFFFFFF10] =	vst v16  }
0x2ab: {  	v7 =	vmul.f32 v7, v18;
	v13 =	vadd.f32 v13, v27;
	[tilespmem:s19+$0xFFFFFF20] =	vst v14  }
0x2ac: {  	v43 =	vmul.f32 v6, v24;
	v4 =	vadd.f32 v4, v55;
	v9 =	vld [tilespmem:$0x1FE70];
	[tilespmem:s19+$0xFFFFFF30] =	vst v15  }
0x2ad: {  	v35 =	vadd.f32 v7, v27;
	v49 =	vmul.f32 v8, v18;
	[tilespmem:s19+$0xFFFFFF40] =	vst v13  }
0x2ae: {  	v2 =	vmul.f32 v2, v19;
	v52 =	vadd.f32 v43, v21;
	[tilespmem:s19+$0xFFFFFF60] =	vst v4  }
0x2af: {  	v61 =	vmul.f32 v36, v19;
	v56 =	vadd.f32 v49, v27;
	[tilespmem:s19+$0xFFFFFFC0] =	vst v35  }
0x2b0: {  	v57 =	vmul.f32 v44, v18;
	v2 =	vadd.f32 v2, v54;
	[tilespmem:s19+$0x30] =	vst v52  }
0x2b1: {  	v41 =	vmul.f32 v39, v28;
	v14 =	vadd.f32 v61, v54;
	[tilespmem:s19+$0x40] =	vst v56  }
0x2b2: {  	v61 =	vadd.f32 v57, v27;
	v15 =	vmul.f32 v42, v59;
	[tilespmem:s19+$0x50] =	vst v2  }
0x2b3: {  	v13 =	vmul.f32 v47, v28;
	v47 =	vadd.f32 v41, v26;
	[tilespmem:s19+$0xFFFFFF50] =	vst v14  }
0x2b4: {  	v5 =	vmul.f32 v5, v20;
	[tilespmem:s19+$0xC0] =	vst v61;
	v63 =	vadd.f32 v15, v25  }
0x2b5: {  	v42 =	vmul.f32 v40, v29;
	v14 =	vmul.f32 v37, v29;
	v31 =	vadd.f32 v13, v26;
	[tilespmem:s19+$0x10] =	vst v47  }
0x2b6: {  	v37 =	vmul.f32 v48, v59;
	v15 =	vmul.f32 v38, v24;
	v38 =	vadd.f32 v5, v55;
	[tilespmem:s19+$0xFFFFFF80] =	vst v63  }
0x2b7: {  	v48 =	vmul.f32 v0, v50;
	v59 =	vmul.f32 v46, v19;
	v50 =	vadd.f32 v42, v62;
	[tilespmem:s19+$0xFFFFFF90] =	vst v31  }
0x2b8: {  	v33 =	vadd.f32 v14, v62;
	[tilespmem:s19+$0xFFFFFFE0] =	vst v38  }
0x2b9: {  	v13 =	vmul.f32 v32, v19;
	v62 =	vadd.f32 v59, v54;
	[tilespmem:s19+$0x20] =	vst v50  }
0x2ba: {  	v60 =	vmul.f32 v45, v20;
	v34 =	vadd.f32 v15, v21;
	[tilespmem:s19+$0xFFFFFFA0] =	vst v33  }
0x2bb: {  	v53 =	vmul.f32 v48, v20;
	v36 =	vadd.f32 v13, v54;
	[tilespmem:s19+$0xD0] =	vst v62  }
0x2bc: {  	v51 =	vmul.f32 v0, v51;
	v63 =	vadd.f32 v60, v55;
	v1 =	vmul.f32 v1, v9;
	[tilespmem:s19+$0xFFFFFFB0] =	vst v34  }
0x2bd: {  	v22 =	vmov v17;
	v3 =	vmul.f32 v3, v9;
	v58 =	vadd.f32 v53, v55;
	[tilespmem:s19+$0xFFFFFFD0] =	vst v36  }
0x2be: {  	v0 =	vmul.f32 v51, v9;
	[tilespmem:s19+$0xE0] =	vst v63;
	v1 =	vadd.f32 v1, v22  }
0x2bf: {  	v3 =	vadd.f32 v3, v22;
	[tilespmem:s19+$0x60] =	vst v58  }
.Ltmp1:
0x2c0: {  	s28 =	sshll.u32 s15, $0xF;
	v0 =	vadd.f32 v0, v22;
	[tilespmem:s19+$0xFFFFFF70] =	vst v1;
	(pc) =	sbr.rel @!p0 .LBB2_5-.Ltmp1, $4  }
0x2c1: {  	s11 =	sadd.s32 s13, s28;
	v1 =	vadd.f32 v37, v25;
	[tilespmem:s19+$0xFFFFFFF0] =	vst v3  }
0x2c2: {  	s11 =	sshrl.u32 s11, $0x3;
	[tilespmem:s19+$0x70] =	vst v0  }
0x2c3: {  	s11 =	sadd.s32 s6, s11;
	[tilespmem:s19+$0x0] =	vst v1  }
0x2c4: {  	[hbm4b:s11+s7] =	stream.linear.scatter [tilespmem:s26], [sflag:$0x9], $0x4000, $0x38;
	[tilespmem:$0x10300] =	vst v63  }
0x2c5: {  	_ =	swait.ge [sflag:s4], $0x4000  }
.Ltmp2:
0x2c6: {  	[sflag:s4] =	ssyncset.done $0x0;
	(pc) =	sbr.rel .LBB2_7-.Ltmp2, $4  }
0x2c7: {  	[sflag:s4] =	ssyncadd.s32 $0xFFFFC000  }
0x2c8: {  	_ =	swait.ge [sflag:s18], $0x4000  }
0x2c9: {  	[sflag:s18] =	ssyncset.done $0x0  }
0x2ca: {  	v9 =	vmov v23;
	[sflag:s18] =	ssyncadd.s32 $0xFFFFC000  }
.LBB2_5:
0x2cb: {  	_ =	swait.ge [sflag:s24], $0x80  }
0x2cc: {  	[sflag:s24] =	ssyncset.done $0x0  }
0x2cd: {  	s11 =	sshll.u32 s17, $0x7;
	[sflag:s24] =	ssyncadd.s32 $0xFFFFFF80  }
0x2ce: {  	v18 =	vlaneseq.u32;
	s11 =	sadd.s32 s1, s11;
	_ =	swait.ge [sflag:s25], $0x80  }
0x2cf: {  	v1 =	vor.u32 s11, v18;
	s12 =	sor.u32 $0x10, s11;
	[sflag:s25] =	ssyncset.done $0x0  }
0x2d0: {  	s28 =	sor.u32 $0x20, s11;
	v2 =	vmulhi.u32 $0x51EB851F, v1;
	v3 =	vor.u32 s12, v18;
	[sflag:s25] =	ssyncadd.s32 $0xFFFFFF80  }
0x2d1: {  	s17 =	sor.u32 $0x30, s11;
	s21 =	sor.u32 $0x50, s11;
	v7 =	vor.u32 s28, v18;
	v4 =	vmulhi.u32 $0x51EB851F, v3;
	v0 =	vld [tilespmem:$0x100]  }
0x2d2: {  	v14 =	vor.u32 s17, v18;
	v50 =	vor.u32 s21, v18;
	s28 =	sor.u32 $0x60, s11;
	v8 =	vmulhi.u32 $0x51EB851F, v7;
	v5 =	vld [tilespmem:$0x110]  }
0x2d3: {  	v41 =	vmulhi.u32 $0x51EB851F, v14;
	v15 =	vor.u32 s28, v18;
	v2 =	vshrl.u32 v2, $0x6;
	v13 =	vld [tilespmem:$0x130]  }
0x2d4: {  	s19 =	sor.u32 $0x40, s11;
	v16 =	vmulhi.u32 $0x51EB851F, v15;
	v2 =	vmul.u32 $0xC8, v2;
	v4 =	vshrl.u32 v4, $0x6;
	v6 =	vld [tilespmem:$0x120]  }
0x2d5: {  	s11 =	sor.u32 $0x70, s11;
	v43 =	vshrl.u32 v8, $0x6;
	v8 =	vor.u32 s19, v18;
	v4 =	vmul.u32 $0xC8, v4  }
0x2d6: {  	v46 =	vld [tilespmem:$0x140];
	v18 =	vor.u32 s11, v18;
	v54 =	vshrl.u32 v16, $0x6;
	v1 =	vsub.s32 v1, v2  }
0x2d7: {  	v49 =	vld [tilespmem:$0x150];
	v2 =	vshrl.u32 v41, $0x6;
	v42 =	vsub.s32 v3, v4;
	v3 =	vmul.u32 $0xC8, v43  }
0x2d8: {  	v2 =	vmul.u32 $0xC8, v2;
	v47 =	vmul.u32 $0xC8, v13;
	v13 =	vmulhi.u32 $0x51EB851F, v8  }
0x2d9: {  	v0 =	vmul.u32 $0xC8, v0;
	v44 =	vmul.u32 $0xC8, v5;
	v45 =	vmul.u32 $0xC8, v6  }
0x2da: {  	v3 =	vsub.s32 v7, v3;
	v2 =	vsub.s32 v14, v2;
	v14 =	vld [tilespmem:$0x160];
	v48 =	vshrl.u32 v13, $0x6  }
0x2db: {  	v6 =	vmul.u32 $0xC8, v46;
	v13 =	vmulhi.u32 $0x51EB851F, v50;
	v4 =	vmul.u32 $0xC8, v48  }
0x2dc: {  	v17 =	vld [tilespmem:$0x170];
	v55 =	vmul.u32 $0xC8, v49;
	v0 =	vadd.s32 v1, v0;
	v1 =	vadd.s32 v42, v44  }
0x2dd: {  	[tilespmem:$0x100] =	vst v0;
	v52 =	vshrl.u32 v13, $0x6;
	v51 =	vsub.s32 v8, v4;
	v8 =	vmulhi.u32 $0x51EB851F, v18  }
0x2de: {  	v3 =	vadd.s32 v3, v45;
	v2 =	vadd.s32 v2, v47;
	[tilespmem:$0x110] =	vst v1;
	v53 =	vmul.u32 $0xC8, v52  }
0x2df: {  	[tilespmem:$0x120] =	vst v3;
	v4 =	vmul.u32 $0xC8, v54;
	v57 =	vmul.u32 $0xC8, v14;
	v56 =	vshrl.u32 v8, $0x6  }
0x2e0: {  	[tilespmem:$0x130] =	vst v2;
	v0 =	vadd.s32 v51, v6;
	v1 =	vsub.s32 v50, v53;
	v5 =	vmul.u32 $0xC8, v56  }
0x2e1: {  	v60 =	vmul.u32 $0xC8, v17;
	[tilespmem:$0x140] =	vst v0;
	v59 =	vsub.s32 v15, v4;
	v58 =	vadd.s32 v1, v55  }
0x2e2: {  	v61 =	vadd.s32 v59, v57;
	[tilespmem:$0x150] =	vst v58;
	v62 =	vsub.s32 v18, v5  }
0x2e3: {  	[tilespmem:$0x160] =	vst v61;
	v63 =	vadd.s32 v62, v60  }
0x2e4: {  	[tilespmem:$0x170] =	vst v63  }
0x2e5: {  	_ =	swait.ge [sflag:s20], $0x4000  }
0x2e6: {  	[sflag:s20] =	ssyncset.done $0x0  }
0x2e7: {  	[sflag:s20] =	ssyncadd.s32 $0xFFFFC000  }
0x2e8: {  	[tilespmem:s26], [sflag:$0x5] =	stream.indirect.gather [hbm4b:s2+s22], $0x80, s7, s22, $0xb8;
	[tilespmem:$0x10300] =	vst v63  }
0x2e9: {  	s17 =	simm.s32 $0x100;
	s19 =	simm.s32 $0x8200  }
0x2ea: {  	[tilespmem:s19], [sflag:$0x7] =	stream.indirect.gather [hbm4b:s10+s22], $0x80, s17, s22, $0xb8;
	[tilespmem:$0x10300] =	vst v63  }
0x2eb: {  	_ =	swait.ge [sflag:s4], $0x4000  }
0x2ec: {  	[sflag:s4] =	ssyncset.done $0x0  }
0x2ed: {  	s21 =	sshll.u32 s15, $0x8;
	[sflag:s4] =	ssyncadd.s32 $0xFFFFC000  }
0x2ee: {  	s11 =	sadd.s32 s21, s14;
	_ =	swait.ge [sflag:s18], $0x4000  }
0x2ef: {  	s11 =	sshrl.u32 s11, $0x3;
	[sflag:s18] =	ssyncset.done $0x0  }
0x2f0: {  	s28 =	sadd.s32 s8, s11;
	[sflag:s18] =	ssyncadd.s32 $0xFFFFC000  }
0x2f1: {  	[tilespmem:s22], [sflag:$0x2] =	stream.linear.gather [hbm4b:s28+s7], $0x80, $0x38;
	[tilespmem:$0x10300] =	vst v63  }
0x2f2: {  	s11 =	sadd.s32 s9, s11  }
0x2f3: {  	v9 =	vmov v23;
	[tilespmem:s23], [sflag:$0x4] =	stream.linear.gather [hbm4b:s11+s7], $0x80, $0x38;
	[tilespmem:$0x10300] =	vst v63  }
.LBB2_7:
0x2f4: {  	s11 =	simm.s32 $0x4300  }
0x2f5: {  	v0 =	vld [tilespmem:s11+$0xA0]  }
0x2f6: {  	s12 =	simm.s32 $0xC300;
	v1 =	vld [tilespmem:s11+$0x80]  }
0x2f7: {  	v2 =	vld [tilespmem:s12+$0x80]  }
0x2f8: {  	v3 =	vld [tilespmem:s11+$0x90]  }
0x2f9: {  	v4 =	vld [tilespmem:s12+$0x90]  }
0x2fa: {  	v5 =	vld [tilespmem:s12+$0xA0]  }
0x2fb: {  	v6 =	vld [tilespmem:s11+$0xB0]  }
0x2fc: {  	v7 =	vld [tilespmem:s12+$0xB0]  }
0x2fd: {  	v13 =	vld [tilespmem:s11+$0xC0]  }
0x2fe: {  	v14 =	vld [tilespmem:s12+$0xC0]  }
0x2ff: {  	v15 =	vld [tilespmem:s11+$0xD0]  }
0x300: {  	v16 =	vld [tilespmem:s12+$0xD0]  }
0x301: {  	v17 =	vld [tilespmem:s12+$0xFFFFFF90]  }
0x302: {  	v18 =	vld [tilespmem:s11+$0x10]  }
0x303: {  	v19 =	vld [tilespmem:s12+$0x10]  }
0x304: {  	v20 =	vld [tilespmem:s11+$0xFFFFFF00];
	v49 =	vadd.f32 v2, v1;
	v48 =	vadd.f32 v4, v3  }
0x305: {  	v21 =	vld [tilespmem:s11+$0xFFFFFF20];
	v46 =	vadd.f32 v5, v0  }
0x306: {  	v27 =	vld [tilespmem:s11+$0x30];
	v2 =	vmul.f32 v49, v49;
	v3 =	vadd.f32 v48, v49;
	v4 =	vmul.f32 v48, v48  }
0x307: {  	v1 =	vld [tilespmem:s11+$0xE0];
	v8 =	vadd.f32 v7, v6  }
0x308: {  	v0 =	vld [tilespmem:s12+$0xE0];
	v2 =	vadd.f32 v4, v2;
	v3 =	vadd.f32 v46, v3;
	v4 =	vmul.f32 v46, v46  }
0x309: {  	v5 =	vld [tilespmem:s11+$0xF0];
	v50 =	vadd.f32 v14, v13  }
0x30a: {  	v6 =	vld [tilespmem:s12+$0xF0];
	v2 =	vadd.f32 v4, v2;
	v3 =	vadd.f32 v8, v3;
	v4 =	vmul.f32 v8, v8  }
0x30b: {  	v42 =	vld [tilespmem:s12+$0x30];
	v51 =	vadd.f32 v16, v15  }
0x30c: {  	v7 =	vld [tilespmem:s12+$0xFFFFFF00];
	v2 =	vadd.f32 v4, v2;
	v3 =	vadd.f32 v50, v3;
	v4 =	vmul.f32 v50, v50  }
0x30d: {  	v13 =	vld [tilespmem:s11+$0xFFFFFF10];
	v52 =	vadd.f32 v0, v1  }
0x30e: {  	v15 =	vld [tilespmem:s11+$0xFFFFFF80];
	v1 =	vadd.f32 v4, v2;
	v2 =	vadd.f32 v51, v3;
	v3 =	vmul.f32 v51, v51  }
0x30f: {  	v53 =	vadd.f32 v6, v5;
	v5 =	vld [tilespmem:s11+$0x0]  }
0x310: {  	v6 =	vld [tilespmem:s12+$0x0];
	v1 =	vadd.f32 v3, v1;
	v2 =	vadd.f32 v52, v2;
	v3 =	vmul.f32 v52, v52  }
0x311: {  	v0 =	vld [tilespmem:s11+$0xFFFFFF90]  }
0x312: {  	v16 =	vld [tilespmem:s12+$0xFFFFFF80];
	v1 =	vadd.f32 v3, v1;
	v2 =	vadd.f32 v53, v2;
	v3 =	vmul.f32 v53, v53  }
0x313: {  	v14 =	vld [tilespmem:s12+$0xFFFFFF10];
	v59 =	vadd.f32 v19, v18  }
0x314: {  	v18 =	vld [tilespmem:s12+$0xFFFFFF30];
	v3 =	vadd.f32 v3, v1;
	v1 =	vperm.xlane v2, v9  }
0x315: {  	v61 =	vadd.f32 v42, v27;
	v30 =	vmul.f32 v59, v59;
	v58 =	vadd.f32 v6, v5;
	v6 =	vld [tilespmem:s11+$0xFFFFFF30]  }
0x316: {  	v22 =	vld [tilespmem:s12+$0xFFFFFF20];
	v56 =	vadd.f32 v17, v0;
	v2 =	vadd.f32 v2, v1;
	v4 =	vperm.xlane v3, v9  }
0x317: {  	v24 =	vld [tilespmem:s11+$0x20];
	v0 =	vadd.f32 v7, v20;
	v28 =	vmul.f32 v58, v58;
	v1 =	vadd.f32 v16, v15  }
0x318: {  	v16 =	vperm.xlane v2, v10;
	v3 =	vadd.f32 v4, v3;
	v4 =	vadd.f32 v14, v13;
	v14 =	vld [tilespmem:s12+$0x20]  }
0x319: {  	v23 =	vld [tilespmem:s11+$0xFFFFFFA0];
	v17 =	vmul.f32 v56, v56;
	v28 =	vadd.f32 v30, v28;
	v13 =	vmul.f32 v1, v1  }
0x31a: {  	v30 =	vadd.f32 v18, v6;
	v15 =	vld [tilespmem:s12+$0xFFFFFFA0];
	v2 =	vadd.f32 v2, v16;
	v5 =	vperm.xlane v3, v10  }
0x31b: {  	v25 =	vmul.f32 v0, v0;
	v16 =	vadd.f32 v56, v1;
	v13 =	vadd.f32 v17, v13  }
0x31c: {  	v44 =	vld [tilespmem:s12+$0xFFFFFF40];
	v17 =	vadd.f32 v59, v58;
	v7 =	vperm.xlane v2, v11;
	v3 =	vadd.f32 v5, v3  }
0x31d: {  	v32 =	vld [tilespmem:s11+$0x50];
	v29 =	vadd.f32 v4, v0;
	v5 =	vmul.f32 v4, v4;
	v60 =	vadd.f32 v14, v24  }
0x31e: {  	v57 =	vld [tilespmem:s12+$0x50];
	v2 =	vadd.f32 v2, v7;
	v26 =	vperm.xlane v3, v11;
	v7 =	vadd.f32 v22, v21  }
0x31f: {  	v19 =	vld [tilespmem:s11+$0xFFFFFFB0];
	v43 =	vadd.f32 v5, v25;
	v5 =	vadd.f32 v15, v23  }
0x320: {  	v20 =	vld [tilespmem:s12+$0xFFFFFFB0];
	v17 =	vadd.f32 v60, v17;
	v25 =	vperm.xlane v2, v12;
	v3 =	vadd.f32 v26, v3  }
0x321: {  	v27 =	vld [tilespmem:s12+$0xFFFFFFD0];
	v45 =	vmul.f32 v60, v60;
	v15 =	vadd.f32 v7, v29;
	v16 =	vadd.f32 v5, v16  }
0x322: {  	v18 =	vld [tilespmem:s12+$0x40];
	v31 =	vmul.f32 v5, v5;
	v2 =	vadd.f32 v2, v25;
	v14 =	vperm.xlane v3, v12  }
0x323: {  	v26 =	vld [tilespmem:s11+$0xFFFFFF40];
	v22 =	vadd.f32 v45, v28;
	v17 =	vadd.f32 v61, v17;
	v25 =	vmul.f32 v7, v7  }
0x324: {  	v24 =	vld [tilespmem:s11+$0xFFFFFFC0];
	v15 =	vadd.f32 v30, v15;
	v54 =	vmul.f32 $7.812500000e-03, v2;
	v3 =	vadd.f32 v14, v3  }
0x325: {  	v33 =	vmul.f32 v61, v61;
	v13 =	vadd.f32 v31, v13;
	v2 =	vadd.f32 v20, v19;
	v20 =	vld [tilespmem:s11+$0xFFFFFF50]  }
0x326: {  	v6 =	vadd.f32 v25, v43;
	v25 =	vld [tilespmem:s12+$0xFFFFFF50];
	v3 =	vmul.f32 $7.812500000e-03, v3;
	v19 =	vmul.f32 v54, v54  }
0x327: {  	v36 =	vmovc v12;
	v47 =	vmul.f32 v30, v30;
	v29 =	vld [tilespmem:s12+$0xFFFFFFC0];
	v12 =	vadd.f32 v57, v32;
	v22 =	vadd.f32 v33, v22  }
0x328: {  	v14 =	vld [tilespmem:s11+$0x40];
	v34 =	vadd.f32 v44, v26;
	v3 =	vsub.f32 v3, v19  }
0x329: {  	v26 =	vld [tilespmem:s11+$0xFFFFFF60];
	v16 =	vadd.f32 v2, v16;
	v28 =	vmul.f32 v2, v2;
	v6 =	vadd.f32 v47, v6  }
0x32a: {  	v15 =	vadd.f32 v34, v15;
	v19 =	vld [tilespmem:s11+$0xFFFFFFD0];
	v55 =	vadd.f32 $9.999999960e-13, v3  }
0x32b: {  	v13 =	vadd.f32 v28, v13;
	v28 =	vld [tilespmem:s12+$0xFFFFFF60];
	v35 =	vadd.f32 v25, v20  }
0x32c: {  	v40 =	vld [tilespmem:s12+$0xFFFFFFE0];
	v3 =	vadd.f32 v29, v24;
	v62 =	vshrl.u32 v55, $0x1;
	v24 =	vmul.f32 $5.000000000e-01, v55  }
0x32d: {  	v37 =	vld [tilespmem:s11+$0xFFFFFF70];
	v29 =	vmul.f32 v34, v34;
	v15 =	vadd.f32 v35, v15;
	v23 =	vsub.s32 $0x5F3759DF, v62  }
0x32e: {  	v20 =	vld [tilespmem:s11+$0x60];
	v62 =	vadd.f32 v18, v14;
	v14 =	vadd.f32 v3, v16;
	v16 =	vmul.f32 v23, v24  }
0x32f: {  	v39 =	vmovc v11;
	v63 =	vmul.f32 v3, v3;
	v29 =	vadd.f32 v29, v6;
	v18 =	vld [tilespmem:s11+$0xFFFFFFE0];
	v6 =	vadd.f32 v27, v19  }
0x330: {  	v19 =	vld [tilespmem:s12+$0x60];
	v27 =	vmul.f32 v35, v35;
	[tilespmem:$0x1F790] =	vst v12;
	v11 =	vadd.f32 v28, v26;
	v16 =	vmul.f32 v23, v16  }
0x331: {  	v13 =	vadd.f32 v63, v13;
	v42 =	vld [tilespmem:s12+$0xFFFFFF70];
	v17 =	vadd.f32 v62, v17;
	v25 =	vmul.f32 v62, v62  }
0x332: {  	v43 =	vld [tilespmem:s11+$0xFFFFFFF0];
	v41 =	vmul.f32 v6, v6;
	v14 =	vadd.f32 v6, v14;
	v16 =	vsub.f32 $1.500000000e+00, v16  }
0x333: {  	v26 =	vld [tilespmem:s12+$0xFFFFFFF0];
	v27 =	vadd.f32 v27, v29;
	v15 =	vadd.f32 v11, v15;
	v44 =	vmul.f32 v11, v11  }
0x334: {  	v38 =	vld [tilespmem:s12+$0x70];
	v22 =	vadd.f32 v25, v22;
	v17 =	vadd.f32 v12, v17;
	v16 =	vmul.f32 v23, v16  }
0x335: {  	v25 =	vmul.f32 v12, v12;
	v13 =	vadd.f32 v41, v13;
	v29 =	vadd.f32 v40, v18;
	v18 =	vld [tilespmem:s11+$0x70]  }
0x336: {  	v57 =	vadd.f32 v19, v20;
	v19 =	vadd.f32 v44, v27;
	v28 =	vmul.f32 v16, v24  }
0x337: {  	v22 =	vadd.f32 v25, v22;
	v21 =	vadd.f32 v42, v37  }
0x338: {  	v33 =	vadd.f32 v26, v43;
	v14 =	vadd.f32 v29, v14;
	v25 =	vmul.f32 v28, v16  }
0x339: {  	v17 =	vadd.f32 v57, v17;
	v15 =	vadd.f32 v21, v15  }
0x33a: {  	v41 =	vadd.f32 v38, v18;
	v20 =	vsub.f32 $1.500000000e+00, v25  }
0x33b: {  	v14 =	vadd.f32 v33, v14;
	v28 =	vmul.f32 v29, v29;
	v25 =	vmul.f32 v57, v57  }
0x33c: {  	v17 =	vadd.f32 v41, v17;
	v32 =	vmul.f32 v20, v16;
	v16 =	vmul.f32 v21, v21  }
0x33d: {  	v45 =	vmul.f32 v41, v41;
	v13 =	vadd.f32 v28, v13;
	v20 =	vmul.f32 v33, v33  }
0x33e: {  	v18 =	vadd.f32 v25, v22;
	v16 =	vadd.f32 v16, v19;
	v19 =	vperm.xlane v15, v9  }
0x33f: {  	v47 =	vperm.xlane v17, v9;
	v13 =	vadd.f32 v20, v13;
	v20 =	vperm.xlane v14, v9  }
0x340: {  	v18 =	vadd.f32 v45, v18;
	v15 =	vadd.f32 v15, v19;
	v19 =	vperm.xlane v16, v9  }
0x341: {  	v17 =	vadd.f32 v17, v47;
	v14 =	vadd.f32 v14, v20;
	v20 =	vperm.xlane v13, v9  }
0x342: {  	v22 =	vperm.xlane v18, v9;
	v55 =	vperm.xlane v15, v10;
	v16 =	vadd.f32 v19, v16  }
0x343: {  	v19 =	vperm.xlane v14, v10;
	v13 =	vadd.f32 v20, v13;
	v20 =	vperm.xlane v17, v10  }
0x344: {  	v18 =	vadd.f32 v22, v18;
	v15 =	vadd.f32 v15, v55;
	v63 =	vperm.xlane v16, v10  }
0x345: {  	v14 =	vadd.f32 v14, v19;
	v19 =	vperm.xlane v13, v10;
	v17 =	vadd.f32 v17, v20  }
0x346: {  	v20 =	vperm.xlane v18, v10;
	v23 =	vperm.xlane v15, v39;
	v16 =	vadd.f32 v63, v16  }
0x347: {  	v31 =	vperm.xlane v14, v39;
	v13 =	vadd.f32 v19, v13;
	v19 =	vperm.xlane v17, v39  }
0x348: {  	v18 =	vadd.f32 v20, v18;
	v15 =	vadd.f32 v15, v23;
	v20 =	vperm.xlane v16, v39  }
0x349: {  	v14 =	vadd.f32 v14, v31;
	v37 =	vperm.xlane v13, v39;
	v17 =	vadd.f32 v17, v19  }
0x34a: {  	v19 =	vperm.xlane v18, v39;
	v23 =	vperm.xlane v15, v36;
	v16 =	vadd.f32 v20, v16  }
0x34b: {  	v20 =	vperm.xlane v14, v36;
	v13 =	vadd.f32 v37, v13;
	v38 =	vperm.xlane v17, v36  }
0x34c: {  	v18 =	vadd.f32 v19, v18;
	v15 =	vadd.f32 v15, v23;
	v19 =	vperm.xlane v16, v36  }
0x34d: {  	v14 =	vadd.f32 v14, v20;
	v20 =	vperm.xlane v13, v36;
	v17 =	vadd.f32 v17, v38  }
0x34e: {  	v40 =	vperm.xlane v18, v36;
	v15 =	vmul.f32 $7.812500000e-03, v15;
	v16 =	vadd.f32 v19, v16  }
0x34f: {  	v14 =	vmul.f32 $7.812500000e-03, v14;
	v13 =	vadd.f32 v20, v13;
	v44 =	vmul.f32 $7.812500000e-03, v17  }
0x350: {  	s17 =	simm.s32 $0x4500;
	v18 =	vadd.f32 v40, v18;
	v16 =	vmul.f32 $7.812500000e-03, v16;
	v17 =	vmul.f32 v15, v15  }
0x351: {  	s12 =	simm.s32 $0xC500;
	v20 =	vld [tilespmem:s17+$0x80];
	v13 =	vmul.f32 $7.812500000e-03, v13;
	v19 =	vmul.f32 v14, v14;
	v4 =	vsub.f32 v4, v15  }
0x352: {  	v42 =	vsub.f32 v0, v15;
	v0 =	vsub.f32 v16, v17;
	v16 =	vld [tilespmem:s12+$0x80]  }
0x353: {  	v40 =	vsub.f32 v7, v15;
	v13 =	vsub.f32 v13, v19;
	v19 =	vld [tilespmem:s17+$0x90];
	[tilespmem:$0x1F6C0] =	vst v4  }
0x354: {  	v7 =	vsub.f32 v30, v15;
	v17 =	vmul.f32 $7.812500000e-03, v18;
	v18 =	vmul.f32 v44, v44;
	v4 =	vld [tilespmem:s12+$0x90]  }
0x355: {  	v47 =	vmul.f32 v32, v24;
	v0 =	vadd.f32 $9.999999960e-13, v0  }
0x356: {  	v17 =	vsub.f32 v17, v18;
	v13 =	vadd.f32 $9.999999960e-13, v13;
	v18 =	vld [tilespmem:s17+$0xA0];
	[tilespmem:$0x1F6D0] =	vst v7  }
0x357: {  	v22 =	vmul.f32 v47, v32;
	v55 =	vld [tilespmem:s12+$0xA0];
	v7 =	vshrl.u32 v0, $0x1;
	v47 =	vmul.f32 $5.000000000e-01, v0  }
0x358: {  	v24 =	vld [tilespmem:s17+$0xB0];
	v0 =	vadd.f32 $9.999999960e-13, v17;
	v17 =	vshrl.u32 v13, $0x1;
	v27 =	vadd.f32 v16, v20  }
0x359: {  	v26 =	vld [tilespmem:s17+$0xC0];
	v31 =	vmul.f32 $5.000000000e-01, v13;
	v13 =	vsub.s32 $0x5F3759DF, v17;
	v12 =	vadd.f32 v4, v19  }
0x35a: {  	v17 =	vld [tilespmem:s12+$0xB0];
	v25 =	vshrl.u32 v0, $0x1;
	v30 =	vmul.f32 $5.000000000e-01, v0;
	v0 =	vsub.f32 v35, v15;
	[tilespmem:$0x1F7C0] =	vst v27  }
0x35b: {  	[tilespmem:$0x1F7E0] =	vst v12  }
0x35c: {  	v11 =	vsub.f32 v11, v15;
	[tilespmem:$0x1F6E0] =	vst v0  }
0x35d: {  	v0 =	vld [tilespmem:s12+$0xC0]  }
0x35e: {  	v28 =	vadd.f32 v55, v18;
	v4 =	vld [tilespmem:s17+$0xD0];
	[tilespmem:$0x1F6F0] =	vst v11  }
0x35f: {  	v16 =	vmul.f32 v27, v27;
	v11 =	vsub.f32 v21, v15;
	v20 =	vld [tilespmem:s12+$0xD0]  }
0x360: {  	v18 =	vmul.f32 v12, v12;
	v63 =	vadd.f32 v12, v27;
	v12 =	vadd.f32 v17, v24;
	v17 =	vld [tilespmem:s17+$0xE0];
	[tilespmem:$0x1F7F0] =	vst v28  }
0x361: {  	v43 =	vsub.f32 v34, v15;
	[tilespmem:$0x1F700] =	vst v11  }
0x362: {  	v1 =	vsub.f32 v1, v14;
	v16 =	vadd.f32 v18, v16;
	v18 =	vmul.f32 v28, v28;
	v15 =	vld [tilespmem:s12+$0xE0]  }
0x363: {  	v34 =	vadd.f32 v28, v63;
	v35 =	vadd.f32 v0, v26;
	v0 =	vld [tilespmem:s17+$0xF0];
	[tilespmem:$0x1F800] =	vst v12  }
0x364: {  	v16 =	vadd.f32 v18, v16;
	v18 =	vmul.f32 v12, v12;
	[tilespmem:$0x1F710] =	vst v1  }
0x365: {  	v24 =	vmul.f32 v13, v31;
	v21 =	vadd.f32 v12, v34;
	v1 =	vld [tilespmem:s12+$0xF0]  }
0x366: {  	v12 =	vadd.f32 v20, v4;
	v4 =	vadd.f32 v18, v16;
	v16 =	vmul.f32 v35, v35  }
0x367: {  	v18 =	vmul.f32 v13, v24;
	[tilespmem:$0x1F810] =	vst v35  }
0x368: {  	v20 =	vld [tilespmem:s12+$0xFFFFFF00];
	v26 =	vadd.f32 v15, v17;
	v15 =	vmul.f32 v12, v12;
	v4 =	vadd.f32 v16, v4  }
0x369: {  	v11 =	vsub.f32 v56, v14;
	v23 =	vld [tilespmem:s17+$0xFFFFFF10];
	[tilespmem:$0x1F820] =	vst v12;
	v17 =	vsub.f32 $1.500000000e+00, v18  }
0x36a: {  	v18 =	vld [tilespmem:s12+$0xFFFFFF10];
	v45 =	vadd.f32 v1, v0;
	v0 =	vadd.f32 v15, v4;
	v1 =	vmul.f32 v26, v26  }
0x36b: {  	v5 =	vsub.f32 v5, v14;
	v2 =	vsub.f32 v2, v14;
	v7 =	vsub.s32 $0x5F3759DF, v7;
	v24 =	vld [tilespmem:s17+$0xFFFFFF80];
	[tilespmem:$0x1F720] =	vst v11  }
0x36c: {  	v19 =	vmul.f32 v7, v47;
	[tilespmem:$0x1F830] =	vst v26;
	v0 =	vadd.f32 v1, v0;
	v1 =	vmul.f32 v45, v45  }
0x36d: {  	v3 =	vsub.f32 v3, v14;
	v21 =	vadd.f32 v35, v21;
	v15 =	vld [tilespmem:s12+$0xFFFFFF80];
	[tilespmem:$0x1F730] =	vst v5  }
0x36e: {  	v19 =	vmul.f32 v7, v19;
	v5 =	vld [tilespmem:s17+$0xFFFFFF90];
	[tilespmem:$0x1F740] =	vst v2;
	v0 =	vadd.f32 v1, v0;
	v1 =	vsub.f32 v6, v14  }
0x36f: {  	v55 =	vsub.f32 v52, v54;
	v21 =	vadd.f32 v12, v21;
	v2 =	vld [tilespmem:s12+$0xFFFFFF90];
	[tilespmem:$0x1F750] =	vst v3  }
0x370: {  	v19 =	vsub.f32 $1.500000000e+00, v19;
	v3 =	vld [tilespmem:s17+$0x0];
	[tilespmem:$0x1F760] =	vst v1;
	v1 =	vsub.f32 v29, v14  }
0x371: {  	v16 =	vsub.s32 $0x5F3759DF, v25;
	v11 =	vsub.f32 v33, v14;
	v21 =	vadd.f32 v26, v21  }
0x372: {  	v28 =	vsub.f32 v48, v54;
	v48 =	vsub.f32 v50, v54;
	v4 =	vmul.f32 v16, v30;
	[tilespmem:$0x1F770] =	vst v1  }
0x373: {  	v7 =	vmul.f32 v7, v19;
	v33 =	vsub.f32 v53, v54;
	v19 =	vadd.f32 v45, v21;
	v1 =	vld [tilespmem:s12+$0x0];
	[tilespmem:$0x1F780] =	vst v11  }
0x374: {  	v13 =	vmul.f32 v13, v17;
	v26 =	vsub.f32 v49, v54;
	v4 =	vmul.f32 v16, v4;
	v17 =	vld [tilespmem:s17+$0x10]  }
0x375: {  	v49 =	vsub.f32 v51, v54;
	v56 =	vadd.f32 v18, v23;
	v6 =	vperm.xlane v19, v9;
	v38 =	vld [tilespmem:s12+$0x10]  }
0x376: {  	v4 =	vsub.f32 $1.500000000e+00, v4;
	v14 =	vmul.f32 v7, v47;
	v37 =	vperm.xlane v0, v9;
	v25 =	vld [tilespmem:s17+$0xFFFFFF00]  }
0x377: {  	v51 =	vadd.f32 v15, v24;
	v6 =	vadd.f32 v19, v6;
	v27 =	vld [tilespmem:s17+$0xFFFFFF20]  }
0x378: {  	v21 =	vadd.f32 v37, v0;
	v0 =	vmul.f32 v14, v7;
	v14 =	vmul.f32 v13, v31;
	v29 =	vld [tilespmem:s12+$0xFFFFFF20]  }
0x379: {  	v19 =	vsub.f32 $1.500000000e+00, v22;
	v4 =	vmul.f32 v16, v4;
	v37 =	vperm.xlane v6, v10;
	v63 =	vld [tilespmem:s17+$0xFFFFFFA0]  }
0x37a: {  	v16 =	vsub.f32 v46, v54;
	v14 =	vmul.f32 v14, v13;
	v0 =	vsub.f32 $1.500000000e+00, v0;
	v35 =	vld [tilespmem:s17+$0x20]  }
0x37b: {  	v53 =	vadd.f32 v2, v5;
	v6 =	vadd.f32 v6, v37;
	v18 =	vld [tilespmem:s17+$0xFFFFFF30]  }
0x37c: {  	v19 =	vmul.f32 v19, v32;
	v2 =	vld [tilespmem:s12+$0xFFFFFF30];
	v0 =	vmul.f32 v0, v7;
	v7 =	vsub.f32 $1.500000000e+00, v14  }
0x37d: {  	v15 =	vperm.xlane v21, v10;
	v22 =	vld [tilespmem:s17+$0x30];
	v14 =	vsub.f32 v8, v54;
	v5 =	vperm.xlane v6, v39  }
0x37e: {  	v8 =	vld [tilespmem:s12+$0xFFFFFFA0];
	v13 =	vmul.f32 v7, v13;
	v46 =	vadd.f32 v1, v3;
	v1 =	vmul.f32 v4, v30  }
0x37f: {  	v7 =	vld [tilespmem:s12+$0x20];
	v3 =	vadd.f32 v15, v21;
	v5 =	vadd.f32 v6, v5;
	v6 =	vmul.f32 v53, v53  }
0x380: {  	v15 =	vld [tilespmem:s17+$0xFFFFFFB0];
	v50 =	vadd.f32 v38, v17;
	v37 =	vadd.f32 v20, v25;
	v17 =	vmul.f32 v51, v51  }
0x381: {  	v20 =	vld [tilespmem:s12+$0xFFFFFFB0];
	v12 =	vadd.f32 v29, v27;
	v32 =	vadd.f32 v2, v18;
	v21 =	vperm.xlane v3, v39  }
0x382: {  	v25 =	vld [tilespmem:s12+$0x30];
	v1 =	vmul.f32 v1, v4;
	v6 =	vadd.f32 v6, v17;
	v17 =	vperm.xlane v5, v36  }
0x383: {  	v23 =	vmul.f32 v56, v56;
	v38 =	vld [tilespmem:s12+$0xFFFFFF40];
	v63 =	vadd.f32 v8, v63;
	v3 =	vadd.f32 v21, v3  }
0x384: {  	v27 =	vld [tilespmem:s12+$0xFFFFFFC0];
	v24 =	vmul.f32 v37, v37;
	v1 =	vsub.f32 $1.500000000e+00, v1;
	v5 =	vadd.f32 v5, v17  }
0x385: {  	v29 =	vld [tilespmem:s17+$0x40];
	v54 =	vadd.f32 v7, v35;
	v7 =	vmul.f32 v46, v46;
	v8 =	vperm.xlane v3, v36  }
0x386: {  	v21 =	vld [tilespmem:s17+$0xFFFFFF40];
	v2 =	vmul.f32 v63, v63;
	v1 =	vmul.f32 v1, v4;
	v4 =	vadd.f32 v23, v24  }
0x387: {  	v18 =	vld [tilespmem:s12+$0x40];
	v52 =	vmul.f32 $7.812500000e-03, v5;
	v5 =	vmul.f32 v12, v12;
	v3 =	vadd.f32 v8, v3  }
0x388: {  	v17 =	vld [tilespmem:s17+$0xFFFFFFC0];
	v24 =	vmul.f32 v50, v50;
	v35 =	vadd.f32 v20, v15;
	v11 =	vadd.f32 v25, v22  }
0x389: {  	v15 =	vld [tilespmem:s12+$0xFFFFFF50];
	v4 =	vadd.f32 v5, v4;
	v5 =	vmul.f32 v52, v52;
	v3 =	vmul.f32 $7.812500000e-03, v3  }
0x38a: {  	v2 =	vadd.f32 v2, v6;
	v6 =	vmul.f32 v54, v54;
	v7 =	vadd.f32 v24, v7;
	v24 =	vld [tilespmem:s17+$0xFFFFFF50]  }
0x38b: {  	v8 =	vadd.f32 v38, v21;
	v21 =	vld [tilespmem:s12+$0xFFFFFFD0];
	v20 =	vsub.f32 v3, v5;
	v3 =	vmul.f32 v32, v32  }
0x38c: {  	v5 =	vld [tilespmem:s17+$0xFFFFFFD0]  }
0x38d: {  	v6 =	vadd.f32 v6, v7;
	v3 =	vadd.f32 v3, v4;
	v4 =	vmul.f32 v11, v11  }
0x38e: {  	v38 =	vadd.f32 v18, v29;
	v7 =	vmul.f32 v35, v35  }
0x38f: {  	v34 =	vadd.f32 v27, v17;
	v4 =	vadd.f32 v4, v6;
	v6 =	vmul.f32 v19, v33  }
0x390: {  	v18 =	vld [tilespmem:s12+$0x50];
	v2 =	vadd.f32 v7, v2;
	v7 =	vadd.f32 v15, v24;
	v15 =	vmul.f32 v19, v26  }
0x391: {  	v17 =	vld [tilespmem:s17+$0x50];
	v22 =	vmul.f32 v8, v8;
	v29 =	vadd.f32 v21, v5;
	v5 =	vmul.f32 v19, v28;
	[tilespmem:$0x1F7A0] =	vst v6  }
0x392: {  	v6 =	vld [tilespmem:s17+$0xFFFFFF60];
	[tilespmem:$0x1F7B0] =	vst v15  }
0x393: {  	v3 =	vadd.f32 v22, v3;
	v22 =	vld [tilespmem:s12+$0xFFFFFF60];
	[tilespmem:$0x1F7D0] =	vst v5;
	v5 =	vmul.f32 v19, v16  }
0x394: {  	v14 =	vmul.f32 v19, v14  }
0x395: {  	[tilespmem:$0x1F840] =	vst v5  }
0x396: {  	v5 =	vld [tilespmem:s17+$0xFFFFFFE0];
	[tilespmem:$0x1F850] =	vst v14;
	v14 =	vmul.f32 v38, v38  }
0x397: {  	v15 =	vmul.f32 v34, v34;
	v16 =	vmul.f32 v19, v48  }
0x398: {  	v14 =	vadd.f32 v14, v4;
	v4 =	vmul.f32 v19, v49  }
0x399: {  	v2 =	vadd.f32 v15, v2;
	v15 =	vld [tilespmem:s12+$0xFFFFFFE0];
	[tilespmem:$0x1F9B0] =	vst v16  }
0x39a: {  	v33 =	vadd.f32 v18, v17;
	v17 =	vld [tilespmem:s17+$0x60];
	[tilespmem:$0x1F9C0] =	vst v4;
	v4 =	vmul.f32 v19, v55  }
0x39b: {  	v16 =	vmul.f32 v7, v7  }
0x39c: {  	v18 =	vmul.f32 v29, v29;
	v49 =	vld [tilespmem:s12+$0x60];
	[tilespmem:$0x1F9D0] =	vst v4  }
0x39d: {  	v3 =	vadd.f32 v16, v3;
	v4 =	vadd.f32 v22, v6;
	v16 =	vld [tilespmem:s17+$0xFFFFFF70]  }
0x39e: {  	v18 =	vadd.f32 v18, v2;
	v2 =	vmul.f32 v0, v47;
	v6 =	vmul.f32 v33, v33;
	v19 =	vld [tilespmem:s12+$0xFFFFFF70]  }
0x39f: {  	v5 =	vadd.f32 v15, v5;
	v15 =	vmul.f32 v13, v31;
	v48 =	vld [tilespmem:s17+$0xFFFFFFF0];
	v22 =	vmul.f32 v4, v4  }
0x3a0: {  	v2 =	vmul.f32 v2, v0;
	v25 =	vld [tilespmem:s12+$0xFFFFFFF0];
	v14 =	vadd.f32 v6, v14  }
0x3a1: {  	v6 =	vadd.f32 v49, v17;
	v17 =	vadd.f32 v22, v3;
	v3 =	vmul.f32 v15, v13;
	_ =	sdelay $0x1  }
0x3a2: {  	v31 =	vld [tilespmem:$0x1F6C0];
	v49 =	vsub.f32 $1.500000000e+00, v2;
	v3 =	vsub.f32 $1.500000000e+00, v3  }
0x3a3: {  	v2 =	vadd.f32 v19, v16;
	v16 =	vmul.f32 v6, v6  }
0x3a4: {  	v19 =	vmul.f32 v49, v0;
	v13 =	vmul.f32 v3, v13;
	v3 =	vadd.f32 v25, v48;
	v25 =	vld [tilespmem:$0x1F6D0];
	_ =	sdelay $0x1  }
0x3a5: {  	v24 =	vmul.f32 v1, v30;
	v14 =	vadd.f32 v16, v14;
	v16 =	vmul.f32 v19, v42  }
0x3a6: {  	v21 =	vmul.f32 v19, v31  }
0x3a7: {  	v15 =	vmul.f32 v24, v1;
	v24 =	vmul.f32 v19, v40;
	[tilespmem:$0x1F860] =	vst v16  }
0x3a8: {  	[tilespmem:$0x1F870] =	vst v21;
	v25 =	vmul.f32 v19, v25  }
0x3a9: {  	v47 =	vld [tilespmem:s17+$0x70];
	[tilespmem:$0x1F880] =	vst v24  }
0x3aa: {  	v24 =	vld [tilespmem:s12+$0x70];
	[tilespmem:$0x1F890] =	vst v25;
	v25 =	vmul.f32 v19, v43;
	_ =	sdelay $0x1  }
0x3ab: {  	[tilespmem:$0x1F8A0] =	vst v25;
	v25 =	vld [tilespmem:$0x1F6E0];
	_ =	sdelay $0x3  }
0x3ac: {  	v0 =	vsub.f32 $1.500000000e+00, v15  }
0x3ad: {  	v25 =	vmul.f32 v19, v25  }
0x3ae: {  	v0 =	vmul.f32 v0, v1;
	v1 =	vadd.f32 $9.999999960e-13, v20;
	v16 =	vadd.f32 v53, v51  }
0x3af: {  	[tilespmem:$0x1F8B0] =	vst v25;
	v25 =	vld [tilespmem:$0x1F6F0]  }
0x3b0: {  	v30 =	vshrl.u32 v1, $0x1;
	v22 =	vmul.f32 $5.000000000e-01, v1;
	v1 =	vadd.f32 v63, v16;
	_ =	sdelay $0x1  }
0x3b1: {  	v15 =	vadd.f32 v56, v37;
	v1 =	vadd.f32 v35, v1;
	_ =	sdelay $0x1  }
0x3b2: {  	v15 =	vadd.f32 v12, v15;
	v1 =	vadd.f32 v34, v1;
	v25 =	vmul.f32 v19, v25  }
0x3b3: {  	v20 =	vadd.f32 v50, v46  }
0x3b4: {  	v15 =	vadd.f32 v32, v15;
	[tilespmem:$0x1F8C0] =	vst v25;
	v25 =	vadd.f32 v29, v1;
	v1 =	vld [tilespmem:$0x1F700]  }
0x3b5: {  	v16 =	vadd.f32 v54, v20;
	v20 =	vsub.s32 $0x5F3759DF, v30  }
0x3b6: {  	v15 =	vadd.f32 v8, v15;
	v42 =	vmul.f32 v20, v22  }
0x3b7: {  	v55 =	vmul.f32 v5, v5;
	v16 =	vadd.f32 v11, v16  }
0x3b8: {  	v15 =	vadd.f32 v7, v15;
	v21 =	vmul.f32 v20, v42  }
0x3b9: {  	v18 =	vadd.f32 v55, v18;
	v16 =	vadd.f32 v38, v16;
	v1 =	vmul.f32 v19, v1  }
0x3ba: {  	v48 =	vmul.f32 v2, v2;
	v15 =	vadd.f32 v4, v15;
	v21 =	vsub.f32 $1.500000000e+00, v21  }
0x3bb: {  	v49 =	vmul.f32 v3, v3;
	v16 =	vadd.f32 v33, v16;
	[tilespmem:$0x1F8D0] =	vst v1;
	v1 =	vadd.f32 v24, v47  }
0x3bc: {  	v15 =	vadd.f32 v2, v15;
	v19 =	vmul.f32 v20, v21;
	v20 =	vadd.f32 v5, v25  }
0x3bd: {  	v17 =	vadd.f32 v48, v17;
	v16 =	vadd.f32 v6, v16;
	v24 =	vmul.f32 v1, v1  }
0x3be: {  	v18 =	vadd.f32 v49, v18;
	v55 =	vperm.xlane v15, v9;
	v20 =	vadd.f32 v3, v20  }
0x3bf: {  	v31 =	vperm.xlane v17, v9;
	v16 =	vadd.f32 v1, v16;
	v14 =	vadd.f32 v24, v14  }
0x3c0: {  	v15 =	vadd.f32 v15, v55;
	v25 =	vperm.xlane v18, v9;
	v30 =	vperm.xlane v20, v9  }
0x3c1: {  	v17 =	vadd.f32 v31, v17;
	v24 =	vperm.xlane v16, v9;
	v40 =	vperm.xlane v14, v9  }
0x3c2: {  	v42 =	vperm.xlane v15, v10;
	v18 =	vadd.f32 v25, v18;
	v20 =	vadd.f32 v20, v30  }
0x3c3: {  	v47 =	vperm.xlane v17, v10;
	v16 =	vadd.f32 v16, v24;
	v14 =	vadd.f32 v40, v14  }
0x3c4: {  	v25 =	vperm.xlane v18, v10;
	v43 =	vperm.xlane v20, v10  }
0x3c5: {  	v24 =	vperm.xlane v16, v10;
	v48 =	vperm.xlane v14, v10;
	v10 =	vld [tilespmem:$0x1F710];
	_ =	sdelay $0x4  }
0x3c6: {  	v10 =	vmul.f32 v13, v10;
	_ =	sdelay $0x1  }
0x3c7: {  	[tilespmem:$0x1F8E0] =	vst v10;
	v10 =	vld [tilespmem:$0x1F720];
	_ =	sdelay $0x4  }
0x3c8: {  	v10 =	vmul.f32 v13, v10;
	_ =	sdelay $0x1  }
0x3c9: {  	[tilespmem:$0x1F8F0] =	vst v10;
	v10 =	vld [tilespmem:$0x1F730];
	_ =	sdelay $0x4  }
0x3ca: {  	v10 =	vmul.f32 v13, v10;
	_ =	sdelay $0x1  }
0x3cb: {  	[tilespmem:$0x1F900] =	vst v10;
	v10 =	vld [tilespmem:$0x1F740]  }
0x3cc: {  	v20 =	vadd.f32 v20, v43;
	_ =	sdelay $0x1  }
0x3cd: {  	v55 =	vperm.xlane v20, v39;
	_ =	sdelay $0x1  }
0x3ce: {  	v20 =	vadd.f32 v20, v55;
	v55 =	vmul.f32 v13, v10;
	v10 =	vld [tilespmem:$0x1F750];
	_ =	sdelay $0x1  }
0x3cf: {  	v16 =	vadd.f32 v16, v24  }
0x3d0: {  	v43 =	vmul.f32 v19, v22  }
0x3d1: {  	v24 =	vperm.xlane v16, v39  }
0x3d2: {  	v23 =	vmul.f32 v43, v19;
	v43 =	vmul.f32 v13, v10;
	v10 =	vld [tilespmem:$0x1F760]  }
0x3d3: {  	v16 =	vadd.f32 v16, v24;
	_ =	sdelay $0x1  }
0x3d4: {  	v15 =	vadd.f32 v15, v42;
	v42 =	vperm.xlane v16, v36;
	_ =	sdelay $0x1  }
0x3d5: {  	v16 =	vadd.f32 v16, v42;
	v42 =	vmul.f32 v13, v10;
	v10 =	vld [tilespmem:$0x1F770];
	_ =	sdelay $0x3  }
0x3d6: {  	v18 =	vadd.f32 v25, v18  }
0x3d7: {  	v10 =	vmul.f32 v13, v10  }
0x3d8: {  	v17 =	vadd.f32 v47, v17;
	v25 =	vperm.xlane v18, v39  }
0x3d9: {  	v49 =	vperm.xlane v15, v39;
	[tilespmem:$0x1F910] =	vst v10;
	v10 =	vld [tilespmem:$0x1F780]  }
0x3da: {  	v30 =	vperm.xlane v17, v39;
	v18 =	vadd.f32 v25, v18;
	v14 =	vadd.f32 v48, v14  }
0x3db: {  	v15 =	vadd.f32 v15, v49  }
0x3dc: {  	v17 =	vadd.f32 v30, v17;
	v47 =	vperm.xlane v18, v36;
	v31 =	vperm.xlane v14, v39  }
0x3dd: {  	v39 =	vperm.xlane v15, v36;
	v40 =	vperm.xlane v20, v36  }
0x3de: {  	v18 =	vadd.f32 v47, v18;
	v24 =	vperm.xlane v17, v36;
	v10 =	vmul.f32 v13, v10  }
0x3df: {  	v14 =	vadd.f32 v31, v14;
	v15 =	vadd.f32 v15, v39  }
0x3e0: {  	v18 =	vmul.f32 $7.812500000e-03, v18;
	v20 =	vadd.f32 v20, v40;
	v17 =	vadd.f32 v24, v17;
	[tilespmem:$0x1F920] =	vst v10;
	v10 =	vld [tilespmem:$0x1F790]  }
0x3e1: {  	v48 =	vperm.xlane v14, v36;
	v15 =	vmul.f32 $7.812500000e-03, v15  }
0x3e2: {  	v49 =	vsub.f32 v59, v44;
	v20 =	vmul.f32 $7.812500000e-03, v20;
	v17 =	vmul.f32 $7.812500000e-03, v17  }
0x3e3: {  	v16 =	vmul.f32 $7.812500000e-03, v16;
	v13 =	vadd.f32 v48, v14;
	v14 =	vsub.f32 v58, v44  }
0x3e4: {  	v25 =	vsub.f32 v62, v44;
	v28 =	vmul.f32 v15, v15;
	v62 =	vmul.f32 v20, v20  }
0x3e5: {  	v59 =	vsub.f32 v41, v44;
	v26 =	vsub.f32 v10, v44;
	v10 =	vmul.f32 v0, v14  }
0x3e6: {  	v17 =	vsub.f32 v17, v28;
	v28 =	vmul.f32 v16, v16;
	v18 =	vsub.f32 v18, v62  }
0x3e7: {  	v58 =	vsub.f32 v60, v44;
	v13 =	vmul.f32 $7.812500000e-03, v13;
	[tilespmem:$0x1F930] =	vst v10;
	v10 =	vmul.f32 v0, v49  }
0x3e8: {  	v23 =	vsub.f32 $1.500000000e+00, v23;
	v18 =	vadd.f32 $9.999999960e-13, v18  }
0x3e9: {  	v24 =	vsub.f32 v61, v44;
	v13 =	vsub.f32 v13, v28;
	[tilespmem:$0x1F940] =	vst v10;
	v10 =	vmul.f32 v0, v58  }
0x3ea: {  	v19 =	vmul.f32 v23, v19;
	v41 =	vsub.f32 v37, v15;
	v37 =	vshrl.u32 v18, $0x1  }
0x3eb: {  	v18 =	vmul.f32 $5.000000000e-01, v18;
	v13 =	vadd.f32 $9.999999960e-13, v13;
	[tilespmem:$0x1F950] =	vst v10;
	v10 =	vmul.f32 v0, v24  }
0x3ec: {  	v14 =	vadd.f32 $9.999999960e-13, v17;
	v17 =	vmul.f32 v19, v22;
	v22 =	vsub.s32 $0x5F3759DF, v37  }
0x3ed: {  	[tilespmem:$0x1F960] =	vst v10;
	v10 =	vmul.f32 v0, v25;
	v25 =	vmul.f32 v22, v18  }
0x3ee: {  	v62 =	vsub.f32 v32, v15;
	v32 =	vsub.f32 v8, v15;
	v39 =	vshrl.u32 v13, $0x1  }
0x3ef: {  	v13 =	vmul.f32 $5.000000000e-01, v13;
	v36 =	vshrl.u32 v14, $0x1;
	v8 =	vmul.f32 v22, v25  }
0x3f0: {  	v14 =	vmul.f32 $5.000000000e-01, v14;
	v23 =	vsub.s32 $0x5F3759DF, v39;
	v21 =	vsub.s32 $0x5F3759DF, v36  }
0x3f1: {  	[tilespmem:$0x1F970] =	vst v10;
	v10 =	vmul.f32 v0, v26;
	v26 =	vmul.f32 v23, v13;
	v8 =	vsub.f32 $1.500000000e+00, v8  }
0x3f2: {  	v24 =	vmul.f32 v21, v14  }
0x3f3: {  	v25 =	vmul.f32 v23, v26;
	v40 =	vmul.f32 v22, v8  }
0x3f4: {  	v27 =	vsub.f32 v57, v44;
	v31 =	vsub.f32 v7, v15;
	v7 =	vmul.f32 v17, v19  }
0x3f5: {  	v24 =	vmul.f32 v21, v24;
	v17 =	vsub.f32 $1.500000000e+00, v25;
	v61 =	vmul.f32 v40, v18  }
0x3f6: {  	[tilespmem:$0x1F980] =	vst v10;
	v10 =	vmul.f32 v0, v27;
	v0 =	vmul.f32 v0, v59  }
0x3f7: {  	v17 =	vmul.f32 v23, v17;
	v23 =	vmul.f32 v61, v40  }
0x3f8: {  	v4 =	vsub.f32 v4, v15;
	v37 =	vsub.f32 v56, v15  }
0x3f9: {  	[tilespmem:$0x1F9A0] =	vst v0;
	v0 =	vsub.f32 $1.500000000e+00, v24;
	v23 =	vsub.f32 $1.500000000e+00, v23  }
0x3fa: {  	v36 =	vsub.f32 v12, v15;
	v15 =	vsub.f32 v2, v15;
	v2 =	vld [tilespmem:$0x1F7B0]  }
0x3fb: {  	v0 =	vmul.f32 v21, v0;
	v21 =	vmul.f32 v23, v40;
	v40 =	vld [tilespmem:$0x1FE40];
	_ =	sdelay $0x1  }
0x3fc: {  	v47 =	vsub.f32 v53, v20;
	v53 =	vmul.f32 v0, v14;
	_ =	sdelay $0x1  }
0x3fd: {  	v22 =	vmul.f32 v53, v0  }
0x3fe: {  	v53 =	vsub.f32 v50, v16;
	v50 =	vsub.f32 v6, v16;
	v6 =	vmul.f32 v2, v40;
	v2 =	vld [tilespmem:$0x1F7C0]  }
0x3ff: {  	v57 =	vsub.f32 v11, v16  }
0x400: {  	v60 =	vsub.f32 v38, v16;
	v49 =	vsub.f32 v46, v16  }
0x401: {  	v59 =	vsub.f32 v54, v16;
	v8 =	vsub.f32 $1.500000000e+00, v7  }
0x402: {  	[tilespmem:$0x1F990] =	vst v10;
	v7 =	vsub.f32 v51, v20;
	v51 =	vsub.f32 v1, v16;
	v10 =	vld [tilespmem:$0x1FE50]  }
0x403: {  	v61 =	vsub.f32 v33, v16;
	v16 =	vsub.f32 v2, v52;
	v2 =	vld [tilespmem:$0x1F7D0];
	_ =	sdelay $0x4  }
0x404: {  	v11 =	vmul.f32 v2, v10;
	v2 =	vld [tilespmem:$0x1F7E0];
	_ =	sdelay $0x4  }
0x405: {  	v30 =	vsub.f32 v2, v52;
	v2 =	vld [tilespmem:$0x1F7F0];
	_ =	sdelay $0x1  }
0x406: {  	v63 =	vsub.f32 v63, v20  }
0x407: {  	v29 =	vsub.f32 v29, v20;
	v5 =	vsub.f32 v5, v20;
	v24 =	vmul.f32 v17, v13  }
0x408: {  	v3 =	vsub.f32 v3, v20;
	v48 =	vsub.f32 v35, v20  }
0x409: {  	v56 =	vsub.f32 v34, v20;
	v20 =	vmul.f32 v24, v17;
	v24 =	vsub.f32 v2, v52;
	v2 =	vld [tilespmem:$0x1F800];
	_ =	sdelay $0x4  }
0x40a: {  	v25 =	vsub.f32 v2, v52;
	v2 =	vld [tilespmem:$0x1F810];
	_ =	sdelay $0x3  }
0x40b: {  	v34 =	vld [tilespmem:$0x1FE70]  }
0x40c: {  	v35 =	vsub.f32 v2, v52;
	v2 =	vld [tilespmem:$0x1F820]  }
0x40d: {  	v1 =	vld [tilespmem:$0x1F7A0];
	v22 =	vsub.f32 $1.500000000e+00, v22;
	_ =	sdelay $0x1  }
0x40e: {  	v0 =	vmul.f32 v22, v0;
	v22 =	vld [tilespmem:$0x1FF30]  }
0x40f: {  	v19 =	vmul.f32 v8, v19  }
0x410: {  	v54 =	vsub.f32 v2, v52;
	v2 =	vld [tilespmem:$0x1F830]  }
0x411: {  	v1 =	vmul.f32 v1, v34;
	v33 =	vmul.f32 v19, v25;
	v25 =	vld [tilespmem:$0x1FEC0]  }
0x412: {  	v20 =	vsub.f32 $1.500000000e+00, v20;
	v14 =	vmul.f32 v0, v14  }
0x413: {  	v1 =	vadd.f32 v1, v22  }
0x414: {  	v12 =	vmovc v9;
	v9 =	vld [tilespmem:$0x1FE60];
	v17 =	vmul.f32 v20, v17;
	v20 =	vsub.f32 v45, v52;
	v14 =	vmul.f32 v14, v0  }
0x415: {  	v58 =	vsub.f32 v2, v52;
	v2 =	vld [tilespmem:$0x1F840];
	[tilespmem:s11+$0xF0] =	vst v1  }
0x416: {  	v20 =	vmul.f32 v19, v20;
	v14 =	vsub.f32 $1.500000000e+00, v14;
	v6 =	vadd.f32 v6, v25;
	v26 =	vld [tilespmem:$0x1FED0]  }
0x417: {  	v16 =	vmul.f32 v19, v16;
	v28 =	vmul.f32 v19, v24;
	v24 =	vld [tilespmem:$0x1FE80]  }
0x418: {  	v23 =	vmul.f32 v19, v30;
	v1 =	vmul.f32 v14, v0;
	v0 =	vld [tilespmem:$0x1F850];
	[tilespmem:s11+$0x80] =	vst v6  }
0x419: {  	v44 =	vmul.f32 v19, v35;
	v46 =	vmul.f32 v19, v54;
	v38 =	vld [tilespmem:$0x1FEE0]  }
0x41a: {  	v45 =	vmul.f32 v19, v58;
	v19 =	vmul.f32 v2, v9;
	v2 =	vld [tilespmem:$0x1F860]  }
0x41b: {  	v14 =	vadd.f32 v11, v26;
	_ =	sdelay $0x1  }
0x41c: {  	[tilespmem:s11+$0x90] =	vst v14  }
0x41d: {  	v58 =	vld [tilespmem:$0x1FEF0]  }
0x41e: {  	v6 =	vadd.f32 v19, v38;
	v19 =	vmul.f32 v2, v40;
	v2 =	vld [tilespmem:$0x1F870];
	_ =	sdelay $0x2  }
0x41f: {  	v0 =	vmul.f32 v0, v24  }
0x420: {  	[tilespmem:s11+$0xA0] =	vst v6  }
0x421: {  	v0 =	vadd.f32 v0, v58;
	v14 =	vmul.f32 v2, v10;
	v2 =	vld [tilespmem:$0x1F880]  }
0x422: {  	v19 =	vadd.f32 v19, v25  }
0x423: {  	[tilespmem:s11+$0xB0] =	vst v0  }
0x424: {  	v0 =	vld [tilespmem:$0x1F890];
	[tilespmem:s11+$0xFFFFFF00] =	vst v19  }
0x425: {  	v11 =	vld [tilespmem:$0x1FE90]  }
0x426: {  	v6 =	vmul.f32 v2, v9;
	v2 =	vld [tilespmem:$0x1F8A0]  }
0x427: {  	v14 =	vadd.f32 v14, v26;
	_ =	sdelay $0x1  }
0x428: {  	[tilespmem:s11+$0xFFFFFF10] =	vst v14  }
0x429: {  	v39 =	vld [tilespmem:$0x1FEA0]  }
0x42a: {  	v19 =	vmul.f32 v2, v11;
	v2 =	vld [tilespmem:$0x1F8B0]  }
0x42b: {  	v6 =	vadd.f32 v6, v38;
	_ =	sdelay $0x1  }
0x42c: {  	[tilespmem:s11+$0xFFFFFF20] =	vst v6  }
0x42d: {  	v18 =	vmul.f32 v21, v18;
	v30 =	vld [tilespmem:$0x1FEB0]  }
0x42e: {  	v0 =	vmul.f32 v0, v24;
	v14 =	vmul.f32 v2, v39;
	v2 =	vld [tilespmem:$0x1F8C0]  }
0x42f: {  	v18 =	vmul.f32 v18, v21  }
0x430: {  	v0 =	vadd.f32 v0, v58;
	v27 =	vld [tilespmem:$0x1FF00]  }
0x431: {  	v18 =	vsub.f32 $1.500000000e+00, v18  }
0x432: {  	v13 =	vmul.f32 v17, v13;
	[tilespmem:s11+$0xFFFFFF30] =	vst v0  }
0x433: {  	v6 =	vmul.f32 v18, v21;
	v18 =	vmul.f32 v2, v30;
	v2 =	vld [tilespmem:$0x1F8D0]  }
0x434: {  	v13 =	vmul.f32 v13, v17  }
0x435: {  	v19 =	vadd.f32 v19, v27  }
0x436: {  	v13 =	vsub.f32 $1.500000000e+00, v13  }
0x437: {  	v54 =	vld [tilespmem:$0x1FF10];
	[tilespmem:s11+$0xFFFFFF40] =	vst v19  }
0x438: {  	v0 =	vmul.f32 v13, v17;
	v13 =	vmul.f32 v2, v34;
	v2 =	vld [tilespmem:$0x1F8E0];
	_ =	sdelay $0x4  }
0x439: {  	v17 =	vmul.f32 v2, v40;
	v2 =	vld [tilespmem:$0x1F8F0];
	_ =	sdelay $0x1  }
0x43a: {  	v14 =	vadd.f32 v14, v54;
	v8 =	vld [tilespmem:$0x1FF20];
	_ =	sdelay $0x1  }
0x43b: {  	[tilespmem:s11+$0xFFFFFF50] =	vst v14  }
0x43c: {  	v19 =	vmul.f32 v2, v10;
	v2 =	vld [tilespmem:$0x1F900];
	_ =	sdelay $0x1  }
0x43d: {  	v18 =	vadd.f32 v18, v8  }
0x43e: {  	v13 =	vadd.f32 v13, v22  }
0x43f: {  	v35 =	vmul.f32 v55, v24;
	v17 =	vadd.f32 v17, v25;
	[tilespmem:s11+$0xFFFFFF60] =	vst v18  }
0x440: {  	[tilespmem:s11+$0xFFFFFF70] =	vst v13;
	v14 =	vmul.f32 v2, v9  }
0x441: {  	v13 =	vld [tilespmem:$0x1F910];
	[tilespmem:s11+$0xFFFFFF80] =	vst v17;
	v17 =	vadd.f32 v35, v58  }
0x442: {  	v18 =	vmul.f32 v43, v11;
	v14 =	vadd.f32 v14, v38  }
0x443: {  	v52 =	vmul.f32 v1, v41;
	v19 =	vadd.f32 v19, v26;
	[tilespmem:s11+$0xFFFFFFB0] =	vst v17  }
0x444: {  	v4 =	vmul.f32 v1, v4;
	v55 =	vmul.f32 v1, v37;
	[tilespmem:s11+$0xFFFFFFA0] =	vst v14;
	v14 =	vadd.f32 v18, v27  }
0x445: {  	v43 =	vmul.f32 v1, v62;
	[tilespmem:s11+$0xFFFFFF90] =	vst v19;
	v2 =	vmul.f32 v42, v39  }
0x446: {  	v35 =	vmul.f32 v1, v32;
	v42 =	vmul.f32 v1, v36;
	[tilespmem:s11+$0xFFFFFFC0] =	vst v14  }
0x447: {  	v36 =	vmul.f32 v1, v31;
	v1 =	vmul.f32 v1, v15;
	v15 =	vadd.f32 v2, v54;
	v2 =	vld [tilespmem:$0x1F920];
	_ =	sdelay $0x4  }
0x448: {  	v14 =	vmul.f32 v2, v34;
	v2 =	vld [tilespmem:$0x1F930];
	_ =	sdelay $0x3  }
0x449: {  	[tilespmem:s11+$0xFFFFFFD0] =	vst v15  }
0x44a: {  	v18 =	vmul.f32 v2, v40;
	v2 =	vld [tilespmem:$0x1F940];
	_ =	sdelay $0x4  }
0x44b: {  	v13 =	vmul.f32 v13, v30;
	v15 =	vmul.f32 v2, v10;
	v2 =	vld [tilespmem:$0x1F950];
	_ =	sdelay $0x1  }
0x44c: {  	v13 =	vadd.f32 v13, v8;
	_ =	sdelay $0x1  }
0x44d: {  	[tilespmem:s11+$0xFFFFFFE0] =	vst v13  }
0x44e: {  	v19 =	vmul.f32 v2, v9;
	v2 =	vld [tilespmem:$0x1F960];
	_ =	sdelay $0x4  }
0x44f: {  	v17 =	vmul.f32 v20, v34;
	v13 =	vmul.f32 v2, v24;
	v2 =	vld [tilespmem:$0x1F970];
	_ =	sdelay $0x1  }
0x450: {  	v17 =	vadd.f32 v17, v22;
	_ =	sdelay $0x1  }
0x451: {  	[tilespmem:s17+$0xF0] =	vst v17  }
0x452: {  	v20 =	vmul.f32 v2, v11;
	v2 =	vld [tilespmem:$0x1F980];
	_ =	sdelay $0x2  }
0x453: {  	v14 =	vadd.f32 v14, v22  }
0x454: {  	v18 =	vadd.f32 v18, v25  }
0x455: {  	[tilespmem:s11+$0xFFFFFFF0] =	vst v14;
	v17 =	vmul.f32 v2, v39;
	v2 =	vadd.f32 v15, v26  }
0x456: {  	v41 =	vmul.f32 v6, v7;
	v47 =	vmul.f32 v6, v47;
	[tilespmem:s11+$0x0] =	vst v18;
	v14 =	vadd.f32 v19, v38  }
0x457: {  	v37 =	vmul.f32 v6, v63;
	v7 =	vmul.f32 v6, v56;
	[tilespmem:s11+$0x10] =	vst v2;
	v2 =	vadd.f32 v13, v58  }
0x458: {  	v5 =	vmul.f32 v6, v5;
	v3 =	vmul.f32 v6, v3;
	[tilespmem:s11+$0x20] =	vst v14  }
0x459: {  	v62 =	vmov v38;
	v32 =	vmul.f32 v6, v29;
	v38 =	vmul.f32 v6, v48;
	v6 =	vld [tilespmem:$0x1F990];
	[tilespmem:s11+$0x30] =	vst v2  }
0x45a: {  	v14 =	vld [tilespmem:$0x1F9B0]  }
0x45b: {  	v2 =	vld [tilespmem:$0x1F9A0];
	_ =	sdelay $0x1  }
0x45c: {  	v13 =	vadd.f32 v20, v27;
	_ =	sdelay $0x1  }
0x45d: {  	[tilespmem:s11+$0x40] =	vst v13;
	v6 =	vmul.f32 v6, v30;
	v18 =	vmul.f32 v14, v11;
	v14 =	vadd.f32 v17, v54  }
0x45e: {  	v2 =	vmul.f32 v2, v34;
	v11 =	vld [tilespmem:$0x1F9C0]  }
0x45f: {  	v13 =	vmul.f32 v16, v40;
	v6 =	vadd.f32 v6, v8;
	[tilespmem:s11+$0x50] =	vst v14  }
0x460: {  	v14 =	vmul.f32 v23, v10;
	v2 =	vadd.f32 v2, v22;
	v8 =	vld [tilespmem:$0x1F9D0]  }
0x461: {  	v49 =	vmul.f32 v0, v49;
	v48 =	vmul.f32 v0, v59;
	[tilespmem:s11+$0x60] =	vst v6;
	v6 =	vadd.f32 v13, v25  }
0x462: {  	v15 =	vmul.f32 v28, v9;
	v16 =	vmul.f32 v33, v24;
	[tilespmem:s11+$0x70] =	vst v2;
	v2 =	vadd.f32 v14, v26  }
0x463: {  	v40 =	vmul.f32 v0, v53;
	v19 =	vmul.f32 v11, v39;
	[tilespmem:s17+$0x80] =	vst v6  }
0x464: {  	v33 =	vadd.f32 v16, v58;
	v6 =	vmul.f32 v0, v57;
	[tilespmem:s17+$0x90] =	vst v2;
	v2 =	vmul.f32 v0, v61  }
0x465: {  	s19 =	simm.s32 $0x4;
	s21 =	simm.s32 $0x4700;
	v39 =	vadd.f32 v15, v62;
	v11 =	vmul.f32 v8, v30;
	v8 =	vmul.f32 v0, v60  }
.LBB2_8:
0x466: {  	v13 =	vld [tilespmem:s21+$0xA0]  }
0x467: {  	v31 =	vld [tilespmem:$0x1FE40]  }
0x468: {  	v10 =	vld [tilespmem:$0x1FE50]  }
0x469: {  	v9 =	vld [tilespmem:$0x1FE90]  }
0x46a: {  	v60 =	vld [tilespmem:$0x1FEB0];
	[tilespmem:s17+$0xA0] =	vst v39  }
0x46b: {  	v16 =	vld [tilespmem:s21+$0x80]  }
0x46c: {  	[tilespmem:s17+$0xB0] =	vst v33;
	v33 =	vld [tilespmem:$0x1FE60]  }
0x46d: {  	v39 =	vld [tilespmem:$0x1FF20]  }
0x46e: {  	v34 =	vld [tilespmem:$0x1FE70]  }
0x46f: {  	v28 =	vld [tilespmem:$0x1FE80]  }
0x470: {  	s12 =	sadd.s32 $0x200, s12;
	v53 =	vld [tilespmem:$0x1FE80];
	v15 =	vadd.f32 v18, v27  }
0x471: {  	v20 =	vld [tilespmem:s12+$0x80];
	v19 =	vadd.f32 v19, v54;
	v21 =	vmul.f32 v42, v33  }
0x472: {  	[tilespmem:s11+$0xC0] =	vst v15;
	v15 =	vadd.f32 v11, v39;
	v11 =	vld [tilespmem:$0x1FEA0]  }
0x473: {  	v18 =	vmul.f32 v55, v10;
	v27 =	vmul.f32 v1, v34;
	[tilespmem:s11+$0xD0] =	vst v19;
	v23 =	vld [tilespmem:s21+$0x90];
	v1 =	vadd.f32 v21, v62  }
0x474: {  	v14 =	vmul.f32 v0, v50;
	v19 =	vld [tilespmem:s12+$0x90];
	[tilespmem:s11+$0xE0] =	vst v15;
	s11 =	smov.u32 s17  }
0x475: {  	v22 =	vmul.f32 v43, v24;
	v17 =	vmul.f32 v52, v31;
	v18 =	vadd.f32 v18, v26;
	[tilespmem:s11+$0xFFFFFF20] =	vst v1;
	v1 =	vld [tilespmem:$0x1FF00]  }
0x476: {  	v24 =	vmul.f32 v35, v9;
	v26 =	vmul.f32 v4, v60;
	v4 =	vld [tilespmem:s12+$0xA0]  }
0x477: {  	v17 =	vadd.f32 v17, v25;
	v61 =	vld [tilespmem:s21+$0xB0];
	[tilespmem:s11+$0xFFFFFF10] =	vst v18;
	v18 =	vadd.f32 v22, v58;
	v25 =	vmul.f32 v36, v11  }
0x478: {  	v28 =	vmul.f32 v38, v28;
	v35 =	vmul.f32 v3, v34;
	v29 =	vld [tilespmem:s12+$0xB0]  }
0x479: {  	v30 =	vld [tilespmem:s21+$0xC0];
	[tilespmem:s11+$0xFFFFFF30] =	vst v18;
	v2 =	vmul.f32 v2, v11;
	v55 =	vadd.f32 v19, v23;
	v18 =	vadd.f32 v25, v54  }
0x47a: {  	v38 =	vmul.f32 v6, v53;
	v3 =	vld [tilespmem:s12+$0xC0];
	v24 =	vadd.f32 v24, v1;
	v1 =	vadd.f32 v20, v16  }
0x47b: {  	v6 =	vmul.f32 v8, v9;
	[tilespmem:$0x1F680] =	vst v2;
	v54 =	vadd.f32 v4, v13;
	v13 =	vmul.f32 v48, v33  }
0x47c: {  	v4 =	vld [tilespmem:s21+$0xD0];
	v19 =	vmul.f32 v55, v55;
	[tilespmem:s11+$0xFFFFFF50] =	vst v18;
	v16 =	vmul.f32 v1, v1;
	v18 =	vadd.f32 v55, v1  }
0x47d: {  	v15 =	vmul.f32 v41, v31;
	v2 =	vmul.f32 v14, v60;
	v41 =	vadd.f32 v29, v61;
	[tilespmem:$0x1F660] =	vst v13;
	v13 =	vld [tilespmem:s12+$0xD0]  }
0x47e: {  	v8 =	vadd.f32 v19, v16;
	v16 =	vadd.f32 v54, v18;
	v18 =	vmul.f32 v54, v54  }
0x47f: {  	v42 =	vadd.f32 v3, v30;
	v3 =	vld [tilespmem:s21+$0xF0]  }
0x480: {  	[tilespmem:$0x1F690] =	vst v2;
	v2 =	vld [tilespmem:s12+$0xF0];
	v8 =	vadd.f32 v18, v8;
	v14 =	vadd.f32 v41, v16;
	v16 =	vmul.f32 v41, v41;
	_ =	sdelay $0x1  }
0x481: {  	v30 =	vld [tilespmem:$0x1FF30];
	v43 =	vadd.f32 v13, v4;
	v13 =	vmul.f32 v42, v42;
	v4 =	vadd.f32 v16, v8  }
0x482: {  	[tilespmem:$0x1F670] =	vst v6  }
0x483: {  	[tilespmem:s11+$0xFFFFFF00] =	vst v17;
	v6 =	vld [tilespmem:s12+$0xE0];
	v13 =	vadd.f32 v13, v4  }
0x484: {  	v20 =	vld [tilespmem:s21+$0xE0];
	[tilespmem:s11+$0xFFFFFF40] =	vst v24;
	v4 =	vadd.f32 v2, v3;
	v2 =	vadd.f32 v26, v39  }
0x485: {  	v18 =	vld [tilespmem:s12+$0xFFFFFF00]  }
0x486: {  	v8 =	vadd.f32 v42, v14;
	v14 =	vld [tilespmem:s12+$0xFFFFFF10];
	[tilespmem:s11+$0xFFFFFF60] =	vst v2;
	v2 =	vadd.f32 v27, v30;
	_ =	sdelay $0x1  }
0x487: {  	v0 =	vmul.f32 v0, v51;
	[tilespmem:s11+$0xFFFFFF70] =	vst v2;
	v2 =	vld [tilespmem:$0x1FED0]  }
0x488: {  	v56 =	vld [tilespmem:$0x1FEC0];
	v17 =	vmul.f32 v47, v10;
	v62 =	vmul.f32 v37, v33  }
0x489: {  	v57 =	vld [tilespmem:s21+$0x0];
	v37 =	vmul.f32 v40, v10;
	v40 =	vmul.f32 v0, v34  }
0x48a: {  	v0 =	vmul.f32 v44, v9;
	v19 =	vld [tilespmem:s12+$0xFFFFFF80];
	v44 =	vadd.f32 v6, v20;
	v6 =	vmul.f32 v46, v11  }
0x48b: {  	v20 =	vld [tilespmem:s12+$0xFFFFFF90]  }
0x48c: {  	[tilespmem:$0x1F6A0] =	vst v6;
	v6 =	vld [tilespmem:s21+$0xFFFFFF80];
	v2 =	vadd.f32 v17, v2  }
0x48d: {  	v3 =	vld [tilespmem:s21+$0xFFFFFF90]  }
0x48e: {  	[tilespmem:s11+$0xFFFFFF90] =	vst v2;
	v2 =	vld [tilespmem:$0x1FEE0]  }
0x48f: {  	[tilespmem:$0x1F6B0] =	vst v0;
	v0 =	vld [tilespmem:s21+$0xFFFFFF10];
	v8 =	vadd.f32 v43, v8  }
0x490: {  	v7 =	vmul.f32 v7, v9;
	v9 =	vld [tilespmem:$0x1FFF0];
	v16 =	vmul.f32 v43, v43  }
0x491: {  	v23 =	vld [tilespmem:s12+$0x50];
	v8 =	vadd.f32 v44, v8  }
0x492: {  	v29 =	vld [tilespmem:$0x1FFD0];
	v13 =	vadd.f32 v16, v13;
	v16 =	vmul.f32 v44, v44  }
0x493: {  	v63 =	vmul.f32 v32, v11;
	v11 =	vld [tilespmem:$0x1FFE0];
	v8 =	vadd.f32 v4, v8;
	v2 =	vadd.f32 v62, v2  }
0x494: {  	v50 =	vadd.f32 v14, v0;
	v0 =	vld [tilespmem:s12+$0x0];
	v13 =	vadd.f32 v16, v13;
	v16 =	vmul.f32 v4, v4  }
0x495: {  	v14 =	vperm.xlane v8, v12;
	[tilespmem:s11+$0xFFFFFFA0] =	vst v2;
	v2 =	vld [tilespmem:$0x1FF00]  }
0x496: {  	v46 =	vadd.f32 v19, v6;
	v6 =	vld [tilespmem:s21+$0x10];
	v13 =	vadd.f32 v16, v13  }
0x497: {  	v5 =	vmul.f32 v5, v60;
	v19 =	vld [tilespmem:s21+$0xFFFFFF00];
	v48 =	vadd.f32 v20, v3;
	v3 =	vadd.f32 v8, v14  }
0x498: {  	v15 =	vadd.f32 v15, v56;
	v32 =	vmul.f32 v45, v60;
	v16 =	vld [tilespmem:s12+$0x10];
	v8 =	vperm.xlane v13, v12  }
0x499: {  	v59 =	vld [tilespmem:s12+$0xFFFFFF20];
	v45 =	vadd.f32 v0, v57;
	v17 =	vadd.f32 v28, v58;
	v0 =	vperm.xlane v3, v29  }
0x49a: {  	v36 =	vmul.f32 v49, v31;
	[tilespmem:s11+$0xFFFFFF80] =	vst v15;
	v8 =	vadd.f32 v8, v13;
	v2 =	vadd.f32 v7, v2;
	v7 =	vld [tilespmem:$0x1FF10]  }
0x49b: {  	v20 =	vmul.f32 v46, v46;
	v60 =	vmul.f32 v48, v48;
	v14 =	vld [tilespmem:s21+$0xFFFFFF20];
	[tilespmem:s11+$0xFFFFFFB0] =	vst v17;
	v0 =	vadd.f32 v3, v0  }
0x49c: {  	v17 =	vadd.f32 v48, v46;
	v13 =	vld [tilespmem:s21+$0xFFFFFFA0];
	[tilespmem:s11+$0xFFFFFFC0] =	vst v2;
	v2 =	vadd.f32 v5, v39;
	v5 =	vperm.xlane v8, v29  }
0x49d: {  	v47 =	vadd.f32 v16, v6;
	v3 =	vadd.f32 v18, v19;
	v19 =	vperm.xlane v0, v9;
	v61 =	vld [tilespmem:s12+$0xFFFFFFA0]  }
0x49e: {  	v15 =	vmul.f32 v50, v50;
	v6 =	vadd.f32 v60, v20;
	v20 =	vld [tilespmem:s21+$0xFFFFFF30];
	v8 =	vadd.f32 v5, v8  }
0x49f: {  	v16 =	vmul.f32 v45, v45;
	v0 =	vadd.f32 v0, v19;
	[tilespmem:s11+$0xFFFFFFE0] =	vst v2;
	v2 =	vld [tilespmem:s12+$0x20];
	v7 =	vadd.f32 v63, v7  }
0x4a0: {  	v18 =	vadd.f32 v47, v45;
	v5 =	vadd.f32 v59, v14;
	v14 =	vld [tilespmem:s12+$0xFFFFFF30];
	v19 =	vperm.xlane v8, v9  }
0x4a1: {  	v24 =	vadd.f32 v50, v3;
	v62 =	vmul.f32 v3, v3;
	v59 =	vperm.xlane v0, v11;
	[tilespmem:s11+$0xFFFFFFD0] =	vst v7;
	v7 =	vld [tilespmem:s21+$0x20]  }
0x4a2: {  	v25 =	vmul.f32 v47, v47;
	v52 =	vadd.f32 v61, v13;
	v13 =	vld [tilespmem:s21+$0xFFFFFFB0];
	v8 =	vadd.f32 v19, v8  }
0x4a3: {  	v15 =	vadd.f32 v15, v62;
	v0 =	vadd.f32 v0, v59;
	v58 =	vld [tilespmem:s12+$0xFFFFFFB0];
	v19 =	vmul.f32 v5, v5  }
0x4a4: {  	v16 =	vadd.f32 v25, v16;
	v25 =	vld [tilespmem:s21+$0xFFFFFF40];
	v63 =	vadd.f32 v5, v24;
	v60 =	vperm.xlane v8, v11  }
0x4a5: {  	v24 =	vld [tilespmem:s12+$0x30];
	v49 =	vmul.f32 $7.812500000e-03, v0;
	v17 =	vadd.f32 v52, v17;
	v15 =	vadd.f32 v19, v15  }
0x4a6: {  	v26 =	vmul.f32 v52, v52;
	v51 =	vadd.f32 v2, v7;
	v2 =	vld [tilespmem:s21+$0x30];
	v0 =	vadd.f32 v60, v8  }
0x4a7: {  	v4 =	vsub.f32 v4, v49;
	v7 =	vadd.f32 v14, v20;
	v14 =	vld [tilespmem:s12+$0xFFFFFF40];
	v8 =	vmul.f32 v49, v49  }
0x4a8: {  	v20 =	vld [tilespmem:s12+$0xFFFFFFC0];
	v6 =	vadd.f32 v26, v6;
	v56 =	vadd.f32 v58, v13;
	v0 =	vmul.f32 $7.812500000e-03, v0  }
0x4a9: {  	v13 =	vld [tilespmem:s21+$0xFFFFFFC0];
	v18 =	vadd.f32 v51, v18;
	v27 =	vmul.f32 v51, v51;
	v19 =	vadd.f32 v7, v63  }
0x4aa: {  	v62 =	vld [tilespmem:s12+$0x40];
	v61 =	vmul.f32 v7, v7;
	v17 =	vadd.f32 v56, v17;
	v0 =	vsub.f32 v0, v8  }
0x4ab: {  	v22 =	vmul.f32 v56, v56;
	v16 =	vadd.f32 v27, v16;
	v53 =	vadd.f32 v24, v2;
	v2 =	vld [tilespmem:s21+$0x40]  }
0x4ac: {  	v15 =	vadd.f32 v61, v15;
	v24 =	vld [tilespmem:s21+$0xFFFFFF50];
	v8 =	vadd.f32 v14, v25  }
0x4ad: {  	v14 =	vld [tilespmem:s12+$0xFFFFFF50];
	v6 =	vadd.f32 v22, v6;
	v25 =	vadd.f32 $9.999999960e-13, v0  }
0x4ae: {  	v0 =	vadd.f32 v20, v13;
	v13 =	vld [tilespmem:s21+$0xFFFFFFD0];
	v18 =	vadd.f32 v53, v18  }
0x4af: {  	v20 =	vld [tilespmem:s12+$0xFFFFFFD0];
	v26 =	vmul.f32 v53, v53;
	v19 =	vadd.f32 v8, v19;
	v28 =	vmul.f32 v8, v8  }
0x4b0: {  	v22 =	vld [tilespmem:s21+$0x50];
	v63 =	vshrl.u32 v25, $0x1;
	v25 =	vmul.f32 $5.000000000e-01, v25;
	v17 =	vadd.f32 v0, v17  }
0x4b1: {  	v27 =	vld [tilespmem:s21+$0xFFFFFF60];
	v59 =	vmul.f32 v0, v0;
	v21 =	vsub.s32 $0x5F3759DF, v63;
	v16 =	vadd.f32 v26, v16  }
0x4b2: {  	v15 =	vadd.f32 v28, v15;
	v26 =	vmul.f32 v21, v25;
	v58 =	vadd.f32 v14, v24;
	v14 =	vld [tilespmem:s12+$0xFFFFFF60]  }
0x4b3: {  	v28 =	vld [tilespmem:s12+$0xFFFFFFE0];
	v63 =	vsub.f32 v1, v49;
	v2 =	vadd.f32 v62, v2  }
0x4b4: {  	v59 =	vadd.f32 v59, v6;
	v57 =	vadd.f32 v20, v13;
	v13 =	vld [tilespmem:s21+$0xFFFFFFE0];
	v26 =	vmul.f32 v21, v26  }
0x4b5: {  	v6 =	vadd.f32 v23, v22;
	v22 =	vld [tilespmem:s21+$0x60];
	v18 =	vadd.f32 v2, v18  }
0x4b6: {  	v23 =	vld [tilespmem:s12+$0x60];
	v24 =	vmul.f32 v2, v2;
	v20 =	vmul.f32 v58, v58;
	v26 =	vsub.f32 $1.500000000e+00, v26  }
0x4b7: {  	v19 =	vadd.f32 v58, v19;
	v61 =	vmul.f32 v57, v57;
	v60 =	vadd.f32 v14, v27;
	v14 =	vld [tilespmem:s21+$0xFFFFFF70]  }
0x4b8: {  	v17 =	vadd.f32 v57, v17;
	v15 =	vadd.f32 v20, v15;
	v21 =	vmul.f32 v21, v26;
	v26 =	vld [tilespmem:s12+$0xFFFFFF70]  }
0x4b9: {  	v20 =	vadd.f32 v61, v59;
	v59 =	vadd.f32 v28, v13;
	v13 =	vld [tilespmem:s21+$0xFFFFFFF0]  }
0x4ba: {  	v16 =	vadd.f32 v24, v16;
	v24 =	vmul.f32 v6, v6;
	v28 =	vld [tilespmem:s12+$0xFFFFFFF0];
	v27 =	vmul.f32 v21, v25  }
0x4bb: {  	v18 =	vadd.f32 v6, v18;
	v1 =	vadd.f32 v23, v22;
	v61 =	vmul.f32 v60, v60  }
0x4bc: {  	v22 =	vld [tilespmem:s21+$0x70];
	v16 =	vadd.f32 v24, v16;
	v19 =	vadd.f32 v60, v19;
	v24 =	vmul.f32 v27, v21  }
0x4bd: {  	v23 =	vld [tilespmem:s12+$0x70];
	v17 =	vadd.f32 v59, v17;
	v15 =	vadd.f32 v61, v15  }
0x4be: {  	v27 =	vmul.f32 v59, v59;
	v62 =	vadd.f32 v26, v14;
	v24 =	vsub.f32 $1.500000000e+00, v24  }
0x4bf: {  	v14 =	vadd.f32 v1, v18;
	v18 =	vmul.f32 v1, v1;
	v61 =	vadd.f32 v28, v13  }
0x4c0: {  	v20 =	vadd.f32 v27, v20;
	v19 =	vadd.f32 v62, v19;
	v21 =	vmul.f32 v24, v21  }
0x4c1: {  	v26 =	vmul.f32 v62, v62;
	v13 =	vadd.f32 v18, v16;
	v18 =	vsub.f32 v54, v49  }
0x4c2: {  	v24 =	vsub.f32 v55, v49;
	v55 =	vadd.f32 v23, v22;
	v16 =	vmul.f32 v21, v25  }
0x4c3: {  	v17 =	vadd.f32 v61, v17;
	v15 =	vadd.f32 v26, v15;
	v54 =	vperm.xlane v19, v12  }
0x4c4: {  	v14 =	vadd.f32 v55, v14;
	v23 =	vmul.f32 v55, v55;
	v16 =	vmul.f32 v16, v21  }
0x4c5: {  	v25 =	vmul.f32 v61, v61;
	v19 =	vadd.f32 v19, v54;
	v54 =	vperm.xlane v17, v12  }
0x4c6: {  	v13 =	vadd.f32 v23, v13;
	v23 =	vperm.xlane v14, v12;
	v16 =	vsub.f32 $1.500000000e+00, v16  }
0x4c7: {  	v20 =	vadd.f32 v25, v20;
	v25 =	vperm.xlane v15, v12;
	v17 =	vadd.f32 v17, v54  }
0x4c8: {  	v22 =	vperm.xlane v19, v29;
	v14 =	vadd.f32 v14, v23;
	v54 =	vmul.f32 v16, v21  }
0x4c9: {  	v15 =	vadd.f32 v25, v15;
	v23 =	vperm.xlane v17, v29;
	v16 =	vperm.xlane v20, v12  }
0x4ca: {  	v19 =	vadd.f32 v19, v22;
	v21 =	vperm.xlane v13, v12;
	v4 =	vmul.f32 v54, v4  }
0x4cb: {  	v17 =	vadd.f32 v17, v23;
	v16 =	vadd.f32 v16, v20;
	v20 =	vperm.xlane v14, v29  }
0x4cc: {  	v13 =	vadd.f32 v21, v13;
	v21 =	vperm.xlane v15, v29;
	v4 =	vmul.f32 v4, v34  }
0x4cd: {  	v23 =	vperm.xlane v19, v9;
	v34 =	vperm.xlane v16, v29;
	v14 =	vadd.f32 v14, v20  }
0x4ce: {  	v20 =	vperm.xlane v13, v29;
	v15 =	vadd.f32 v21, v15;
	v4 =	vadd.f32 v4, v30  }
0x4cf: {  	v21 =	vperm.xlane v17, v9;
	v16 =	vadd.f32 v34, v16;
	v34 =	vperm.xlane v14, v9  }
0x4d0: {  	v13 =	vadd.f32 v20, v13;
	[tilespmem:s21+$0xF0] =	vst v4;
	v4 =	vadd.f32 v19, v23;
	v19 =	vperm.xlane v15, v9  }
0x4d1: {  	v17 =	vadd.f32 v17, v21;
	v20 =	vperm.xlane v16, v9;
	v14 =	vadd.f32 v14, v34  }
0x4d2: {  	v21 =	vperm.xlane v13, v9;
	v34 =	vperm.xlane v4, v11;
	v15 =	vadd.f32 v19, v15  }
0x4d3: {  	v19 =	vperm.xlane v17, v11;
	v16 =	vadd.f32 v20, v16;
	v20 =	vperm.xlane v14, v11  }
0x4d4: {  	v13 =	vadd.f32 v21, v13;
	v4 =	vadd.f32 v4, v34;
	v34 =	vperm.xlane v15, v11  }
0x4d5: {  	v17 =	vadd.f32 v17, v19;
	v19 =	vperm.xlane v16, v11;
	v14 =	vadd.f32 v14, v20  }
0x4d6: {  	v20 =	vperm.xlane v13, v11;
	v4 =	vmul.f32 $7.812500000e-03, v4;
	v15 =	vadd.f32 v34, v15  }
0x4d7: {  	v17 =	vmul.f32 $7.812500000e-03, v17;
	v16 =	vadd.f32 v19, v16;
	v14 =	vmul.f32 $7.812500000e-03, v14  }
0x4d8: {  	v13 =	vadd.f32 v20, v13;
	v15 =	vmul.f32 $7.812500000e-03, v15;
	v19 =	vmul.f32 v4, v4  }
0x4d9: {  	v11 =	vmovc v32;
	v3 =	vsub.f32 v3, v4;
	v16 =	vmul.f32 $7.812500000e-03, v16;
	v32 =	vmul.f32 v17, v17  }
0x4da: {  	v13 =	vmul.f32 $7.812500000e-03, v13;
	v15 =	vsub.f32 v15, v19;
	v19 =	vmul.f32 v14, v14  }
0x4db: {  	v20 =	vsub.f32 v50, v4;
	v16 =	vsub.f32 v16, v32  }
0x4dc: {  	v5 =	vsub.f32 v5, v4;
	v13 =	vsub.f32 v13, v19  }
0x4dd: {  	v34 =	vmul.f32 v54, v63;
	v15 =	vadd.f32 $9.999999960e-13, v15;
	v16 =	vadd.f32 $9.999999960e-13, v16  }
0x4de: {  	v7 =	vsub.f32 v7, v4;
	v19 =	vmul.f32 v54, v24;
	v13 =	vadd.f32 $9.999999960e-13, v13  }
0x4df: {  	v50 =	vshrl.u32 v15, $0x1;
	v15 =	vmul.f32 $5.000000000e-01, v15;
	v63 =	vshrl.u32 v16, $0x1  }
0x4e0: {  	v22 =	vsub.s32 $0x5F3759DF, v50;
	v24 =	vshrl.u32 v13, $0x1;
	v13 =	vmul.f32 $5.000000000e-01, v13  }
0x4e1: {  	v16 =	vmul.f32 $5.000000000e-01, v16;
	v25 =	vmul.f32 v22, v15;
	v24 =	vsub.s32 $0x5F3759DF, v24  }
0x4e2: {  	v8 =	vsub.f32 v8, v4;
	v23 =	vsub.s32 $0x5F3759DF, v63;
	v28 =	vmul.f32 v24, v13  }
0x4e3: {  	v27 =	vsub.f32 v58, v4;
	v26 =	vmul.f32 v23, v16;
	v25 =	vmul.f32 v22, v25  }
0x4e4: {  	v58 =	vsub.f32 v60, v4;
	v60 =	vsub.f32 v62, v4;
	v4 =	vmul.f32 v24, v28  }
0x4e5: {  	v26 =	vmul.f32 v23, v26;
	v25 =	vsub.f32 $1.500000000e+00, v25  }
0x4e6: {  	v4 =	vsub.f32 $1.500000000e+00, v4  }
0x4e7: {  	v26 =	vsub.f32 $1.500000000e+00, v26;
	v22 =	vmul.f32 v22, v25  }
0x4e8: {  	v28 =	vsub.f32 v48, v17;
	v48 =	vsub.f32 v0, v17;
	v0 =	vmul.f32 v24, v4  }
0x4e9: {  	v62 =	vsub.f32 v46, v17;
	v23 =	vmul.f32 v23, v26;
	v4 =	vmul.f32 v22, v15  }
0x4ea: {  	v21 =	vmul.f32 v34, v31;
	v53 =	vsub.f32 v53, v14;
	v31 =	vmul.f32 v0, v13  }
0x4eb: {  	v2 =	vsub.f32 v2, v14;
	v24 =	vmul.f32 v23, v16;
	v4 =	vmul.f32 v4, v22  }
0x4ec: {  	v26 =	vsub.f32 v56, v17;
	v56 =	vsub.f32 v57, v17;
	v32 =	vmul.f32 v31, v0  }
0x4ed: {  	v57 =	vsub.f32 v59, v17;
	v24 =	vmul.f32 v24, v23;
	v4 =	vsub.f32 $1.500000000e+00, v4  }
0x4ee: {  	v59 =	vsub.f32 v45, v14;
	v45 =	vsub.f32 $1.500000000e+00, v32  }
0x4ef: {  	v63 =	vsub.f32 v51, v14;
	v24 =	vsub.f32 $1.500000000e+00, v24;
	v4 =	vmul.f32 v4, v22  }
0x4f0: {  	v50 =	vsub.f32 v1, v14;
	v51 =	vsub.f32 v55, v14;
	v0 =	vmul.f32 v45, v0  }
0x4f1: {  	v34 =	vmul.f32 v24, v23;
	v24 =	vsub.f32 v44, v49;
	v1 =	vmul.f32 v4, v15  }
0x4f2: {  	v25 =	vsub.f32 v52, v17;
	v17 =	vsub.f32 v61, v17;
	v13 =	vmul.f32 v0, v13  }
0x4f3: {  	v61 =	vsub.f32 v47, v14;
	v45 =	vmul.f32 v54, v24;
	v24 =	vld [tilespmem:$0x1FE80];
	v1 =	vmul.f32 v1, v4  }
0x4f4: {  	v23 =	vsub.f32 v6, v14;
	v14 =	vsub.f32 v41, v49;
	v13 =	vmul.f32 v13, v0  }
0x4f5: {  	v1 =	vsub.f32 $1.500000000e+00, v1  }
0x4f6: {  	v14 =	vmul.f32 v54, v14;
	v13 =	vsub.f32 $1.500000000e+00, v13  }
0x4f7: {  	v1 =	vmul.f32 v1, v4  }
0x4f8: {  	v4 =	vadd.f32 v35, v30;
	v0 =	vmul.f32 v13, v0;
	v13 =	vmul.f32 v14, v24;
	v14 =	vld [tilespmem:$0x1FEC0]  }
0x4f9: {  	v52 =	vmul.f32 v1, v3;
	v3 =	vld [tilespmem:$0x1FED0]  }
0x4fa: {  	[tilespmem:s11+$0xFFFFFFF0] =	vst v4;
	v4 =	vld [tilespmem:$0x1FEE0]  }
0x4fb: {  	v15 =	vsub.f32 v42, v49;
	v42 =	vmul.f32 v1, v5;
	v5 =	vld [tilespmem:$0x1F660];
	_ =	sdelay $0x1  }
0x4fc: {  	v6 =	vmul.f32 v34, v16;
	_ =	sdelay $0x1  }
0x4fd: {  	v6 =	vmul.f32 v6, v34;
	v3 =	vadd.f32 v37, v3  }
0x4fe: {  	v14 =	vadd.f32 v36, v14;
	v5 =	vadd.f32 v5, v4;
	v36 =	vmul.f32 v1, v27;
	v27 =	vld [tilespmem:$0x1FF00]  }
0x4ff: {  	[tilespmem:s11+$0x10] =	vst v3;
	v3 =	vld [tilespmem:$0x1FEF0]  }
0x500: {  	v6 =	vsub.f32 $1.500000000e+00, v6;
	[tilespmem:s11+$0x20] =	vst v5;
	v5 =	vld [tilespmem:$0x1F670]  }
0x501: {  	v16 =	vsub.f32 v43, v49  }
0x502: {  	v18 =	vmul.f32 v54, v18;
	v6 =	vmul.f32 v6, v34  }
0x503: {  	v44 =	vmul.f32 v54, v15;
	v46 =	vmul.f32 v54, v16;
	v54 =	vld [tilespmem:$0x1FF10]  }
0x504: {  	v37 =	vmul.f32 v6, v25;
	v25 =	vld [tilespmem:$0x1FEC0];
	v3 =	vadd.f32 v38, v3  }
0x505: {  	v18 =	vmul.f32 v18, v33;
	v5 =	vadd.f32 v5, v27;
	v38 =	vmul.f32 v6, v26;
	v26 =	vld [tilespmem:$0x1FED0]  }
0x506: {  	v19 =	vmul.f32 v19, v10;
	v55 =	vmul.f32 v1, v20;
	[tilespmem:s11+$0x30] =	vst v3;
	v3 =	vld [tilespmem:$0x1F680]  }
0x507: {  	v43 =	vmul.f32 v1, v7;
	v35 =	vmul.f32 v1, v8;
	[tilespmem:s11+$0x40] =	vst v5;
	v5 =	vld [tilespmem:$0x1F690]  }
0x508: {  	s19 =	sadd.s32 $0x4, s19;
	v41 =	vmul.f32 v6, v62;
	v4 =	vmul.f32 v1, v58;
	v58 =	vld [tilespmem:$0x1FEF0];
	[tilespmem:s11+$0x0] =	vst v14;
	v14 =	vadd.f32 v40, v30  }
0x509: {  	p0 =	slt.u32 s19, $0x7C;
	v47 =	vmul.f32 v6, v28;
	v62 =	vld [tilespmem:$0x1FEE0];
	v7 =	vmul.f32 v6, v48;
	v15 =	vadd.f32 v21, v25  }
.Ltmp3:
0x50a: {  	v32 =	vmul.f32 v6, v56;
	v49 =	vmul.f32 v0, v59;
	[tilespmem:s11+$0x70] =	vst v14;
	v16 =	vadd.f32 v19, v26;
	(pc) =	sbr.rel @p0 .LBB2_8-.Ltmp3, $4  }
0x50b: {  	s17 =	smov.u32 s21;
	v48 =	vmul.f32 v0, v63;
	v1 =	vmul.f32 v1, v60;
	[tilespmem:s21+$0x80] =	vst v15;
	v3 =	vadd.f32 v3, v54  }
0x50c: {  	v40 =	vmul.f32 v0, v61;
	v8 =	vadd.f32 v5, v39;
	v5 =	vmul.f32 v6, v57;
	[tilespmem:s17+$0x90] =	vst v16  }
0x50d: {  	v33 =	vadd.f32 v13, v58;
	v19 =	vld [tilespmem:$0x1F6A0];
	[tilespmem:s11+$0x50] =	vst v3;
	v3 =	vmul.f32 v6, v17;
	v6 =	vmul.f32 v0, v53  }
0x50e: {  	s21 =	sadd.s32 $0x200, s21;
	v39 =	vadd.f32 v18, v62;
	v18 =	vld [tilespmem:$0x1F6B0];
	[tilespmem:s11+$0x60] =	vst v8;
	v8 =	vmul.f32 v0, v2;
	v2 =	vmul.f32 v0, v23  }
0x50f: {  	_ =	sdelay $0x3  }
0x510: {  	[tilespmem:s17+$0xA0] =	vst v39;
	v13 =	vadd.f32 v18, v27  }
0x511: {  	v9 =	vld [tilespmem:$0x1FE40];
	[tilespmem:s17+$0xB0] =	vst v33  }
0x512: {  	v18 =	vld [tilespmem:$0x1FE50];
	[tilespmem:s11+$0xC0] =	vst v13  }
0x513: {  	v34 =	vld [tilespmem:$0x1FF20];
	_ =	sdelay $0x3  }
0x514: {  	v15 =	vadd.f32 v19, v54;
	v14 =	vmul.f32 v52, v9  }
0x515: {  	v10 =	vld [tilespmem:$0x1FE60];
	v16 =	vmul.f32 v55, v18;
	v13 =	vadd.f32 v11, v34  }
0x516: {  	[tilespmem:s11+$0xD0] =	vst v15;
	v14 =	vadd.f32 v14, v25  }
0x517: {  	v16 =	vadd.f32 v16, v26;
	[tilespmem:s11+$0xE0] =	vst v13  }
0x518: {  	v11 =	vld [tilespmem:$0x1FE90];
	[tilespmem:s17+$0xFFFFFF00] =	vst v14  }
0x519: {  	v19 =	vld [tilespmem:$0x1FEA0];
	[tilespmem:s17+$0xFFFFFF10] =	vst v16  }
0x51a: {  	v17 =	vmul.f32 v42, v10;
	v20 =	vld [tilespmem:$0x1FEB0]  }
0x51b: {  	v15 =	vmul.f32 v43, v24  }
0x51c: {  	v14 =	vadd.f32 v17, v62  }
0x51d: {  	v15 =	vadd.f32 v15, v58;
	v13 =	vmul.f32 v35, v11  }
0x51e: {  	[tilespmem:s17+$0xFFFFFF20] =	vst v14;
	v17 =	vmul.f32 v36, v19  }
0x51f: {  	v16 =	vld [tilespmem:$0x1FE70];
	[tilespmem:s17+$0xFFFFFF30] =	vst v15;
	v15 =	vmul.f32 v41, v9;
	v4 =	vmul.f32 v4, v20;
	v13 =	vadd.f32 v13, v27  }
0x520: {  	v14 =	vadd.f32 v17, v54  }
0x521: {  	v30 =	vadd.f32 v15, v25;
	v15 =	vmul.f32 v38, v24;
	[tilespmem:s17+$0xFFFFFF40] =	vst v13;
	v4 =	vadd.f32 v4, v34  }
0x522: {  	v7 =	vmul.f32 v7, v11;
	[tilespmem:s17+$0xFFFFFF50] =	vst v14  }
0x523: {  	v35 =	vadd.f32 v15, v58;
	v5 =	vmul.f32 v5, v20;
	v17 =	vld [tilespmem:$0x1FF30];
	[tilespmem:s17+$0xFFFFFF60] =	vst v4  }
0x524: {  	v41 =	vmul.f32 v40, v18;
	v36 =	vadd.f32 v7, v27;
	[tilespmem:s17+$0xFFFFFF80] =	vst v30  }
0x525: {  	v43 =	vmul.f32 v6, v24;
	v42 =	vmul.f32 v48, v10;
	v39 =	vadd.f32 v5, v34;
	[tilespmem:s17+$0xFFFFFFB0] =	vst v35  }
0x526: {  	v48 =	vmul.f32 v0, v50;
	v13 =	vmul.f32 v47, v18;
	v47 =	vadd.f32 v41, v26;
	[tilespmem:s17+$0xFFFFFFC0] =	vst v36  }
0x527: {  	v50 =	vadd.f32 v42, v62;
	v38 =	vmul.f32 v49, v9;
	v49 =	vmul.f32 v8, v11;
	[tilespmem:s17+$0xFFFFFFE0] =	vst v39  }
0x528: {  	v52 =	vadd.f32 v43, v58;
	v2 =	vmul.f32 v2, v19;
	[tilespmem:s17+$0x10] =	vst v47  }
0x529: {  	v53 =	vmul.f32 v48, v20;
	v55 =	vadd.f32 v49, v27;
	[tilespmem:s17+$0x20] =	vst v50  }
0x52a: {  	v56 =	vmul.f32 v44, v11;
	v2 =	vadd.f32 v2, v54;
	[tilespmem:s17+$0x30] =	vst v52  }
0x52b: {  	v58 =	vmul.f32 v46, v19;
	v57 =	vadd.f32 v53, v34;
	[tilespmem:s17+$0x40] =	vst v55  }
0x52c: {  	v59 =	vmul.f32 v45, v20;
	v60 =	vadd.f32 v56, v27;
	[tilespmem:s17+$0x50] =	vst v2  }
0x52d: {  	v61 =	vadd.f32 v58, v54;
	[tilespmem:s17+$0x60] =	vst v57  }
0x52e: {  	v63 =	vadd.f32 v59, v34;
	v14 =	vmul.f32 v37, v10;
	[tilespmem:s17+$0xC0] =	vst v60  }
0x52f: {  	v31 =	vadd.f32 v13, v26;
	v13 =	vmul.f32 v32, v19;
	[tilespmem:s17+$0xD0] =	vst v61  }
0x530: {  	v51 =	vmul.f32 v0, v51;
	v1 =	vmul.f32 v1, v16;
	[tilespmem:s17+$0xE0] =	vst v63;
	v33 =	vadd.f32 v14, v62  }
0x531: {  	v3 =	vmul.f32 v3, v16;
	[tilespmem:s17+$0xFFFFFF90] =	vst v31;
	v37 =	vadd.f32 v13, v54  }
0x532: {  	v0 =	vmul.f32 v51, v16;
	[tilespmem:s17+$0xFFFFFFA0] =	vst v33;
	v1 =	vadd.f32 v1, v17  }
0x533: {  	[tilespmem:s17+$0xFFFFFFD0] =	vst v37;
	v3 =	vadd.f32 v3, v17  }
0x534: {  	s15 =	sadd.s32 $0x1, s15;
	v0 =	vadd.f32 v0, v17;
	[tilespmem:s17+$0xFFFFFF70] =	vst v1  }
0x535: {  	p0 =	sne.s32 s15, $0x64;
	v1 =	vadd.f32 v38, v25;
	[tilespmem:s17+$0xFFFFFFF0] =	vst v3  }
.Ltmp4:
0x536: {  	s28 =	sshll.u32 s16, $0xE;
	[tilespmem:s17+$0x70] =	vst v0;
	(pc) =	sbr.rel @p0 .LBB2_2-.Ltmp4, $4  }
0x537: {  	s11 =	sadd.s32 s13, s28;
	[tilespmem:s17+$0x0] =	vst v1  }
0x538: {  	s11 =	sshrl.u32 s11, $0x3;
	v10 =	vld [tilespmem:$0x1FFD0]  }
0x539: {  	s11 =	sadd.s32 s6, s11;
	v18 =	vmov v11;
	v11 =	vld [tilespmem:$0x1FFF0]  }
0x53a: {  	[hbm4b:s11+s7] =	stream.linear.scatter [tilespmem:s31], [sflag:$0xA], $0x4000, $0x38;
	v12 =	vld [tilespmem:$0x1FFE0]  }
0x53b: {  	_ =	swait.ge [sflag:s20], $0x4000  }
0x53c: {  	[sflag:s20] =	ssyncset.done $0x0  }
0x53d: {  	s12 =	simm.s32 $0xA;
	[sflag:s20] =	ssyncadd.s32 $0xFFFFC000  }
0x53e: {  	_ =	swait.ge [sflag:s12], $0x4000  }
0x53f: {  	s15 =	rddreg [dreg:$0xb]  }
0x540: {  	s11 =	rddreg [dreg:$0xa];
	s15 =	sadd.s32 $0x1, s15  }
0x541: {  	p0 =	sne.s32 s15, s11  }
.Ltmp5:
0x542: {  	_ = 	snop;
	(pc) =	sbr.rel @p0 .LBB2_1-.Ltmp5, $3  }
0x543: {  	_ =	sdelay $0x1  }
0x544: {  	[sflag:s12] =	ssyncset.done $0x0  }
0x545: {  	[sflag:s12] =	ssyncadd.s32 $0xFFFFC000  }
0x546: {  	_ =	sfence.sel $0x180000  }
0x547: {  	[bflag:$0x0] =	sbarrier.arrive $0xFFFF  }
0x548: {  	_ =	strace $0x90000047  }
0x549: {  	s0 =	stileid.u32;
	[bflag:$0x2] =	sbarrier.arrive $0xFFFF  }
0x54a: {  	p0 =	sne.s32 s0, $0x0;
	s0 =	rddreg [dreg:$0x5]  }
0x54b: {  	s0 =	sadd.s32 @!p0 $0x100000, s0  }
0x54c: {  	[sflag:s0] =	ssyncadd.tile.s32 @!p0 $0x1;
	_ =	shalt  }
.Lfunc_end2:
_tile_overlayer_lowered:
.L_overlay_start_2:
0x54d: {  	(tag) =	ssettag $0x2  }
0x54e: {  	s0 =	rddreg [dreg:$0x0];
	s2 =	stileid.u32  }
0x54f: {  	s1 =	rddreg [dreg:$0x1];
	p0 =	sne.s32 s2, $0x0  }
0x550: {  	s3 =	rddreg [dreg:$0x2];
	[bflag:$0x3] =	sbarrier.arrive $0xFFFF;
	s2 =	simm.s32 @!p0 $0x1C0B  }
0x551: {  	[timem:s3], [sflag:s2] =	dma.local @!p0 [hbm:s0], s1  }
0x552: {  	s0 =	simm.s32 @!p0 $0xB  }
0x553: {  	_ =	swait.ge @!p0 [sflag:s0], s1  }
0x554: {  	s1 =	ssub.s32 @!p0 $0x0, s1;
	[sflag:s0] =	ssyncset.done @!p0 $0x0  }
0x555: {  	[sflag:s0] =	ssyncadd.s32 @!p0 s1  }
0x556: {  	[bflag:$0x3] =	sbarrier.arrive $0xFFFF  }
0x557: {  	_ =	shalt  }

</sc_bundles>
